<compile_context>
chip_gen: v7x
topology: tpu7x:2x2x1
jax: 0.10.2.dev20260603
libtpu: 0.0.44.dev20260713+nightly
codegen_flags: <defaults>
</compile_context>

<pallas_src>
import functools

import jax
import jax.numpy as jnp
from jax import lax
from jax.experimental import pallas as pl
from jax.experimental.pallas import tpu as pltpu
from jax.experimental.pallas import tpu_sc as plsc

_N = 10000
_E = 320000
_D = 128
_H = 128
_C = 41

_NC = 2
_NS = 16
_B = 64
_NP = 10240
_EP = 327680
_ROWS = _EP // _B
_RPW = _ROWS // (_NC * _NS)
_NPT = _NP // _NS
_ZCH = 64
_NP8 = _NP // 8


def _sc_aggregate(with_deg, y, src_r, dst_r):
    mesh = plsc.VectorSubcoreMesh(core_axis_name="c", subcore_axis_name="s")
    f32 = jnp.float32
    i32 = jnp.int32
    out_type = [jax.ShapeDtypeStruct((_NC * _NP, _D), f32)]
    scratch = [
        pltpu.VMEM_SHARED((_NP, _D), f32),
        pltpu.VMEM((_B,), i32),
        pltpu.VMEM((_B,), i32),
        pltpu.VMEM((_B,), i32),
        pltpu.VMEM((_B,), i32),
        pltpu.VMEM((_B,), i32),
        pltpu.VMEM((_B,), i32),
        pltpu.VMEM((_B, _D), f32),
        pltpu.VMEM((_B, _D), f32),
        pltpu.SemaphoreType.DMA,
        pltpu.SemaphoreType.DMA,
    ]
    if with_deg:
        out_type.append(jax.ShapeDtypeStruct((_NC * _NP8, _D), f32))
        scratch += [
            pltpu.VMEM_SHARED((_NP8, _D), f32),
            pltpu.VMEM_SHARED((_NS * 8, _D), f32),
            pltpu.VMEM((16, _D), f32),
            pltpu.VMEM((_B,), i32),
            pltpu.VMEM((_B,), i32),
            pltpu.VMEM((16,), i32),
            pltpu.VMEM((16,), i32),
        ]

    @functools.partial(pl.kernel, out_type=tuple(out_type), mesh=mesh,
                       scratch_types=tuple(scratch))
    def agg(*refs):
        if with_deg:
            (y_hbm, src_hbm, dst_hbm, out_sum, out_deg,
             acc, src1_v, dst1_v, src2_v, dst2_v, ridx_v, oidx_v,
             rows_v, rows2_v, sem, sem2,
             dacc8, pat_sp, pat_tile_v, midx_v, d8idx_v, zidx_v,
             oidx16_v) = refs
        else:
            (y_hbm, src_hbm, dst_hbm, out_sum,
             acc, src1_v, dst1_v, src2_v, dst2_v, ridx_v, oidx_v,
             rows_v, rows2_v, sem, sem2) = refs

        c = lax.axis_index("c")
        s = lax.axis_index("s")
        wid = c * _NS + s
        lane = jax.lax.iota(i32, 16)

        def fill(r, _):
            for cc in range(_D // 16):
                rows_v[r, pl.ds(cc * 16, 16)] = jnp.zeros((16,), f32)
            return 0
        lax.fori_loop(0, _B, fill, 0)
        if with_deg:
            for r in range(16):
                for q in range(8):
                    v = (jnp.ones((16,), f32) if q == r % 8
                         else jnp.zeros((16,), f32))
                    pat_tile_v[r, pl.ds(q * 16, 16)] = v
            zidx_v[...] = s * 8 + jnp.bitwise_and(lane, 7)
            pltpu.sync_copy(pat_tile_v, pat_sp.at[zidx_v])

        def zbody(k, _):
            base = s * _NPT + k * _B
            for q in range(_B // 16):
                ridx_v[pl.ds(q * 16, 16)] = base + q * 16 + lane
            pltpu.sync_copy(rows_v, acc.at[ridx_v])
            return 0
        lax.fori_loop(0, _NPT // _B, zbody, 0)
        if with_deg:
            def z8body(k, _):
                zidx_v[...] = s * (_NP8 // _NS) + k * 16 + lane
                pltpu.sync_copy(rows_v.at[pl.ds(0, 16)], dacc8.at[zidx_v])
                return 0
            lax.fori_loop(0, _NP8 // _NS // 16, z8body, 0)
        plsc.subcore_barrier()

        def body(j, _):
            base = (wid * _RPW + 2 * j) * _B
            pltpu.sync_copy(src_hbm.at[pl.ds(base, _B)], src1_v)
            pltpu.sync_copy(dst_hbm.at[pl.ds(base, _B)], dst1_v)
            cpa = pltpu.async_copy(y_hbm.at[src1_v], rows_v, sem)
            pltpu.sync_copy(src_hbm.at[pl.ds(base + _B, _B)], src2_v)
            pltpu.sync_copy(dst_hbm.at[pl.ds(base + _B, _B)], dst2_v)
            cpb = pltpu.async_copy(y_hbm.at[src2_v], rows2_v, sem2)
            cpa.wait()
            pltpu.sync_copy(rows_v, acc.at[dst1_v], add=True)
            if with_deg:
                for q in range(_B // 16):
                    d = dst1_v[pl.ds(q * 16, 16)]
                    d8idx_v[pl.ds(q * 16, 16)] = (
                        lax.shift_right_logical(d, 3))
                    midx_v[pl.ds(q * 16, 16)] = (
                        jnp.bitwise_and(d, 7) + s * 8)
                pltpu.async_copy(pat_sp.at[midx_v], rows_v, sem).wait()
                pltpu.sync_copy(rows_v, dacc8.at[d8idx_v], add=True)
            cpb.wait()
            pltpu.sync_copy(rows2_v, acc.at[dst2_v], add=True)
            if with_deg:
                for q in range(_B // 16):
                    d = dst2_v[pl.ds(q * 16, 16)]
                    d8idx_v[pl.ds(q * 16, 16)] = (
                        lax.shift_right_logical(d, 3))
                    midx_v[pl.ds(q * 16, 16)] = (
                        jnp.bitwise_and(d, 7) + s * 8)
                pltpu.async_copy(pat_sp.at[midx_v], rows2_v, sem2).wait()
                pltpu.sync_copy(rows2_v, dacc8.at[d8idx_v], add=True)
            return 0
        lax.fori_loop(0, _RPW // 2, body, 0)

        plsc.subcore_barrier()

        def obody(k, _):
            base = s * _NPT + k * _B
            for q in range(_B // 16):
                idx = base + q * 16 + lane
                ridx_v[pl.ds(q * 16, 16)] = idx
                oidx_v[pl.ds(q * 16, 16)] = c * _NP + idx
            pltpu.async_copy(acc.at[ridx_v], rows_v, sem).wait()
            pltpu.sync_copy(rows_v, out_sum.at[oidx_v])
            return 0
        lax.fori_loop(0, _NPT // _B, obody, 0)
        if with_deg:
            def d8body(k, _):
                idx = s * (_NP8 // _NS) + k * 16 + lane
                zidx_v[...] = idx
                oidx16_v[...] = c * _NP8 + idx
                pltpu.async_copy(dacc8.at[zidx_v],
                                 rows_v.at[pl.ds(0, 16)], sem).wait()
                pltpu.sync_copy(rows_v.at[pl.ds(0, 16)],
                                out_deg.at[oidx16_v])
                return 0
            lax.fori_loop(0, _NP8 // _NS // 16, d8body, 0)

    return agg(y, src_r, dst_r)


_BLK = 1000


def _tc_a_body(x_ref, w0s_ref, b0s_ref, w0n_ref, hs_ref, y0_ref):
    x = x_ref[...]
    hs_ref[...] = jnp.maximum(
        jnp.dot(x, w0s_ref[...], preferred_element_type=jnp.float32)
        + b0s_ref[...], 0.0)
    y0_ref[...] = jnp.dot(x, w0n_ref[...], preferred_element_type=jnp.float32)


def _tc_b_body(hs_ref, p0_ref, p1_ref, d0_ref, d1_ref, b0n_ref,
               w1s_ref, b1s_ref, w1n_ref, z1s_ref, y1_ref):
    deg = jnp.maximum(d0_ref[:, 0:1] + d1_ref[:, 0:1], 1.0)
    hn = jnp.maximum((p0_ref[...] + p1_ref[...]) / deg + b0n_ref[...], 0.0)
    h0 = jnp.concatenate([hs_ref[...], hn], axis=1)
    z1s_ref[...] = jnp.maximum(
        jnp.dot(h0, w1s_ref[...], preferred_element_type=jnp.float32)
        + b1s_ref[...], 0.0)
    y1_ref[...] = jnp.dot(h0, w1n_ref[...], preferred_element_type=jnp.float32)


def _tc_c_body(z1s_ref, q0_ref, q1_ref, d0_ref, d1_ref, b1n_ref,
               wc_ref, bc_ref, out_ref):
    deg = jnp.maximum(d0_ref[:, 0:1] + d1_ref[:, 0:1], 1.0)
    hn = jnp.maximum((q0_ref[...] + q1_ref[...]) / deg + b1n_ref[...], 0.0)
    h1 = jnp.concatenate([z1s_ref[...], hn], axis=1)
    norm = jnp.maximum(
        jnp.sqrt(jnp.sum(h1 * h1, axis=1, keepdims=True)), 1e-12)
    out_ref[...] = (jnp.dot(h1 / norm, wc_ref[...],
                            preferred_element_type=jnp.float32)
                    + bc_ref[...])


def _row_spec(cols):
    return pl.BlockSpec((_BLK, cols), lambda i: (i, 0))


def _full_spec(rows, cols):
    return pl.BlockSpec((rows, cols), lambda i: (0, 0))


def kernel(x, edge_index, W0_self, W0_neigh, b0_self, b0_neigh,
           W1_self, W1_neigh, b1_self, b1_neigh, Wc, bc):
    f32 = jnp.float32
    grid = (_N // _BLK,)
    pad = _EP - _E
    src_p = jnp.concatenate([edge_index[0], jnp.zeros((pad,), jnp.int32)])
    dst_p = jnp.concatenate([edge_index[1], jnp.full((pad,), _N, jnp.int32)])
    src_r = src_p
    dst_r = dst_p
    b0s = b0_self.reshape(1, _H)
    b0n = b0_neigh.reshape(1, _H)
    b1s = b1_self.reshape(1, _H)
    b1n = b1_neigh.reshape(1, _H)
    bcr = bc.reshape(1, _C)

    hs0, y0 = pl.pallas_call(
        _tc_a_body,
        grid=grid,
        in_specs=[_row_spec(_D), _full_spec(_D, _H), _full_spec(1, _H),
                  _full_spec(_D, _H)],
        out_specs=[_row_spec(_H), _row_spec(_H)],
        out_shape=[jax.ShapeDtypeStruct((_N, _H), f32),
                   jax.ShapeDtypeStruct((_N, _H), f32)],
    )(x, W0_self, b0s, W0_neigh)

    p, dp = _sc_aggregate(True, y0, src_r, dst_r)
    p = p.reshape(_NC, _NP, _D)
    dp = dp.reshape(_NC, _NP, 16)

    z1s, y1 = pl.pallas_call(
        _tc_b_body,
        grid=grid,
        in_specs=[_row_spec(_H), _row_spec(_H), _row_spec(_H),
                  _row_spec(16), _row_spec(16), _full_spec(1, _H),
                  _full_spec(2 * _H, _H), _full_spec(1, _H),
                  _full_spec(2 * _H, _H)],
        out_specs=[_row_spec(_H), _row_spec(_H)],
        out_shape=[jax.ShapeDtypeStruct((_N, _H), f32),
                   jax.ShapeDtypeStruct((_N, _H), f32)],
    )(hs0, p[0], p[1], dp[0], dp[1], b0n, W1_self, b1s, W1_neigh)

    (q,) = _sc_aggregate(False, y1, src_r, dst_r)
    q = q.reshape(_NC, _NP, _D)

    logits = pl.pallas_call(
        _tc_c_body,
        grid=grid,
        in_specs=[_row_spec(_H), _row_spec(_H), _row_spec(_H),
                  _row_spec(16), _row_spec(16), _full_spec(1, _H),
                  _full_spec(2 * _H, _C), _full_spec(1, _C)],
        out_specs=[_row_spec(_C)],
        out_shape=[jax.ShapeDtypeStruct((_N, _C), f32)],
    )(z1s, q[0], q[1], dp[0], dp[1], b1n, Wc, bcr)[0]

    return logits

# --- scband reference (transcript-rebuilt; emitter-appended) ---
"""Pipeline reference for scband-graph-saint-35742717837630 (READ-ONLY COPY).

The authoritative reference and input builder live on the scoring server;
editing this copy changes nothing except your own understanding.
"""

import jax, jax.numpy as jnp
import numpy as np

N = 10000
E = 320000
D = 128
H = 128
C = 41


def setup_inputs(seed: int = 0) -> dict:
    key = jax.random.key(seed)
    ks = jax.random.split(key, 12)
    x = jax.random.normal(ks[0], (N, D), dtype=jnp.float32)
    edge_index = jax.random.randint(ks[1], (2, E), 0, N, dtype=jnp.int32)
    s0 = 1.0 / np.sqrt(D)
    s1 = 1.0 / np.sqrt(2 * H)
    W0_self = jax.random.normal(ks[2], (D, H), dtype=jnp.float32) * s0
    W0_neigh = jax.random.normal(ks[3], (D, H), dtype=jnp.float32) * s0
    b0_self = jnp.zeros((H,), dtype=jnp.float32)
    b0_neigh = jnp.zeros((H,), dtype=jnp.float32)
    W1_self = jax.random.normal(ks[4], (2 * H, H), dtype=jnp.float32) * s1
    W1_neigh = jax.random.normal(ks[5], (2 * H, H), dtype=jnp.float32) * s1
    b1_self = jnp.zeros((H,), dtype=jnp.float32)
    b1_neigh = jnp.zeros((H,), dtype=jnp.float32)
    Wc = jax.random.normal(ks[6], (2 * H, C), dtype=jnp.float32) * s1
    bc = jnp.zeros((C,), dtype=jnp.float32)
    return {"x": x, "edge_index": edge_index,
            "W0_self": W0_self, "W0_neigh": W0_neigh, "b0_self": b0_self, "b0_neigh": b0_neigh,
            "W1_self": W1_self, "W1_neigh": W1_neigh, "b1_self": b1_self, "b1_neigh": b1_neigh,
            "Wc": Wc, "bc": bc}


def _mean_aggregate(x, src, dst):
    msgs = jnp.take(x, src, axis=0)
    agg = jax.ops.segment_sum(msgs, dst, num_segments=N)
    deg = jax.ops.segment_sum(jnp.ones((src.shape[0],), dtype=x.dtype), dst, num_segments=N)
    return agg / jnp.maximum(deg, 1.0)[:, None]


def _ho_layer(x, src, dst, Ws, Wn, bs, bn):
    # GraphSAINT HighOrderAggregator, order=1, act=relu, aggr=concat
    h_self = jax.nn.relu(x @ Ws + bs)
    h_neigh = jax.nn.relu(_mean_aggregate(x, src, dst) @ Wn + bn)
    return jnp.concatenate([h_self, h_neigh], axis=1)


def reference(x, edge_index, W0_self, W0_neigh, b0_self, b0_neigh,
              W1_self, W1_neigh, b1_self, b1_neigh, Wc, bc):
    src = edge_index[0]
    dst = edge_index[1]
    h = _ho_layer(x, src, dst, W0_self, W0_neigh, b0_self, b0_neigh)
    h = _ho_layer(h, src, dst, W1_self, W1_neigh, b1_self, b1_neigh)
    # GraphSAINT applies F.normalize(emb, p=2, dim=1) before the classifier
    h = h / jnp.maximum(jnp.linalg.norm(h, axis=1, keepdims=True), 1e-12)
    logits = h @ Wc + bc
    return logits

if __name__ == "__main__":
    import jax
    _d = setup_inputs()
    print(jax.jit(kernel)(*tuple(_d.values())))

</pallas_src>

<mosaic_0001>
#map = affine_map<(d0, d1) -> (0, 0)>
#map1 = affine_map<(d0, d1) -> (0)>
module attributes {stable_mosaic.version = 14 : i64} {
  func.func @agg(%arg0: i32, %arg1: i32, %arg2: memref<10000x128xf32, #tpu.memory_space<hbm>>, %arg3: memref<327680xi32, #tpu.memory_space<hbm>>, %arg4: memref<327680xi32, #tpu.memory_space<hbm>>, %arg5: memref<20480x128xf32, #tpu.memory_space<hbm>>, %arg6: memref<10240x128xf32, #tpu.memory_space<vmem_shared>>, %arg7: memref<64xi32, #tpu.memory_space<vmem>>, %arg8: memref<64xi32, #tpu.memory_space<vmem>>, %arg9: memref<64xi32, #tpu.memory_space<vmem>>, %arg10: memref<64xi32, #tpu.memory_space<vmem>>, %arg11: memref<64xi32, #tpu.memory_space<vmem>>, %arg12: memref<64xi32, #tpu.memory_space<vmem>>, %arg13: memref<64x128xf32, #tpu.memory_space<vmem>>, %arg14: memref<64x128xf32, #tpu.memory_space<vmem>>, %arg15: memref<!tpu.dma_semaphore, #tpu.memory_space<semaphore_mem>>, %arg16: memref<!tpu.dma_semaphore, #tpu.memory_space<semaphore_mem>>) attributes {dimension_semantics = [#tpu.dimension_semantics<core_parallel>, #tpu.dimension_semantics<subcore_parallel>], iteration_bounds = array<i64: 2, 16>, scalar_prefetch = 0 : i64, scratch_operands = 11 : i64, tpu.core_type = #tpu.core_type<sc_vector_subcore>, window_params = [{transform_indices = #map}, {transform_indices = #map1}, {transform_indices = #map1}, {transform_indices = #map}]} {
    %mul3A = arith.constant 16 : i32
    %mul3A_0 = arith.muli %arg0, %mul3A : i32
    %add3A = arith.addi %mul3A_0, %arg1 : i32
    %iota3A = tpu.iota {dimensions = array<i32: 0>} : vector<16xi32>
    %scan3A = arith.constant 0 : i32
    %scan3A_1 = arith.constant 0 : i32
    %scan3A_2 = arith.constant 64 : i32
    %scan3A_3 = arith.addi %scan3A_1, %scan3A_2 : i32
    %scan3A_4 = arith.constant 1 : i32
    %scan3A_5 = scf.for %scan3A_29 = %scan3A_1 to %scan3A_3 step %scan3A_4 iter_args(%scan3A_30 = %scan3A) -> (i32)  : i32 {
      %broadcast_in_dim3A = arith.constant 0.000000e+00 : f32
      %broadcast_in_dim3A_31 = vector.broadcast %broadcast_in_dim3A : f32 to vector<16xf32>
      %swap3A = arith.index_cast %scan3A_29 : i32 to index
      %swap3A_32 = arith.constant 0 : index
      %swap3A_33 = tpu.vector_load %arg13[%swap3A, %swap3A_32] {strides = array<i32>} : memref<64x128xf32, #tpu.memory_space<vmem>>, vector<1x16xf32>,
      %swap3A_34 = vector.shape_cast %swap3A_33 : vector<1x16xf32> to vector<16xf32>
      %swap3A_35 = vector.shape_cast %broadcast_in_dim3A_31 : vector<16xf32> to vector<1x16xf32>
      tpu.vector_store %arg13[%swap3A, %swap3A_32], %swap3A_35 {strides = array<i32>} : memref<64x128xf32, #tpu.memory_space<vmem>>, vector<1x16xf32>,
      %broadcast_in_dim3A_36 = arith.constant 0.000000e+00 : f32
      %broadcast_in_dim3A_37 = vector.broadcast %broadcast_in_dim3A_36 : f32 to vector<16xf32>
      %swap3A_38 = arith.index_cast %scan3A_29 : i32 to index
      %swap3A_39 = arith.constant 16 : index
      %swap3A_40 = tpu.vector_load %arg13[%swap3A_38, %swap3A_39] {strides = array<i32>} : memref<64x128xf32, #tpu.memory_space<vmem>>, vector<1x16xf32>,
      %swap3A_41 = vector.shape_cast %swap3A_40 : vector<1x16xf32> to vector<16xf32>
      %swap3A_42 = vector.shape_cast %broadcast_in_dim3A_37 : vector<16xf32> to vector<1x16xf32>
      tpu.vector_store %arg13[%swap3A_38, %swap3A_39], %swap3A_42 {strides = array<i32>} : memref<64x128xf32, #tpu.memory_space<vmem>>, vector<1x16xf32>,
      %broadcast_in_dim3A_43 = arith.constant 0.000000e+00 : f32
      %broadcast_in_dim3A_44 = vector.broadcast %broadcast_in_dim3A_43 : f32 to vector<16xf32>
      %swap3A_45 = arith.index_cast %scan3A_29 : i32 to index
      %swap3A_46 = arith.constant 32 : index
      %swap3A_47 = tpu.vector_load %arg13[%swap3A_45, %swap3A_46] {strides = array<i32>} : memref<64x128xf32, #tpu.memory_space<vmem>>, vector<1x16xf32>,
      %swap3A_48 = vector.shape_cast %swap3A_47 : vector<1x16xf32> to vector<16xf32>
      %swap3A_49 = vector.shape_cast %broadcast_in_dim3A_44 : vector<16xf32> to vector<1x16xf32>
      tpu.vector_store %arg13[%swap3A_45, %swap3A_46], %swap3A_49 {strides = array<i32>} : memref<64x128xf32, #tpu.memory_space<vmem>>, vector<1x16xf32>,
      %broadcast_in_dim3A_50 = arith.constant 0.000000e+00 : f32
      %broadcast_in_dim3A_51 = vector.broadcast %broadcast_in_dim3A_50 : f32 to vector<16xf32>
      %swap3A_52 = arith.index_cast %scan3A_29 : i32 to index
      %swap3A_53 = arith.constant 48 : index
      %swap3A_54 = tpu.vector_load %arg13[%swap3A_52, %swap3A_53] {strides = array<i32>} : memref<64x128xf32, #tpu.memory_space<vmem>>, vector<1x16xf32>,
      %swap3A_55 = vector.shape_cast %swap3A_54 : vector<1x16xf32> to vector<16xf32>
      %swap3A_56 = vector.shape_cast %broadcast_in_dim3A_51 : vector<16xf32> to vector<1x16xf32>
      tpu.vector_store %arg13[%swap3A_52, %swap3A_53], %swap3A_56 {strides = array<i32>} : memref<64x128xf32, #tpu.memory_space<vmem>>, vector<1x16xf32>,
      %broadcast_in_dim3A_57 = arith.constant 0.000000e+00 : f32
      %broadcast_in_dim3A_58 = vector.broadcast %broadcast_in_dim3A_57 : f32 to vector<16xf32>
      %swap3A_59 = arith.index_cast %scan3A_29 : i32 to index
      %swap3A_60 = arith.constant 64 : index
      %swap3A_61 = tpu.vector_load %arg13[%swap3A_59, %swap3A_60] {strides = array<i32>} : memref<64x128xf32, #tpu.memory_space<vmem>>, vector<1x16xf32>,
      %swap3A_62 = vector.shape_cast %swap3A_61 : vector<1x16xf32> to vector<16xf32>
      %swap3A_63 = vector.shape_cast %broadcast_in_dim3A_58 : vector<16xf32> to vector<1x16xf32>
      tpu.vector_store %arg13[%swap3A_59, %swap3A_60], %swap3A_63 {strides = array<i32>} : memref<64x128xf32, #tpu.memory_space<vmem>>, vector<1x16xf32>,
      %broadcast_in_dim3A_64 = arith.constant 0.000000e+00 : f32
      %broadcast_in_dim3A_65 = vector.broadcast %broadcast_in_dim3A_64 : f32 to vector<16xf32>
      %swap3A_66 = arith.index_cast %scan3A_29 : i32 to index
      %swap3A_67 = arith.constant 80 : index
      %swap3A_68 = tpu.vector_load %arg13[%swap3A_66, %swap3A_67] {strides = array<i32>} : memref<64x128xf32, #tpu.memory_space<vmem>>, vector<1x16xf32>,
      %swap3A_69 = vector.shape_cast %swap3A_68 : vector<1x16xf32> to vector<16xf32>
      %swap3A_70 = vector.shape_cast %broadcast_in_dim3A_65 : vector<16xf32> to vector<1x16xf32>
      tpu.vector_store %arg13[%swap3A_66, %swap3A_67], %swap3A_70 {strides = array<i32>} : memref<64x128xf32, #tpu.memory_space<vmem>>, vector<1x16xf32>,
      %broadcast_in_dim3A_71 = arith.constant 0.000000e+00 : f32
      %broadcast_in_dim3A_72 = vector.broadcast %broadcast_in_dim3A_71 : f32 to vector<16xf32>
      %swap3A_73 = arith.index_cast %scan3A_29 : i32 to index
      %swap3A_74 = arith.constant 96 : index
      %swap3A_75 = tpu.vector_load %arg13[%swap3A_73, %swap3A_74] {strides = array<i32>} : memref<64x128xf32, #tpu.memory_space<vmem>>, vector<1x16xf32>,
      %swap3A_76 = vector.shape_cast %swap3A_75 : vector<1x16xf32> to vector<16xf32>
      %swap3A_77 = vector.shape_cast %broadcast_in_dim3A_72 : vector<16xf32> to vector<1x16xf32>
      tpu.vector_store %arg13[%swap3A_73, %swap3A_74], %swap3A_77 {strides = array<i32>} : memref<64x128xf32, #tpu.memory_space<vmem>>, vector<1x16xf32>,
      %broadcast_in_dim3A_78 = arith.constant 0.000000e+00 : f32
      %broadcast_in_dim3A_79 = vector.broadcast %broadcast_in_dim3A_78 : f32 to vector<16xf32>
      %swap3A_80 = arith.index_cast %scan3A_29 : i32 to index
      %swap3A_81 = arith.constant 112 : index
      %swap3A_82 = tpu.vector_load %arg13[%swap3A_80, %swap3A_81] {strides = array<i32>} : memref<64x128xf32, #tpu.memory_space<vmem>>, vector<1x16xf32>,
      %swap3A_83 = vector.shape_cast %swap3A_82 : vector<1x16xf32> to vector<16xf32>
      %swap3A_84 = vector.shape_cast %broadcast_in_dim3A_79 : vector<16xf32> to vector<1x16xf32>
      tpu.vector_store %arg13[%swap3A_80, %swap3A_81], %swap3A_84 {strides = array<i32>} : memref<64x128xf32, #tpu.memory_space<vmem>>, vector<1x16xf32>,
      %scan3A_85 = arith.constant 0 : i32
      scf.yield %scan3A_85 : i32
    }
    %scan3A_6 = arith.constant 64 : i32
    %scan3A_7 = arith.constant 0 : i32
    %scan3A_8 = arith.constant 0 : i32
    %scan3A_9 = arith.constant 10 : i32
    %scan3A_10 = arith.addi %scan3A_8, %scan3A_9 : i32
    %scan3A_11 = arith.constant 1 : i32
    %scan3A_12 = scf.for %scan3A_29 = %scan3A_8 to %scan3A_10 step %scan3A_11 iter_args(%scan3A_30 = %scan3A_7) -> (i32)  : i32 {
      %mul3A_31 = arith.constant 640 : i32
      %mul3A_32 = arith.muli %arg1, %mul3A_31 : i32
      %mul3A_33 = arith.constant 64 : i32
      %mul3A_34 = arith.muli %scan3A_29, %mul3A_33 : i32
      %add3A_35 = arith.addi %mul3A_32, %mul3A_34 : i32
      %add3A_36 = arith.constant 0 : i32
      %add3A_37 = arith.addi %add3A_35, %add3A_36 : i32
      %add3A_38 = vector.broadcast %add3A_37 : i32 to vector<16xi32>
      %add3A_39 = arith.addi %add3A_38, %iota3A : vector<16xi32>
      %swap3A = arith.constant 0 : index
      %swap3A_40 = tpu.vector_load %arg11[%swap3A] {strides = array<i32>} : memref<64xi32, #tpu.memory_space<vmem>>, vector<16xi32>,
      %swap3A_41 = vector.shape_cast %swap3A_40 : vector<16xi32> to vector<16xi32>
      %swap3A_42 = vector.shape_cast %add3A_39 : vector<16xi32> to vector<16xi32>
      tpu.vector_store %arg11[%swap3A], %swap3A_42 {strides = array<i32>} : memref<64xi32, #tpu.memory_space<vmem>>, vector<16xi32>,
      %add3A_43 = arith.constant 16 : i32
      %add3A_44 = arith.addi %add3A_35, %add3A_43 : i32
      %add3A_45 = vector.broadcast %add3A_44 : i32 to vector<16xi32>
      %add3A_46 = arith.addi %add3A_45, %iota3A : vector<16xi32>
      %swap3A_47 = arith.constant 16 : index
      %swap3A_48 = tpu.vector_load %arg11[%swap3A_47] {strides = array<i32>} : memref<64xi32, #tpu.memory_space<vmem>>, vector<16xi32>,
      %swap3A_49 = vector.shape_cast %swap3A_48 : vector<16xi32> to vector<16xi32>
      %swap3A_50 = vector.shape_cast %add3A_46 : vector<16xi32> to vector<16xi32>
      tpu.vector_store %arg11[%swap3A_47], %swap3A_50 {strides = array<i32>} : memref<64xi32, #tpu.memory_space<vmem>>, vector<16xi32>,
      %add3A_51 = arith.constant 32 : i32
      %add3A_52 = arith.addi %add3A_35, %add3A_51 : i32
      %add3A_53 = vector.broadcast %add3A_52 : i32 to vector<16xi32>
      %add3A_54 = arith.addi %add3A_53, %iota3A : vector<16xi32>
      %swap3A_55 = arith.constant 32 : index
      %swap3A_56 = tpu.vector_load %arg11[%swap3A_55] {strides = array<i32>} : memref<64xi32, #tpu.memory_space<vmem>>, vector<16xi32>,
      %swap3A_57 = vector.shape_cast %swap3A_56 : vector<16xi32> to vector<16xi32>
      %swap3A_58 = vector.shape_cast %add3A_54 : vector<16xi32> to vector<16xi32>
      tpu.vector_store %arg11[%swap3A_55], %swap3A_58 {strides = array<i32>} : memref<64xi32, #tpu.memory_space<vmem>>, vector<16xi32>,
      %add3A_59 = arith.constant 48 : i32
      %add3A_60 = arith.addi %add3A_35, %add3A_59 : i32
      %add3A_61 = vector.broadcast %add3A_60 : i32 to vector<16xi32>
      %add3A_62 = arith.addi %add3A_61, %iota3A : vector<16xi32>
      %swap3A_63 = arith.constant 48 : index
      %swap3A_64 = tpu.vector_load %arg11[%swap3A_63] {strides = array<i32>} : memref<64xi32, #tpu.memory_space<vmem>>, vector<16xi32>,
      %swap3A_65 = vector.shape_cast %swap3A_64 : vector<16xi32> to vector<16xi32>
      %swap3A_66 = vector.shape_cast %add3A_62 : vector<16xi32> to vector<16xi32>
      tpu.vector_store %arg11[%swap3A_63], %swap3A_66 {strides = array<i32>} : memref<64xi32, #tpu.memory_space<vmem>>, vector<16xi32>,
      "tpu.region"() ({
        %run_scoped3A = tpu.sem_alloc : memref<!tpu.dma_semaphore, #tpu.memory_space<semaphore_mem>>
        %dma_start3A = arith.constant 0 : i32
        %dma_start3A_68 = arith.constant 0 : i32
        %dma_start3A_69 = tpu.memref_slice %arg6[%dma_start3A, %dma_start3A_68] : memref<10240x128xf32, #tpu.memory_space<vmem_shared>> -> memref<10240x128xf32, #tpu.memory_space<vmem_shared>>
        tpu.enqueue_indirect_dma source(%arg13 : memref<64x128xf32, #tpu.memory_space<vmem>>) target(%dma_start3A_69 : memref<10240x128xf32, #tpu.memory_space<vmem_shared>>) offsets(%arg11 : memref<64xi32, #tpu.memory_space<vmem>>) semaphore(%run_scoped3A : memref<!tpu.dma_semaphore, #tpu.memory_space<semaphore_mem>>)
        %dma_wait3A = arith.constant 0 : i32
        %dma_wait3A_70 = arith.constant 0 : i32
        %dma_wait3A_71 = tpu.memref_slice %arg6[%dma_wait3A, %dma_wait3A_70] : memref<10240x128xf32, #tpu.memory_space<vmem_shared>> -> memref<10240x128xf32, #tpu.memory_space<vmem_shared>>
        tpu.wait_indirect_dma semaphore(%run_scoped3A : memref<!tpu.dma_semaphore, #tpu.memory_space<semaphore_mem>>) src(%arg13 : memref<64x128xf32, #tpu.memory_space<vmem>>) dst(%dma_wait3A_71 : memref<10240x128xf32, #tpu.memory_space<vmem_shared>>)
        tpu.yield
      }) : () -> ()
      %scan3A_67 = arith.constant 0 : i32
      scf.yield %scan3A_67 : i32
    }
    %scan3A_13 = arith.constant 10 : i32
    %barrier3A = arith.constant 0 : index
    tpu.barrier barrier_id(%barrier3A)
    %scan3A_14 = arith.constant 0 : i32
    %scan3A_15 = arith.constant 0 : i32
    %scan3A_16 = arith.constant 80 : i32
    %scan3A_17 = arith.addi %scan3A_15, %scan3A_16 : i32
    %scan3A_18 = arith.constant 1 : i32
    %scan3A_19 = scf.for %scan3A_29 = %scan3A_15 to %scan3A_17 step %scan3A_18 iter_args(%scan3A_30 = %scan3A_14) -> (i32)  : i32 {
      %mul3A_31 = arith.constant 160 : i32
      %mul3A_32 = arith.muli %add3A, %mul3A_31 : i32
      %mul3A_33 = arith.constant 2 : i32
      %mul3A_34 = arith.muli %mul3A_33, %scan3A_29 : i32
      %add3A_35 = arith.addi %mul3A_32, %mul3A_34 : i32
      %mul3A_36 = arith.constant 64 : i32
      %mul3A_37 = arith.muli %add3A_35, %mul3A_36 : i32
      "tpu.region"() ({
        %run_scoped3A = tpu.sem_alloc : memref<!tpu.dma_semaphore, #tpu.memory_space<semaphore_mem>>
        %dma_start3A_53 = tpu.memref_slice %arg3[%mul3A_37] : memref<327680xi32, #tpu.memory_space<hbm>> -> memref<64xi32, #tpu.memory_space<hbm>>
        %dma_start3A_54 = tpu.memref_slice %arg3[%mul3A_37] : memref<327680xi32, #tpu.memory_space<hbm>> -> memref<64xi32, #tpu.memory_space<hbm>>
        tpu.enqueue_dma source(%dma_start3A_54 : memref<64xi32, #tpu.memory_space<hbm>>) target(%arg7 : memref<64xi32, #tpu.memory_space<vmem>>) target_semaphore(%run_scoped3A : memref<!tpu.dma_semaphore, #tpu.memory_space<semaphore_mem>>)
        %dma_wait3A_55 = tpu.memref_slice %arg3[%mul3A_37] : memref<327680xi32, #tpu.memory_space<hbm>> -> memref<64xi32, #tpu.memory_space<hbm>>
        %dma_wait3A_56 = tpu.memref_slice %arg3[%mul3A_37] : memref<327680xi32, #tpu.memory_space<hbm>> -> memref<64xi32, #tpu.memory_space<hbm>>
        tpu.wait_dma2 semaphore(%run_scoped3A : memref<!tpu.dma_semaphore, #tpu.memory_space<semaphore_mem>>) src(%dma_wait3A_56 : memref<64xi32, #tpu.memory_space<hbm>>) dst(%arg7 : memref<64xi32, #tpu.memory_space<vmem>>)
        tpu.yield
      }) : () -> ()
      "tpu.region"() ({
        %run_scoped3A = tpu.sem_alloc : memref<!tpu.dma_semaphore, #tpu.memory_space<semaphore_mem>>
        %dma_start3A_53 = tpu.memref_slice %arg4[%mul3A_37] : memref<327680xi32, #tpu.memory_space<hbm>> -> memref<64xi32, #tpu.memory_space<hbm>>
        %dma_start3A_54 = tpu.memref_slice %arg4[%mul3A_37] : memref<327680xi32, #tpu.memory_space<hbm>> -> memref<64xi32, #tpu.memory_space<hbm>>
        tpu.enqueue_dma source(%dma_start3A_54 : memref<64xi32, #tpu.memory_space<hbm>>) target(%arg8 : memref<64xi32, #tpu.memory_space<vmem>>) target_semaphore(%run_scoped3A : memref<!tpu.dma_semaphore, #tpu.memory_space<semaphore_mem>>)
        %dma_wait3A_55 = tpu.memref_slice %arg4[%mul3A_37] : memref<327680xi32, #tpu.memory_space<hbm>> -> memref<64xi32, #tpu.memory_space<hbm>>
        %dma_wait3A_56 = tpu.memref_slice %arg4[%mul3A_37] : memref<327680xi32, #tpu.memory_space<hbm>> -> memref<64xi32, #tpu.memory_space<hbm>>
        tpu.wait_dma2 semaphore(%run_scoped3A : memref<!tpu.dma_semaphore, #tpu.memory_space<semaphore_mem>>) src(%dma_wait3A_56 : memref<64xi32, #tpu.memory_space<hbm>>) dst(%arg8 : memref<64xi32, #tpu.memory_space<vmem>>)
        tpu.yield
      }) : () -> ()
      %dma_start3A = arith.constant 0 : i32
      %dma_start3A_38 = arith.constant 0 : i32
      %dma_start3A_39 = tpu.memref_slice %arg2[%dma_start3A, %dma_start3A_38] : memref<10000x128xf32, #tpu.memory_space<hbm>> -> memref<10000x128xf32, #tpu.memory_space<hbm>>
      tpu.enqueue_indirect_dma source(%dma_start3A_39 : memref<10000x128xf32, #tpu.memory_space<hbm>>) target(%arg13 : memref<64x128xf32, #tpu.memory_space<vmem>>) offsets(%arg7 : memref<64xi32, #tpu.memory_space<vmem>>) semaphore(%arg15 : memref<!tpu.dma_semaphore, #tpu.memory_space<semaphore_mem>>)
      %add3A_40 = arith.constant 64 : i32
      %add3A_41 = arith.addi %mul3A_37, %add3A_40 : i32
      "tpu.region"() ({
        %run_scoped3A = tpu.sem_alloc : memref<!tpu.dma_semaphore, #tpu.memory_space<semaphore_mem>>
        %dma_start3A_53 = tpu.memref_slice %arg3[%add3A_41] : memref<327680xi32, #tpu.memory_space<hbm>> -> memref<64xi32, #tpu.memory_space<hbm>>
        %dma_start3A_54 = tpu.memref_slice %arg3[%add3A_41] : memref<327680xi32, #tpu.memory_space<hbm>> -> memref<64xi32, #tpu.memory_space<hbm>>
        tpu.enqueue_dma source(%dma_start3A_54 : memref<64xi32, #tpu.memory_space<hbm>>) target(%arg9 : memref<64xi32, #tpu.memory_space<vmem>>) target_semaphore(%run_scoped3A : memref<!tpu.dma_semaphore, #tpu.memory_space<semaphore_mem>>)
        %dma_wait3A_55 = tpu.memref_slice %arg3[%add3A_41] : memref<327680xi32, #tpu.memory_space<hbm>> -> memref<64xi32, #tpu.memory_space<hbm>>
        %dma_wait3A_56 = tpu.memref_slice %arg3[%add3A_41] : memref<327680xi32, #tpu.memory_space<hbm>> -> memref<64xi32, #tpu.memory_space<hbm>>
        tpu.wait_dma2 semaphore(%run_scoped3A : memref<!tpu.dma_semaphore, #tpu.memory_space<semaphore_mem>>) src(%dma_wait3A_56 : memref<64xi32, #tpu.memory_space<hbm>>) dst(%arg9 : memref<64xi32, #tpu.memory_space<vmem>>)
        tpu.yield
      }) : () -> ()
      %add3A_42 = arith.constant 64 : i32
      %add3A_43 = arith.addi %mul3A_37, %add3A_42 : i32
      "tpu.region"() ({
        %run_scoped3A = tpu.sem_alloc : memref<!tpu.dma_semaphore, #tpu.memory_space<semaphore_mem>>
        %dma_start3A_53 = tpu.memref_slice %arg4[%add3A_43] : memref<327680xi32, #tpu.memory_space<hbm>> -> memref<64xi32, #tpu.memory_space<hbm>>
        %dma_start3A_54 = tpu.memref_slice %arg4[%add3A_43] : memref<327680xi32, #tpu.memory_space<hbm>> -> memref<64xi32, #tpu.memory_space<hbm>>
        tpu.enqueue_dma source(%dma_start3A_54 : memref<64xi32, #tpu.memory_space<hbm>>) target(%arg10 : memref<64xi32, #tpu.memory_space<vmem>>) target_semaphore(%run_scoped3A : memref<!tpu.dma_semaphore, #tpu.memory_space<semaphore_mem>>)
        %dma_wait3A_55 = tpu.memref_slice %arg4[%add3A_43] : memref<327680xi32, #tpu.memory_space<hbm>> -> memref<64xi32, #tpu.memory_space<hbm>>
        %dma_wait3A_56 = tpu.memref_slice %arg4[%add3A_43] : memref<327680xi32, #tpu.memory_space<hbm>> -> memref<64xi32, #tpu.memory_space<hbm>>
        tpu.wait_dma2 semaphore(%run_scoped3A : memref<!tpu.dma_semaphore, #tpu.memory_space<semaphore_mem>>) src(%dma_wait3A_56 : memref<64xi32, #tpu.memory_space<hbm>>) dst(%arg10 : memref<64xi32, #tpu.memory_space<vmem>>)
        tpu.yield
      }) : () -> ()
      %dma_start3A_44 = arith.constant 0 : i32
      %dma_start3A_45 = arith.constant 0 : i32
      %dma_start3A_46 = tpu.memref_slice %arg2[%dma_start3A_44, %dma_start3A_45] : memref<10000x128xf32, #tpu.memory_space<hbm>> -> memref<10000x128xf32, #tpu.memory_space<hbm>>
      tpu.enqueue_indirect_dma source(%dma_start3A_46 : memref<10000x128xf32, #tpu.memory_space<hbm>>) target(%arg14 : memref<64x128xf32, #tpu.memory_space<vmem>>) offsets(%arg9 : memref<64xi32, #tpu.memory_space<vmem>>) semaphore(%arg16 : memref<!tpu.dma_semaphore, #tpu.memory_space<semaphore_mem>>)
      %dma_wait3A = arith.constant 0 : i32
      %dma_wait3A_47 = arith.constant 0 : i32
      %dma_wait3A_48 = tpu.memref_slice %arg2[%dma_wait3A, %dma_wait3A_47] : memref<10000x128xf32, #tpu.memory_space<hbm>> -> memref<10000x128xf32, #tpu.memory_space<hbm>>
      tpu.wait_indirect_dma semaphore(%arg15 : memref<!tpu.dma_semaphore, #tpu.memory_space<semaphore_mem>>) src(%dma_wait3A_48 : memref<10000x128xf32, #tpu.memory_space<hbm>>) dst(%arg13 : memref<64x128xf32, #tpu.memory_space<vmem>>)
      "tpu.region"() ({
        %run_scoped3A = tpu.sem_alloc : memref<!tpu.dma_semaphore, #tpu.memory_space<semaphore_mem>>
        %dma_start3A_53 = arith.constant 0 : i32
        %dma_start3A_54 = arith.constant 0 : i32
        %dma_start3A_55 = tpu.memref_slice %arg6[%dma_start3A_53, %dma_start3A_54] : memref<10240x128xf32, #tpu.memory_space<vmem_shared>> -> memref<10240x128xf32, #tpu.memory_space<vmem_shared>>
        tpu.enqueue_indirect_dma source(%arg13 : memref<64x128xf32, #tpu.memory_space<vmem>>) target(%dma_start3A_55 : memref<10240x128xf32, #tpu.memory_space<vmem_shared>>) offsets(%arg8 : memref<64xi32, #tpu.memory_space<vmem>>) semaphore(%run_scoped3A : memref<!tpu.dma_semaphore, #tpu.memory_space<semaphore_mem>>) {add = true}
        %dma_wait3A_56 = arith.constant 0 : i32
        %dma_wait3A_57 = arith.constant 0 : i32
        %dma_wait3A_58 = tpu.memref_slice %arg6[%dma_wait3A_56, %dma_wait3A_57] : memref<10240x128xf32, #tpu.memory_space<vmem_shared>> -> memref<10240x128xf32, #tpu.memory_space<vmem_shared>>
        tpu.wait_indirect_dma semaphore(%run_scoped3A : memref<!tpu.dma_semaphore, #tpu.memory_space<semaphore_mem>>) src(%arg13 : memref<64x128xf32, #tpu.memory_space<vmem>>) dst(%dma_wait3A_58 : memref<10240x128xf32, #tpu.memory_space<vmem_shared>>)
        tpu.yield
      }) : () -> ()
      %dma_wait3A_49 = arith.constant 0 : i32
      %dma_wait3A_50 = arith.constant 0 : i32
      %dma_wait3A_51 = tpu.memref_slice %arg2[%dma_wait3A_49, %dma_wait3A_50] : memref<10000x128xf32, #tpu.memory_space<hbm>> -> memref<10000x128xf32, #tpu.memory_space<hbm>>
      tpu.wait_indirect_dma semaphore(%arg16 : memref<!tpu.dma_semaphore, #tpu.memory_space<semaphore_mem>>) src(%dma_wait3A_51 : memref<10000x128xf32, #tpu.memory_space<hbm>>) dst(%arg14 : memref<64x128xf32, #tpu.memory_space<vmem>>)
      "tpu.region"() ({
        %run_scoped3A = tpu.sem_alloc : memref<!tpu.dma_semaphore, #tpu.memory_space<semaphore_mem>>
        %dma_start3A_53 = arith.constant 0 : i32
        %dma_start3A_54 = arith.constant 0 : i32
        %dma_start3A_55 = tpu.memref_slice %arg6[%dma_start3A_53, %dma_start3A_54] : memref<10240x128xf32, #tpu.memory_space<vmem_shared>> -> memref<10240x128xf32, #tpu.memory_space<vmem_shared>>
        tpu.enqueue_indirect_dma source(%arg14 : memref<64x128xf32, #tpu.memory_space<vmem>>) target(%dma_start3A_55 : memref<10240x128xf32, #tpu.memory_space<vmem_shared>>) offsets(%arg10 : memref<64xi32, #tpu.memory_space<vmem>>) semaphore(%run_scoped3A : memref<!tpu.dma_semaphore, #tpu.memory_space<semaphore_mem>>) {add = true}
        %dma_wait3A_56 = arith.constant 0 : i32
        %dma_wait3A_57 = arith.constant 0 : i32
        %dma_wait3A_58 = tpu.memref_slice %arg6[%dma_wait3A_56, %dma_wait3A_57] : memref<10240x128xf32, #tpu.memory_space<vmem_shared>> -> memref<10240x128xf32, #tpu.memory_space<vmem_shared>>
        tpu.wait_indirect_dma semaphore(%run_scoped3A : memref<!tpu.dma_semaphore, #tpu.memory_space<semaphore_mem>>) src(%arg14 : memref<64x128xf32, #tpu.memory_space<vmem>>) dst(%dma_wait3A_58 : memref<10240x128xf32, #tpu.memory_space<vmem_shared>>)
        tpu.yield
      }) : () -> ()
      %scan3A_52 = arith.constant 0 : i32
      scf.yield %scan3A_52 : i32
    }
    %scan3A_20 = arith.constant 80 : i32
    %barrier3A_21 = arith.constant 0 : index
    tpu.barrier barrier_id(%barrier3A_21)
    %scan3A_22 = arith.constant 0 : i32
    %scan3A_23 = arith.constant 0 : i32
    %scan3A_24 = arith.constant 10 : i32
    %scan3A_25 = arith.addi %scan3A_23, %scan3A_24 : i32
    %scan3A_26 = arith.constant 1 : i32
    %scan3A_27 = scf.for %scan3A_29 = %scan3A_23 to %scan3A_25 step %scan3A_26 iter_args(%scan3A_30 = %scan3A_22) -> (i32)  : i32 {
      %mul3A_31 = arith.constant 640 : i32
      %mul3A_32 = arith.muli %arg1, %mul3A_31 : i32
      %mul3A_33 = arith.constant 64 : i32
      %mul3A_34 = arith.muli %scan3A_29, %mul3A_33 : i32
      %add3A_35 = arith.addi %mul3A_32, %mul3A_34 : i32
      %add3A_36 = arith.constant 0 : i32
      %add3A_37 = arith.addi %add3A_35, %add3A_36 : i32
      %add3A_38 = vector.broadcast %add3A_37 : i32 to vector<16xi32>
      %add3A_39 = arith.addi %add3A_38, %iota3A : vector<16xi32>
      %swap3A = arith.constant 0 : index
      %swap3A_40 = tpu.vector_load %arg11[%swap3A] {strides = array<i32>} : memref<64xi32, #tpu.memory_space<vmem>>, vector<16xi32>,
      %swap3A_41 = vector.shape_cast %swap3A_40 : vector<16xi32> to vector<16xi32>
      %swap3A_42 = vector.shape_cast %add3A_39 : vector<16xi32> to vector<16xi32>
      tpu.vector_store %arg11[%swap3A], %swap3A_42 {strides = array<i32>} : memref<64xi32, #tpu.memory_space<vmem>>, vector<16xi32>,
      %mul3A_43 = arith.constant 10240 : i32
      %mul3A_44 = arith.muli %arg0, %mul3A_43 : i32
      %add3A_45 = vector.broadcast %mul3A_44 : i32 to vector<16xi32>
      %add3A_46 = arith.addi %add3A_45, %add3A_39 : vector<16xi32>
      %swap3A_47 = arith.constant 0 : index
      %swap3A_48 = tpu.vector_load %arg12[%swap3A_47] {strides = array<i32>} : memref<64xi32, #tpu.memory_space<vmem>>, vector<16xi32>,
      %swap3A_49 = vector.shape_cast %swap3A_48 : vector<16xi32> to vector<16xi32>
      %swap3A_50 = vector.shape_cast %add3A_46 : vector<16xi32> to vector<16xi32>
      tpu.vector_store %arg12[%swap3A_47], %swap3A_50 {strides = array<i32>} : memref<64xi32, #tpu.memory_space<vmem>>, vector<16xi32>,
      %add3A_51 = arith.constant 16 : i32
      %add3A_52 = arith.addi %add3A_35, %add3A_51 : i32
      %add3A_53 = vector.broadcast %add3A_52 : i32 to vector<16xi32>
      %add3A_54 = arith.addi %add3A_53, %iota3A : vector<16xi32>
      %swap3A_55 = arith.constant 16 : index
      %swap3A_56 = tpu.vector_load %arg11[%swap3A_55] {strides = array<i32>} : memref<64xi32, #tpu.memory_space<vmem>>, vector<16xi32>,
      %swap3A_57 = vector.shape_cast %swap3A_56 : vector<16xi32> to vector<16xi32>
      %swap3A_58 = vector.shape_cast %add3A_54 : vector<16xi32> to vector<16xi32>
      tpu.vector_store %arg11[%swap3A_55], %swap3A_58 {strides = array<i32>} : memref<64xi32, #tpu.memory_space<vmem>>, vector<16xi32>,
      %mul3A_59 = arith.constant 10240 : i32
      %mul3A_60 = arith.muli %arg0, %mul3A_59 : i32
      %add3A_61 = vector.broadcast %mul3A_60 : i32 to vector<16xi32>
      %add3A_62 = arith.addi %add3A_61, %add3A_54 : vector<16xi32>
      %swap3A_63 = arith.constant 16 : index
      %swap3A_64 = tpu.vector_load %arg12[%swap3A_63] {strides = array<i32>} : memref<64xi32, #tpu.memory_space<vmem>>, vector<16xi32>,
      %swap3A_65 = vector.shape_cast %swap3A_64 : vector<16xi32> to vector<16xi32>
      %swap3A_66 = vector.shape_cast %add3A_62 : vector<16xi32> to vector<16xi32>
      tpu.vector_store %arg12[%swap3A_63], %swap3A_66 {strides = array<i32>} : memref<64xi32, #tpu.memory_space<vmem>>, vector<16xi32>,
      %add3A_67 = arith.constant 32 : i32
      %add3A_68 = arith.addi %add3A_35, %add3A_67 : i32
      %add3A_69 = vector.broadcast %add3A_68 : i32 to vector<16xi32>
      %add3A_70 = arith.addi %add3A_69, %iota3A : vector<16xi32>
      %swap3A_71 = arith.constant 32 : index
      %swap3A_72 = tpu.vector_load %arg11[%swap3A_71] {strides = array<i32>} : memref<64xi32, #tpu.memory_space<vmem>>, vector<16xi32>,
      %swap3A_73 = vector.shape_cast %swap3A_72 : vector<16xi32> to vector<16xi32>
      %swap3A_74 = vector.shape_cast %add3A_70 : vector<16xi32> to vector<16xi32>
      tpu.vector_store %arg11[%swap3A_71], %swap3A_74 {strides = array<i32>} : memref<64xi32, #tpu.memory_space<vmem>>, vector<16xi32>,
      %mul3A_75 = arith.constant 10240 : i32
      %mul3A_76 = arith.muli %arg0, %mul3A_75 : i32
      %add3A_77 = vector.broadcast %mul3A_76 : i32 to vector<16xi32>
      %add3A_78 = arith.addi %add3A_77, %add3A_70 : vector<16xi32>
      %swap3A_79 = arith.constant 32 : index
      %swap3A_80 = tpu.vector_load %arg12[%swap3A_79] {strides = array<i32>} : memref<64xi32, #tpu.memory_space<vmem>>, vector<16xi32>,
      %swap3A_81 = vector.shape_cast %swap3A_80 : vector<16xi32> to vector<16xi32>
      %swap3A_82 = vector.shape_cast %add3A_78 : vector<16xi32> to vector<16xi32>
      tpu.vector_store %arg12[%swap3A_79], %swap3A_82 {strides = array<i32>} : memref<64xi32, #tpu.memory_space<vmem>>, vector<16xi32>,
      %add3A_83 = arith.constant 48 : i32
      %add3A_84 = arith.addi %add3A_35, %add3A_83 : i32
      %add3A_85 = vector.broadcast %add3A_84 : i32 to vector<16xi32>
      %add3A_86 = arith.addi %add3A_85, %iota3A : vector<16xi32>
      %swap3A_87 = arith.constant 48 : index
      %swap3A_88 = tpu.vector_load %arg11[%swap3A_87] {strides = array<i32>} : memref<64xi32, #tpu.memory_space<vmem>>, vector<16xi32>,
      %swap3A_89 = vector.shape_cast %swap3A_88 : vector<16xi32> to vector<16xi32>
      %swap3A_90 = vector.shape_cast %add3A_86 : vector<16xi32> to vector<16xi32>
      tpu.vector_store %arg11[%swap3A_87], %swap3A_90 {strides = array<i32>} : memref<64xi32, #tpu.memory_space<vmem>>, vector<16xi32>,
      %mul3A_91 = arith.constant 10240 : i32
      %mul3A_92 = arith.muli %arg0, %mul3A_91 : i32
      %add3A_93 = vector.broadcast %mul3A_92 : i32 to vector<16xi32>
      %add3A_94 = arith.addi %add3A_93, %add3A_86 : vector<16xi32>
      %swap3A_95 = arith.constant 48 : index
      %swap3A_96 = tpu.vector_load %arg12[%swap3A_95] {strides = array<i32>} : memref<64xi32, #tpu.memory_space<vmem>>, vector<16xi32>,
      %swap3A_97 = vector.shape_cast %swap3A_96 : vector<16xi32> to vector<16xi32>
      %swap3A_98 = vector.shape_cast %add3A_94 : vector<16xi32> to vector<16xi32>
      tpu.vector_store %arg12[%swap3A_95], %swap3A_98 {strides = array<i32>} : memref<64xi32, #tpu.memory_space<vmem>>, vector<16xi32>,
      %dma_start3A = arith.constant 0 : i32
      %dma_start3A_99 = arith.constant 0 : i32
      %dma_start3A_100 = tpu.memref_slice %arg6[%dma_start3A, %dma_start3A_99] : memref<10240x128xf32, #tpu.memory_space<vmem_shared>> -> memref<10240x128xf32, #tpu.memory_space<vmem_shared>>
      tpu.enqueue_indirect_dma source(%dma_start3A_100 : memref<10240x128xf32, #tpu.memory_space<vmem_shared>>) target(%arg13 : memref<64x128xf32, #tpu.memory_space<vmem>>) offsets(%arg11 : memref<64xi32, #tpu.memory_space<vmem>>) semaphore(%arg15 : memref<!tpu.dma_semaphore, #tpu.memory_space<semaphore_mem>>)
      %dma_wait3A = arith.constant 0 : i32
      %dma_wait3A_101 = arith.constant 0 : i32
      %dma_wait3A_102 = tpu.memref_slice %arg6[%dma_wait3A, %dma_wait3A_101] : memref<10240x128xf32, #tpu.memory_space<vmem_shared>> -> memref<10240x128xf32, #tpu.memory_space<vmem_shared>>
      tpu.wait_indirect_dma semaphore(%arg15 : memref<!tpu.dma_semaphore, #tpu.memory_space<semaphore_mem>>) src(%dma_wait3A_102 : memref<10240x128xf32, #tpu.memory_space<vmem_shared>>) dst(%arg13 : memref<64x128xf32, #tpu.memory_space<vmem>>)
      "tpu.region"() ({
        %run_scoped3A = tpu.sem_alloc : memref<!tpu.dma_semaphore, #tpu.memory_space<semaphore_mem>>
        %dma_start3A_104 = arith.constant 0 : i32
        %dma_start3A_105 = arith.constant 0 : i32
        %dma_start3A_106 = tpu.memref_slice %arg5[%dma_start3A_104, %dma_start3A_105] : memref<20480x128xf32, #tpu.memory_space<hbm>> -> memref<20480x128xf32, #tpu.memory_space<hbm>>
        tpu.enqueue_indirect_dma source(%arg13 : memref<64x128xf32, #tpu.memory_space<vmem>>) target(%dma_start3A_106 : memref<20480x128xf32, #tpu.memory_space<hbm>>) offsets(%arg12 : memref<64xi32, #tpu.memory_space<vmem>>) semaphore(%run_scoped3A : memref<!tpu.dma_semaphore, #tpu.memory_space<semaphore_mem>>)
        %dma_wait3A_107 = arith.constant 0 : i32
        %dma_wait3A_108 = arith.constant 0 : i32
        %dma_wait3A_109 = tpu.memref_slice %arg5[%dma_wait3A_107, %dma_wait3A_108] : memref<20480x128xf32, #tpu.memory_space<hbm>> -> memref<20480x128xf32, #tpu.memory_space<hbm>>
        tpu.wait_indirect_dma semaphore(%run_scoped3A : memref<!tpu.dma_semaphore, #tpu.memory_space<semaphore_mem>>) src(%arg13 : memref<64x128xf32, #tpu.memory_space<vmem>>) dst(%dma_wait3A_109 : memref<20480x128xf32, #tpu.memory_space<hbm>>)
        tpu.yield
      }) : () -> ()
      %scan3A_103 = arith.constant 0 : i32
      scf.yield %scan3A_103 : i32
    }
    %scan3A_28 = arith.constant 10 : i32
    return
  }
}

#map = affine_map<(d0, d1) -> (0, 0)>
#map1 = affine_map<(d0, d1) -> (0)>
module attributes {stable_mosaic.version = 14 : i64} {
  func.func @agg(%arg0: i32, %arg1: i32, %arg2: memref<10000x128xf32, #tpu.memory_space<hbm>>, %arg3: memref<327680xi32, #tpu.memory_space<hbm>>, %arg4: memref<327680xi32, #tpu.memory_space<hbm>>, %arg5: memref<20480x128xf32, #tpu.memory_space<hbm>>, %arg6: memref<2560x128xf32, #tpu.memory_space<hbm>>, %arg7: memref<10240x128xf32, #tpu.memory_space<vmem_shared>>, %arg8: memref<64xi32, #tpu.memory_space<vmem>>, %arg9: memref<64xi32, #tpu.memory_space<vmem>>, %arg10: memref<64xi32, #tpu.memory_space<vmem>>, %arg11: memref<64xi32, #tpu.memory_space<vmem>>, %arg12: memref<64xi32, #tpu.memory_space<vmem>>, %arg13: memref<64xi32, #tpu.memory_space<vmem>>, %arg14: memref<64x128xf32, #tpu.memory_space<vmem>>, %arg15: memref<64x128xf32, #tpu.memory_space<vmem>>, %arg16: memref<!tpu.dma_semaphore, #tpu.memory_space<semaphore_mem>>, %arg17: memref<!tpu.dma_semaphore, #tpu.memory_space<semaphore_mem>>, %arg18: memref<1280x128xf32, #tpu.memory_space<vmem_shared>>, %arg19: memref<128x128xf32, #tpu.memory_space<vmem_shared>>, %arg20: memref<16x128xf32, #tpu.memory_space<vmem>>, %arg21: memref<64xi32, #tpu.memory_space<vmem>>, %arg22: memref<64xi32, #tpu.memory_space<vmem>>, %arg23: memref<16xi32, #tpu.memory_space<vmem>>, %arg24: memref<16xi32, #tpu.memory_space<vmem>>) attributes {dimension_semantics = [#tpu.dimension_semantics<core_parallel>, #tpu.dimension_semantics<subcore_parallel>], iteration_bounds = array<i64: 2, 16>, scalar_prefetch = 0 : i64, scratch_operands = 18 : i64, tpu.core_type = #tpu.core_type<sc_vector_subcore>, window_params = [{transform_indices = #map}, {transform_indices = #map1}, {transform_indices = #map1}, {transform_indices = #map}, {transform_indices = #map}]} {
    %mul3A = arith.constant 16 : i32
    %mul3A_0 = arith.muli %arg0, %mul3A : i32
    %add3A = arith.addi %mul3A_0, %arg1 : i32
    %iota3A = tpu.iota {dimensions = array<i32: 0>} : vector<16xi32>
    %scan3A = arith.constant 0 : i32
    %scan3A_1 = arith.constant 0 : i32
    %scan3A_2 = arith.constant 64 : i32
    %scan3A_3 = arith.addi %scan3A_1, %scan3A_2 : i32
    %scan3A_4 = arith.constant 1 : i32
    %scan3A_5 = scf.for %scan3A_1075 = %scan3A_1 to %scan3A_3 step %scan3A_4 iter_args(%scan3A_1076 = %scan3A) -> (i32)  : i32 {
      %broadcast_in_dim3A_1077 = arith.constant 0.000000e+00 : f32
      %broadcast_in_dim3A_1078 = vector.broadcast %broadcast_in_dim3A_1077 : f32 to vector<16xf32>
      %swap3A_1079 = arith.index_cast %scan3A_1075 : i32 to index
      %swap3A_1080 = arith.constant 0 : index
      %swap3A_1081 = tpu.vector_load %arg14[%swap3A_1079, %swap3A_1080] {strides = array<i32>} : memref<64x128xf32, #tpu.memory_space<vmem>>, vector<1x16xf32>,
      %swap3A_1082 = vector.shape_cast %swap3A_1081 : vector<1x16xf32> to vector<16xf32>
      %swap3A_1083 = vector.shape_cast %broadcast_in_dim3A_1078 : vector<16xf32> to vector<1x16xf32>
      tpu.vector_store %arg14[%swap3A_1079, %swap3A_1080], %swap3A_1083 {strides = array<i32>} : memref<64x128xf32, #tpu.memory_space<vmem>>, vector<1x16xf32>,
      %broadcast_in_dim3A_1084 = arith.constant 0.000000e+00 : f32
      %broadcast_in_dim3A_1085 = vector.broadcast %broadcast_in_dim3A_1084 : f32 to vector<16xf32>
      %swap3A_1086 = arith.index_cast %scan3A_1075 : i32 to index
      %swap3A_1087 = arith.constant 16 : index
      %swap3A_1088 = tpu.vector_load %arg14[%swap3A_1086, %swap3A_1087] {strides = array<i32>} : memref<64x128xf32, #tpu.memory_space<vmem>>, vector<1x16xf32>,
      %swap3A_1089 = vector.shape_cast %swap3A_1088 : vector<1x16xf32> to vector<16xf32>
      %swap3A_1090 = vector.shape_cast %broadcast_in_dim3A_1085 : vector<16xf32> to vector<1x16xf32>
      tpu.vector_store %arg14[%swap3A_1086, %swap3A_1087], %swap3A_1090 {strides = array<i32>} : memref<64x128xf32, #tpu.memory_space<vmem>>, vector<1x16xf32>,
      %broadcast_in_dim3A_1091 = arith.constant 0.000000e+00 : f32
      %broadcast_in_dim3A_1092 = vector.broadcast %broadcast_in_dim3A_1091 : f32 to vector<16xf32>
      %swap3A_1093 = arith.index_cast %scan3A_1075 : i32 to index
      %swap3A_1094 = arith.constant 32 : index
      %swap3A_1095 = tpu.vector_load %arg14[%swap3A_1093, %swap3A_1094] {strides = array<i32>} : memref<64x128xf32, #tpu.memory_space<vmem>>, vector<1x16xf32>,
      %swap3A_1096 = vector.shape_cast %swap3A_1095 : vector<1x16xf32> to vector<16xf32>
      %swap3A_1097 = vector.shape_cast %broadcast_in_dim3A_1092 : vector<16xf32> to vector<1x16xf32>
      tpu.vector_store %arg14[%swap3A_1093, %swap3A_1094], %swap3A_1097 {strides = array<i32>} : memref<64x128xf32, #tpu.memory_space<vmem>>, vector<1x16xf32>,
      %broadcast_in_dim3A_1098 = arith.constant 0.000000e+00 : f32
      %broadcast_in_dim3A_1099 = vector.broadcast %broadcast_in_dim3A_1098 : f32 to vector<16xf32>
      %swap3A_1100 = arith.index_cast %scan3A_1075 : i32 to index
      %swap3A_1101 = arith.constant 48 : index
      %swap3A_1102 = tpu.vector_load %arg14[%swap3A_1100, %swap3A_1101] {strides = array<i32>} : memref<64x128xf32, #tpu.memory_space<vmem>>, vector<1x16xf32>,
      %swap3A_1103 = vector.shape_cast %swap3A_1102 : vector<1x16xf32> to vector<16xf32>
      %swap3A_1104 = vector.shape_cast %broadcast_in_dim3A_1099 : vector<16xf32> to vector<1x16xf32>
      tpu.vector_store %arg14[%swap3A_1100, %swap3A_1101], %swap3A_1104 {strides = array<i32>} : memref<64x128xf32, #tpu.memory_space<vmem>>, vector<1x16xf32>,
      %broadcast_in_dim3A_1105 = arith.constant 0.000000e+00 : f32
      %broadcast_in_dim3A_1106 = vector.broadcast %broadcast_in_dim3A_1105 : f32 to vector<16xf32>
      %swap3A_1107 = arith.index_cast %scan3A_1075 : i32 to index
      %swap3A_1108 = arith.constant 64 : index
      %swap3A_1109 = tpu.vector_load %arg14[%swap3A_1107, %swap3A_1108] {strides = array<i32>} : memref<64x128xf32, #tpu.memory_space<vmem>>, vector<1x16xf32>,
      %swap3A_1110 = vector.shape_cast %swap3A_1109 : vector<1x16xf32> to vector<16xf32>
      %swap3A_1111 = vector.shape_cast %broadcast_in_dim3A_1106 : vector<16xf32> to vector<1x16xf32>
      tpu.vector_store %arg14[%swap3A_1107, %swap3A_1108], %swap3A_1111 {strides = array<i32>} : memref<64x128xf32, #tpu.memory_space<vmem>>, vector<1x16xf32>,
      %broadcast_in_dim3A_1112 = arith.constant 0.000000e+00 : f32
      %broadcast_in_dim3A_1113 = vector.broadcast %broadcast_in_dim3A_1112 : f32 to vector<16xf32>
      %swap3A_1114 = arith.index_cast %scan3A_1075 : i32 to index
      %swap3A_1115 = arith.constant 80 : index
      %swap3A_1116 = tpu.vector_load %arg14[%swap3A_1114, %swap3A_1115] {strides = array<i32>} : memref<64x128xf32, #tpu.memory_space<vmem>>, vector<1x16xf32>,
      %swap3A_1117 = vector.shape_cast %swap3A_1116 : vector<1x16xf32> to vector<16xf32>
      %swap3A_1118 = vector.shape_cast %broadcast_in_dim3A_1113 : vector<16xf32> to vector<1x16xf32>
      tpu.vector_store %arg14[%swap3A_1114, %swap3A_1115], %swap3A_1118 {strides = array<i32>} : memref<64x128xf32, #tpu.memory_space<vmem>>, vector<1x16xf32>,
      %broadcast_in_dim3A_1119 = arith.constant 0.000000e+00 : f32
      %broadcast_in_dim3A_1120 = vector.broadcast %broadcast_in_dim3A_1119 : f32 to vector<16xf32>
      %swap3A_1121 = arith.index_cast %scan3A_1075 : i32 to index
      %swap3A_1122 = arith.constant 96 : index
      %swap3A_1123 = tpu.vector_load %arg14[%swap3A_1121, %swap3A_1122] {strides = array<i32>} : memref<64x128xf32, #tpu.memory_space<vmem>>, vector<1x16xf32>,
      %swap3A_1124 = vector.shape_cast %swap3A_1123 : vector<1x16xf32> to vector<16xf32>
      %swap3A_1125 = vector.shape_cast %broadcast_in_dim3A_1120 : vector<16xf32> to vector<1x16xf32>
      tpu.vector_store %arg14[%swap3A_1121, %swap3A_1122], %swap3A_1125 {strides = array<i32>} : memref<64x128xf32, #tpu.memory_space<vmem>>, vector<1x16xf32>,
      %broadcast_in_dim3A_1126 = arith.constant 0.000000e+00 : f32
      %broadcast_in_dim3A_1127 = vector.broadcast %broadcast_in_dim3A_1126 : f32 to vector<16xf32>
      %swap3A_1128 = arith.index_cast %scan3A_1075 : i32 to index
      %swap3A_1129 = arith.constant 112 : index
      %swap3A_1130 = tpu.vector_load %arg14[%swap3A_1128, %swap3A_1129] {strides = array<i32>} : memref<64x128xf32, #tpu.memory_space<vmem>>, vector<1x16xf32>,
      %swap3A_1131 = vector.shape_cast %swap3A_1130 : vector<1x16xf32> to vector<16xf32>
      %swap3A_1132 = vector.shape_cast %broadcast_in_dim3A_1127 : vector<16xf32> to vector<1x16xf32>
      tpu.vector_store %arg14[%swap3A_1128, %swap3A_1129], %swap3A_1132 {strides = array<i32>} : memref<64x128xf32, #tpu.memory_space<vmem>>, vector<1x16xf32>,
      %scan3A_1133 = arith.constant 0 : i32
      scf.yield %scan3A_1133 : i32
    }
    %scan3A_6 = arith.constant 64 : i32
    %broadcast_in_dim3A = arith.constant 1.000000e+00 : f32
    %broadcast_in_dim3A_7 = vector.broadcast %broadcast_in_dim3A : f32 to vector<16xf32>
    %swap3A = arith.constant 0 : i32
    %swap3A_8 = arith.index_cast %swap3A : i32 to index
    %swap3A_9 = arith.constant 0 : index
    %swap3A_10 = tpu.vector_load %arg20[%swap3A_8, %swap3A_9] {strides = array<i32>} : memref<16x128xf32, #tpu.memory_space<vmem>>, vector<1x16xf32>,
    %swap3A_11 = vector.shape_cast %swap3A_10 : vector<1x16xf32> to vector<16xf32>
    %swap3A_12 = vector.shape_cast %broadcast_in_dim3A_7 : vector<16xf32> to vector<1x16xf32>
    tpu.vector_store %arg20[%swap3A_8, %swap3A_9], %swap3A_12 {strides = array<i32>} : memref<16x128xf32, #tpu.memory_space<vmem>>, vector<1x16xf32>,
    %broadcast_in_dim3A_13 = arith.constant 0.000000e+00 : f32
    %broadcast_in_dim3A_14 = vector.broadcast %broadcast_in_dim3A_13 : f32 to vector<16xf32>
    %swap3A_15 = arith.constant 0 : i32
    %swap3A_16 = arith.index_cast %swap3A_15 : i32 to index
    %swap3A_17 = arith.constant 16 : index
    %swap3A_18 = tpu.vector_load %arg20[%swap3A_16, %swap3A_17] {strides = array<i32>} : memref<16x128xf32, #tpu.memory_space<vmem>>, vector<1x16xf32>,
    %swap3A_19 = vector.shape_cast %swap3A_18 : vector<1x16xf32> to vector<16xf32>
    %swap3A_20 = vector.shape_cast %broadcast_in_dim3A_14 : vector<16xf32> to vector<1x16xf32>
    tpu.vector_store %arg20[%swap3A_16, %swap3A_17], %swap3A_20 {strides = array<i32>} : memref<16x128xf32, #tpu.memory_space<vmem>>, vector<1x16xf32>,
    %broadcast_in_dim3A_21 = arith.constant 0.000000e+00 : f32
    %broadcast_in_dim3A_22 = vector.broadcast %broadcast_in_dim3A_21 : f32 to vector<16xf32>
    %swap3A_23 = arith.constant 0 : i32
    %swap3A_24 = arith.index_cast %swap3A_23 : i32 to index
    %swap3A_25 = arith.constant 32 : index
    %swap3A_26 = tpu.vector_load %arg20[%swap3A_24, %swap3A_25] {strides = array<i32>} : memref<16x128xf32, #tpu.memory_space<vmem>>, vector<1x16xf32>,
    %swap3A_27 = vector.shape_cast %swap3A_26 : vector<1x16xf32> to vector<16xf32>
    %swap3A_28 = vector.shape_cast %broadcast_in_dim3A_22 : vector<16xf32> to vector<1x16xf32>
    tpu.vector_store %arg20[%swap3A_24, %swap3A_25], %swap3A_28 {strides = array<i32>} : memref<16x128xf32, #tpu.memory_space<vmem>>, vector<1x16xf32>,
    %broadcast_in_dim3A_29 = arith.constant 0.000000e+00 : f32
    %broadcast_in_dim3A_30 = vector.broadcast %broadcast_in_dim3A_29 : f32 to vector<16xf32>
    %swap3A_31 = arith.constant 0 : i32
    %swap3A_32 = arith.index_cast %swap3A_31 : i32 to index
    %swap3A_33 = arith.constant 48 : index
    %swap3A_34 = tpu.vector_load %arg20[%swap3A_32, %swap3A_33] {strides = array<i32>} : memref<16x128xf32, #tpu.memory_space<vmem>>, vector<1x16xf32>,
    %swap3A_35 = vector.shape_cast %swap3A_34 : vector<1x16xf32> to vector<16xf32>
    %swap3A_36 = vector.shape_cast %broadcast_in_dim3A_30 : vector<16xf32> to vector<1x16xf32>
    tpu.vector_store %arg20[%swap3A_32, %swap3A_33], %swap3A_36 {strides = array<i32>} : memref<16x128xf32, #tpu.memory_space<vmem>>, vector<1x16xf32>,
    %broadcast_in_dim3A_37 = arith.constant 0.000000e+00 : f32
    %broadcast_in_dim3A_38 = vector.broadcast %broadcast_in_dim3A_37 : f32 to vector<16xf32>
    %swap3A_39 = arith.constant 0 : i32
    %swap3A_40 = arith.index_cast %swap3A_39 : i32 to index
    %swap3A_41 = arith.constant 64 : index
    %swap3A_42 = tpu.vector_load %arg20[%swap3A_40, %swap3A_41] {strides = array<i32>} : memref<16x128xf32, #tpu.memory_space<vmem>>, vector<1x16xf32>,
    %swap3A_43 = vector.shape_cast %swap3A_42 : vector<1x16xf32> to vector<16xf32>
    %swap3A_44 = vector.shape_cast %broadcast_in_dim3A_38 : vector<16xf32> to vector<1x16xf32>
    tpu.vector_store %arg20[%swap3A_40, %swap3A_41], %swap3A_44 {strides = array<i32>} : memref<16x128xf32, #tpu.memory_space<vmem>>, vector<1x16xf32>,
    %broadcast_in_dim3A_45 = arith.constant 0.000000e+00 : f32
    %broadcast_in_dim3A_46 = vector.broadcast %broadcast_in_dim3A_45 : f32 to vector<16xf32>
    %swap3A_47 = arith.constant 0 : i32
    %swap3A_48 = arith.index_cast %swap3A_47 : i32 to index
    %swap3A_49 = arith.constant 80 : index
    %swap3A_50 = tpu.vector_load %arg20[%swap3A_48, %swap3A_49] {strides = array<i32>} : memref<16x128xf32, #tpu.memory_space<vmem>>, vector<1x16xf32>,
    %swap3A_51 = vector.shape_cast %swap3A_50 : vector<1x16xf32> to vector<16xf32>
    %swap3A_52 = vector.shape_cast %broadcast_in_dim3A_46 : vector<16xf32> to vector<1x16xf32>
    tpu.vector_store %arg20[%swap3A_48, %swap3A_49], %swap3A_52 {strides = array<i32>} : memref<16x128xf32, #tpu.memory_space<vmem>>, vector<1x16xf32>,
    %broadcast_in_dim3A_53 = arith.constant 0.000000e+00 : f32
    %broadcast_in_dim3A_54 = vector.broadcast %broadcast_in_dim3A_53 : f32 to vector<16xf32>
    %swap3A_55 = arith.constant 0 : i32
    %swap3A_56 = arith.index_cast %swap3A_55 : i32 to index
    %swap3A_57 = arith.constant 96 : index
    %swap3A_58 = tpu.vector_load %arg20[%swap3A_56, %swap3A_57] {strides = array<i32>} : memref<16x128xf32, #tpu.memory_space<vmem>>, vector<1x16xf32>,
    %swap3A_59 = vector.shape_cast %swap3A_58 : vector<1x16xf32> to vector<16xf32>
    %swap3A_60 = vector.shape_cast %broadcast_in_dim3A_54 : vector<16xf32> to vector<1x16xf32>
    tpu.vector_store %arg20[%swap3A_56, %swap3A_57], %swap3A_60 {strides = array<i32>} : memref<16x128xf32, #tpu.memory_space<vmem>>, vector<1x16xf32>,
    %broadcast_in_dim3A_61 = arith.constant 0.000000e+00 : f32
    %broadcast_in_dim3A_62 = vector.broadcast %broadcast_in_dim3A_61 : f32 to vector<16xf32>
    %swap3A_63 = arith.constant 0 : i32
    %swap3A_64 = arith.index_cast %swap3A_63 : i32 to index
    %swap3A_65 = arith.constant 112 : index
    %swap3A_66 = tpu.vector_load %arg20[%swap3A_64, %swap3A_65] {strides = array<i32>} : memref<16x128xf32, #tpu.memory_space<vmem>>, vector<1x16xf32>,
    %swap3A_67 = vector.shape_cast %swap3A_66 : vector<1x16xf32> to vector<16xf32>
    %swap3A_68 = vector.shape_cast %broadcast_in_dim3A_62 : vector<16xf32> to vector<1x16xf32>
    tpu.vector_store %arg20[%swap3A_64, %swap3A_65], %swap3A_68 {strides = array<i32>} : memref<16x128xf32, #tpu.memory_space<vmem>>, vector<1x16xf32>,
    %broadcast_in_dim3A_69 = arith.constant 0.000000e+00 : f32
    %broadcast_in_dim3A_70 = vector.broadcast %broadcast_in_dim3A_69 : f32 to vector<16xf32>
    %swap3A_71 = arith.constant 1 : i32
    %swap3A_72 = arith.index_cast %swap3A_71 : i32 to index
    %swap3A_73 = arith.constant 0 : index
    %swap3A_74 = tpu.vector_load %arg20[%swap3A_72, %swap3A_73] {strides = array<i32>} : memref<16x128xf32, #tpu.memory_space<vmem>>, vector<1x16xf32>,
    %swap3A_75 = vector.shape_cast %swap3A_74 : vector<1x16xf32> to vector<16xf32>
    %swap3A_76 = vector.shape_cast %broadcast_in_dim3A_70 : vector<16xf32> to vector<1x16xf32>
    tpu.vector_store %arg20[%swap3A_72, %swap3A_73], %swap3A_76 {strides = array<i32>} : memref<16x128xf32, #tpu.memory_space<vmem>>, vector<1x16xf32>,
    %broadcast_in_dim3A_77 = arith.constant 1.000000e+00 : f32
    %broadcast_in_dim3A_78 = vector.broadcast %broadcast_in_dim3A_77 : f32 to vector<16xf32>
    %swap3A_79 = arith.constant 1 : i32
    %swap3A_80 = arith.index_cast %swap3A_79 : i32 to index
    %swap3A_81 = arith.constant 16 : index
    %swap3A_82 = tpu.vector_load %arg20[%swap3A_80, %swap3A_81] {strides = array<i32>} : memref<16x128xf32, #tpu.memory_space<vmem>>, vector<1x16xf32>,
    %swap3A_83 = vector.shape_cast %swap3A_82 : vector<1x16xf32> to vector<16xf32>
    %swap3A_84 = vector.shape_cast %broadcast_in_dim3A_78 : vector<16xf32> to vector<1x16xf32>
    tpu.vector_store %arg20[%swap3A_80, %swap3A_81], %swap3A_84 {strides = array<i32>} : memref<16x128xf32, #tpu.memory_space<vmem>>, vector<1x16xf32>,
    %broadcast_in_dim3A_85 = arith.constant 0.000000e+00 : f32
    %broadcast_in_dim3A_86 = vector.broadcast %broadcast_in_dim3A_85 : f32 to vector<16xf32>
    %swap3A_87 = arith.constant 1 : i32
    %swap3A_88 = arith.index_cast %swap3A_87 : i32 to index
    %swap3A_89 = arith.constant 32 : index
    %swap3A_90 = tpu.vector_load %arg20[%swap3A_88, %swap3A_89] {strides = array<i32>} : memref<16x128xf32, #tpu.memory_space<vmem>>, vector<1x16xf32>,
    %swap3A_91 = vector.shape_cast %swap3A_90 : vector<1x16xf32> to vector<16xf32>
    %swap3A_92 = vector.shape_cast %broadcast_in_dim3A_86 : vector<16xf32> to vector<1x16xf32>
    tpu.vector_store %arg20[%swap3A_88, %swap3A_89], %swap3A_92 {strides = array<i32>} : memref<16x128xf32, #tpu.memory_space<vmem>>, vector<1x16xf32>,
    %broadcast_in_dim3A_93 = arith.constant 0.000000e+00 : f32
    %broadcast_in_dim3A_94 = vector.broadcast %broadcast_in_dim3A_93 : f32 to vector<16xf32>
    %swap3A_95 = arith.constant 1 : i32
    %swap3A_96 = arith.index_cast %swap3A_95 : i32 to index
    %swap3A_97 = arith.constant 48 : index
    %swap3A_98 = tpu.vector_load %arg20[%swap3A_96, %swap3A_97] {strides = array<i32>} : memref<16x128xf32, #tpu.memory_space<vmem>>, vector<1x16xf32>,
    %swap3A_99 = vector.shape_cast %swap3A_98 : vector<1x16xf32> to vector<16xf32>
    %swap3A_100 = vector.shape_cast %broadcast_in_dim3A_94 : vector<16xf32> to vector<1x16xf32>
    tpu.vector_store %arg20[%swap3A_96, %swap3A_97], %swap3A_100 {strides = array<i32>} : memref<16x128xf32, #tpu.memory_space<vmem>>, vector<1x16xf32>,
    %broadcast_in_dim3A_101 = arith.constant 0.000000e+00 : f32
    %broadcast_in_dim3A_102 = vector.broadcast %broadcast_in_dim3A_101 : f32 to vector<16xf32>
    %swap3A_103 = arith.constant 1 : i32
    %swap3A_104 = arith.index_cast %swap3A_103 : i32 to index
    %swap3A_105 = arith.constant 64 : index
    %swap3A_106 = tpu.vector_load %arg20[%swap3A_104, %swap3A_105] {strides = array<i32>} : memref<16x128xf32, #tpu.memory_space<vmem>>, vector<1x16xf32>,
    %swap3A_107 = vector.shape_cast %swap3A_106 : vector<1x16xf32> to vector<16xf32>
    %swap3A_108 = vector.shape_cast %broadcast_in_dim3A_102 : vector<16xf32> to vector<1x16xf32>
    tpu.vector_store %arg20[%swap3A_104, %swap3A_105], %swap3A_108 {strides = array<i32>} : memref<16x128xf32, #tpu.memory_space<vmem>>, vector<1x16xf32>,
    %broadcast_in_dim3A_109 = arith.constant 0.000000e+00 : f32
    %broadcast_in_dim3A_110 = vector.broadcast %broadcast_in_dim3A_109 : f32 to vector<16xf32>
    %swap3A_111 = arith.constant 1 : i32
    %swap3A_112 = arith.index_cast %swap3A_111 : i32 to index
    %swap3A_113 = arith.constant 80 : index
    %swap3A_114 = tpu.vector_load %arg20[%swap3A_112, %swap3A_113] {strides = array<i32>} : memref<16x128xf32, #tpu.memory_space<vmem>>, vector<1x16xf32>,
    %swap3A_115 = vector.shape_cast %swap3A_114 : vector<1x16xf32> to vector<16xf32>
    %swap3A_116 = vector.shape_cast %broadcast_in_dim3A_110 : vector<16xf32> to vector<1x16xf32>
    tpu.vector_store %arg20[%swap3A_112, %swap3A_113], %swap3A_116 {strides = array<i32>} : memref<16x128xf32, #tpu.memory_space<vmem>>, vector<1x16xf32>,
    %broadcast_in_dim3A_117 = arith.constant 0.000000e+00 : f32
    %broadcast_in_dim3A_118 = vector.broadcast %broadcast_in_dim3A_117 : f32 to vector<16xf32>
    %swap3A_119 = arith.constant 1 : i32
    %swap3A_120 = arith.index_cast %swap3A_119 : i32 to index
    %swap3A_121 = arith.constant 96 : index
    %swap3A_122 = tpu.vector_load %arg20[%swap3A_120, %swap3A_121] {strides = array<i32>} : memref<16x128xf32, #tpu.memory_space<vmem>>, vector<1x16xf32>,
    %swap3A_123 = vector.shape_cast %swap3A_122 : vector<1x16xf32> to vector<16xf32>
    %swap3A_124 = vector.shape_cast %broadcast_in_dim3A_118 : vector<16xf32> to vector<1x16xf32>
    tpu.vector_store %arg20[%swap3A_120, %swap3A_121], %swap3A_124 {strides = array<i32>} : memref<16x128xf32, #tpu.memory_space<vmem>>, vector<1x16xf32>,
    %broadcast_in_dim3A_125 = arith.constant 0.000000e+00 : f32
    %broadcast_in_dim3A_126 = vector.broadcast %broadcast_in_dim3A_125 : f32 to vector<16xf32>
    %swap3A_127 = arith.constant 1 : i32
    %swap3A_128 = arith.index_cast %swap3A_127 : i32 to index
    %swap3A_129 = arith.constant 112 : index
    %swap3A_130 = tpu.vector_load %arg20[%swap3A_128, %swap3A_129] {strides = array<i32>} : memref<16x128xf32, #tpu.memory_space<vmem>>, vector<1x16xf32>,
    %swap3A_131 = vector.shape_cast %swap3A_130 : vector<1x16xf32> to vector<16xf32>
    %swap3A_132 = vector.shape_cast %broadcast_in_dim3A_126 : vector<16xf32> to vector<1x16xf32>
    tpu.vector_store %arg20[%swap3A_128, %swap3A_129], %swap3A_132 {strides = array<i32>} : memref<16x128xf32, #tpu.memory_space<vmem>>, vector<1x16xf32>,
    %broadcast_in_dim3A_133 = arith.constant 0.000000e+00 : f32
    %broadcast_in_dim3A_134 = vector.broadcast %broadcast_in_dim3A_133 : f32 to vector<16xf32>
    %swap3A_135 = arith.constant 2 : i32
    %swap3A_136 = arith.index_cast %swap3A_135 : i32 to index
    %swap3A_137 = arith.constant 0 : index
    %swap3A_138 = tpu.vector_load %arg20[%swap3A_136, %swap3A_137] {strides = array<i32>} : memref<16x128xf32, #tpu.memory_space<vmem>>, vector<1x16xf32>,
    %swap3A_139 = vector.shape_cast %swap3A_138 : vector<1x16xf32> to vector<16xf32>
    %swap3A_140 = vector.shape_cast %broadcast_in_dim3A_134 : vector<16xf32> to vector<1x16xf32>
    tpu.vector_store %arg20[%swap3A_136, %swap3A_137], %swap3A_140 {strides = array<i32>} : memref<16x128xf32, #tpu.memory_space<vmem>>, vector<1x16xf32>,
    %broadcast_in_dim3A_141 = arith.constant 0.000000e+00 : f32
    %broadcast_in_dim3A_142 = vector.broadcast %broadcast_in_dim3A_141 : f32 to vector<16xf32>
    %swap3A_143 = arith.constant 2 : i32
    %swap3A_144 = arith.index_cast %swap3A_143 : i32 to index
    %swap3A_145 = arith.constant 16 : index
    %swap3A_146 = tpu.vector_load %arg20[%swap3A_144, %swap3A_145] {strides = array<i32>} : memref<16x128xf32, #tpu.memory_space<vmem>>, vector<1x16xf32>,
    %swap3A_147 = vector.shape_cast %swap3A_146 : vector<1x16xf32> to vector<16xf32>
    %swap3A_148 = vector.shape_cast %broadcast_in_dim3A_142 : vector<16xf32> to vector<1x16xf32>
    tpu.vector_store %arg20[%swap3A_144, %swap3A_145], %swap3A_148 {strides = array<i32>} : memref<16x128xf32, #tpu.memory_space<vmem>>, vector<1x16xf32>,
    %broadcast_in_dim3A_149 = arith.constant 1.000000e+00 : f32
    %broadcast_in_dim3A_150 = vector.broadcast %broadcast_in_dim3A_149 : f32 to vector<16xf32>
    %swap3A_151 = arith.constant 2 : i32
    %swap3A_152 = arith.index_cast %swap3A_151 : i32 to index
    %swap3A_153 = arith.constant 32 : index
    %swap3A_154 = tpu.vector_load %arg20[%swap3A_152, %swap3A_153] {strides = array<i32>} : memref<16x128xf32, #tpu.memory_space<vmem>>, vector<1x16xf32>,
    %swap3A_155 = vector.shape_cast %swap3A_154 : vector<1x16xf32> to vector<16xf32>
    %swap3A_156 = vector.shape_cast %broadcast_in_dim3A_150 : vector<16xf32> to vector<1x16xf32>
    tpu.vector_store %arg20[%swap3A_152, %swap3A_153], %swap3A_156 {strides = array<i32>} : memref<16x128xf32, #tpu.memory_space<vmem>>, vector<1x16xf32>,
    %broadcast_in_dim3A_157 = arith.constant 0.000000e+00 : f32
    %broadcast_in_dim3A_158 = vector.broadcast %broadcast_in_dim3A_157 : f32 to vector<16xf32>
    %swap3A_159 = arith.constant 2 : i32
    %swap3A_160 = arith.index_cast %swap3A_159 : i32 to index
    %swap3A_161 = arith.constant 48 : index
    %swap3A_162 = tpu.vector_load %arg20[%swap3A_160, %swap3A_161] {strides = array<i32>} : memref<16x128xf32, #tpu.memory_space<vmem>>, vector<1x16xf32>,
    %swap3A_163 = vector.shape_cast %swap3A_162 : vector<1x16xf32> to vector<16xf32>
    %swap3A_164 = vector.shape_cast %broadcast_in_dim3A_158 : vector<16xf32> to vector<1x16xf32>
    tpu.vector_store %arg20[%swap3A_160, %swap3A_161], %swap3A_164 {strides = array<i32>} : memref<16x128xf32, #tpu.memory_space<vmem>>, vector<1x16xf32>,
    %broadcast_in_dim3A_165 = arith.constant 0.000000e+00 : f32
    %broadcast_in_dim3A_166 = vector.broadcast %broadcast_in_dim3A_165 : f32 to vector<16xf32>
    %swap3A_167 = arith.constant 2 : i32
    %swap3A_168 = arith.index_cast %swap3A_167 : i32 to index
    %swap3A_169 = arith.constant 64 : index
    %swap3A_170 = tpu.vector_load %arg20[%swap3A_168, %swap3A_169] {strides = array<i32>} : memref<16x128xf32, #tpu.memory_space<vmem>>, vector<1x16xf32>,
    %swap3A_171 = vector.shape_cast %swap3A_170 : vector<1x16xf32> to vector<16xf32>
    %swap3A_172 = vector.shape_cast %broadcast_in_dim3A_166 : vector<16xf32> to vector<1x16xf32>
    tpu.vector_store %arg20[%swap3A_168, %swap3A_169], %swap3A_172 {strides = array<i32>} : memref<16x128xf32, #tpu.memory_space<vmem>>, vector<1x16xf32>,
    %broadcast_in_dim3A_173 = arith.constant 0.000000e+00 : f32
    %broadcast_in_dim3A_174 = vector.broadcast %broadcast_in_dim3A_173 : f32 to vector<16xf32>
    %swap3A_175 = arith.constant 2 : i32
    %swap3A_176 = arith.index_cast %swap3A_175 : i32 to index
    %swap3A_177 = arith.constant 80 : index
    %swap3A_178 = tpu.vector_load %arg20[%swap3A_176, %swap3A_177] {strides = array<i32>} : memref<16x128xf32, #tpu.memory_space<vmem>>, vector<1x16xf32>,
    %swap3A_179 = vector.shape_cast %swap3A_178 : vector<1x16xf32> to vector<16xf32>
    %swap3A_180 = vector.shape_cast %broadcast_in_dim3A_174 : vector<16xf32> to vector<1x16xf32>
    tpu.vector_store %arg20[%swap3A_176, %swap3A_177], %swap3A_180 {strides = array<i32>} : memref<16x128xf32, #tpu.memory_space<vmem>>, vector<1x16xf32>,
    %broadcast_in_dim3A_181 = arith.constant 0.000000e+00 : f32
    %broadcast_in_dim3A_182 = vector.broadcast %broadcast_in_dim3A_181 : f32 to vector<16xf32>
    %swap3A_183 = arith.constant 2 : i32
    %swap3A_184 = arith.index_cast %swap3A_183 : i32 to index
    %swap3A_185 = arith.constant 96 : index
    %swap3A_186 = tpu.vector_load %arg20[%swap3A_184, %swap3A_185] {strides = array<i32>} : memref<16x128xf32, #tpu.memory_space<vmem>>, vector<1x16xf32>,
    %swap3A_187 = vector.shape_cast %swap3A_186 : vector<1x16xf32> to vector<16xf32>
    %swap3A_188 = vector.shape_cast %broadcast_in_dim3A_182 : vector<16xf32> to vector<1x16xf32>
    tpu.vector_store %arg20[%swap3A_184, %swap3A_185], %swap3A_188 {strides = array<i32>} : memref<16x128xf32, #tpu.memory_space<vmem>>, vector<1x16xf32>,
    %broadcast_in_dim3A_189 = arith.constant 0.000000e+00 : f32
    %broadcast_in_dim3A_190 = vector.broadcast %broadcast_in_dim3A_189 : f32 to vector<16xf32>
    %swap3A_191 = arith.constant 2 : i32
    %swap3A_192 = arith.index_cast %swap3A_191 : i32 to index
    %swap3A_193 = arith.constant 112 : index
    %swap3A_194 = tpu.vector_load %arg20[%swap3A_192, %swap3A_193] {strides = array<i32>} : memref<16x128xf32, #tpu.memory_space<vmem>>, vector<1x16xf32>,
    %swap3A_195 = vector.shape_cast %swap3A_194 : vector<1x16xf32> to vector<16xf32>
    %swap3A_196 = vector.shape_cast %broadcast_in_dim3A_190 : vector<16xf32> to vector<1x16xf32>
    tpu.vector_store %arg20[%swap3A_192, %swap3A_193], %swap3A_196 {strides = array<i32>} : memref<16x128xf32, #tpu.memory_space<vmem>>, vector<1x16xf32>,
    %broadcast_in_dim3A_197 = arith.constant 0.000000e+00 : f32
    %broadcast_in_dim3A_198 = vector.broadcast %broadcast_in_dim3A_197 : f32 to vector<16xf32>
    %swap3A_199 = arith.constant 3 : i32
    %swap3A_200 = arith.index_cast %swap3A_199 : i32 to index
    %swap3A_201 = arith.constant 0 : index
    %swap3A_202 = tpu.vector_load %arg20[%swap3A_200, %swap3A_201] {strides = array<i32>} : memref<16x128xf32, #tpu.memory_space<vmem>>, vector<1x16xf32>,
    %swap3A_203 = vector.shape_cast %swap3A_202 : vector<1x16xf32> to vector<16xf32>
    %swap3A_204 = vector.shape_cast %broadcast_in_dim3A_198 : vector<16xf32> to vector<1x16xf32>
    tpu.vector_store %arg20[%swap3A_200, %swap3A_201], %swap3A_204 {strides = array<i32>} : memref<16x128xf32, #tpu.memory_space<vmem>>, vector<1x16xf32>,
    %broadcast_in_dim3A_205 = arith.constant 0.000000e+00 : f32
    %broadcast_in_dim3A_206 = vector.broadcast %broadcast_in_dim3A_205 : f32 to vector<16xf32>
    %swap3A_207 = arith.constant 3 : i32
    %swap3A_208 = arith.index_cast %swap3A_207 : i32 to index
    %swap3A_209 = arith.constant 16 : index
    %swap3A_210 = tpu.vector_load %arg20[%swap3A_208, %swap3A_209] {strides = array<i32>} : memref<16x128xf32, #tpu.memory_space<vmem>>, vector<1x16xf32>,
    %swap3A_211 = vector.shape_cast %swap3A_210 : vector<1x16xf32> to vector<16xf32>
    %swap3A_212 = vector.shape_cast %broadcast_in_dim3A_206 : vector<16xf32> to vector<1x16xf32>
    tpu.vector_store %arg20[%swap3A_208, %swap3A_209], %swap3A_212 {strides = array<i32>} : memref<16x128xf32, #tpu.memory_space<vmem>>, vector<1x16xf32>,
    %broadcast_in_dim3A_213 = arith.constant 0.000000e+00 : f32
    %broadcast_in_dim3A_214 = vector.broadcast %broadcast_in_dim3A_213 : f32 to vector<16xf32>
    %swap3A_215 = arith.constant 3 : i32
    %swap3A_216 = arith.index_cast %swap3A_215 : i32 to index
    %swap3A_217 = arith.constant 32 : index
    %swap3A_218 = tpu.vector_load %arg20[%swap3A_216, %swap3A_217] {strides = array<i32>} : memref<16x128xf32, #tpu.memory_space<vmem>>, vector<1x16xf32>,
    %swap3A_219 = vector.shape_cast %swap3A_218 : vector<1x16xf32> to vector<16xf32>
    %swap3A_220 = vector.shape_cast %broadcast_in_dim3A_214 : vector<16xf32> to vector<1x16xf32>
    tpu.vector_store %arg20[%swap3A_216, %swap3A_217], %swap3A_220 {strides = array<i32>} : memref<16x128xf32, #tpu.memory_space<vmem>>, vector<1x16xf32>,
    %broadcast_in_dim3A_221 = arith.constant 1.000000e+00 : f32
    %broadcast_in_dim3A_222 = vector.broadcast %broadcast_in_dim3A_221 : f32 to vector<16xf32>
    %swap3A_223 = arith.constant 3 : i32
    %swap3A_224 = arith.index_cast %swap3A_223 : i32 to index
    %swap3A_225 = arith.constant 48 : index
    %swap3A_226 = tpu.vector_load %arg20[%swap3A_224, %swap3A_225] {strides = array<i32>} : memref<16x128xf32, #tpu.memory_space<vmem>>, vector<1x16xf32>,
    %swap3A_227 = vector.shape_cast %swap3A_226 : vector<1x16xf32> to vector<16xf32>
    %swap3A_228 = vector.shape_cast %broadcast_in_dim3A_222 : vector<16xf32> to vector<1x16xf32>
    tpu.vector_store %arg20[%swap3A_224, %swap3A_225], %swap3A_228 {strides = array<i32>} : memref<16x128xf32, #tpu.memory_space<vmem>>, vector<1x16xf32>,
    %broadcast_in_dim3A_229 = arith.constant 0.000000e+00 : f32
    %broadcast_in_dim3A_230 = vector.broadcast %broadcast_in_dim3A_229 : f32 to vector<16xf32>
    %swap3A_231 = arith.constant 3 : i32
    %swap3A_232 = arith.index_cast %swap3A_231 : i32 to index
    %swap3A_233 = arith.constant 64 : index
    %swap3A_234 = tpu.vector_load %arg20[%swap3A_232, %swap3A_233] {strides = array<i32>} : memref<16x128xf32, #tpu.memory_space<vmem>>, vector<1x16xf32>,
    %swap3A_235 = vector.shape_cast %swap3A_234 : vector<1x16xf32> to vector<16xf32>
    %swap3A_236 = vector.shape_cast %broadcast_in_dim3A_230 : vector<16xf32> to vector<1x16xf32>
    tpu.vector_store %arg20[%swap3A_232, %swap3A_233], %swap3A_236 {strides = array<i32>} : memref<16x128xf32, #tpu.memory_space<vmem>>, vector<1x16xf32>,
    %broadcast_in_dim3A_237 = arith.constant 0.000000e+00 : f32
    %broadcast_in_dim3A_238 = vector.broadcast %broadcast_in_dim3A_237 : f32 to vector<16xf32>
    %swap3A_239 = arith.constant 3 : i32
    %swap3A_240 = arith.index_cast %swap3A_239 : i32 to index
    %swap3A_241 = arith.constant 80 : index
    %swap3A_242 = tpu.vector_load %arg20[%swap3A_240, %swap3A_241] {strides = array<i32>} : memref<16x128xf32, #tpu.memory_space<vmem>>, vector<1x16xf32>,
    %swap3A_243 = vector.shape_cast %swap3A_242 : vector<1x16xf32> to vector<16xf32>
    %swap3A_244 = vector.shape_cast %broadcast_in_dim3A_238 : vector<16xf32> to vector<1x16xf32>
    tpu.vector_store %arg20[%swap3A_240, %swap3A_241], %swap3A_244 {strides = array<i32>} : memref<16x128xf32, #tpu.memory_space<vmem>>, vector<1x16xf32>,
    %broadcast_in_dim3A_245 = arith.constant 0.000000e+00 : f32
    %broadcast_in_dim3A_246 = vector.broadcast %broadcast_in_dim3A_245 : f32 to vector<16xf32>
    %swap3A_247 = arith.constant 3 : i32
    %swap3A_248 = arith.index_cast %swap3A_247 : i32 to index
    %swap3A_249 = arith.constant 96 : index
    %swap3A_250 = tpu.vector_load %arg20[%swap3A_248, %swap3A_249] {strides = array<i32>} : memref<16x128xf32, #tpu.memory_space<vmem>>, vector<1x16xf32>,
    %swap3A_251 = vector.shape_cast %swap3A_250 : vector<1x16xf32> to vector<16xf32>
    %swap3A_252 = vector.shape_cast %broadcast_in_dim3A_246 : vector<16xf32> to vector<1x16xf32>
    tpu.vector_store %arg20[%swap3A_248, %swap3A_249], %swap3A_252 {strides = array<i32>} : memref<16x128xf32, #tpu.memory_space<vmem>>, vector<1x16xf32>,
    %broadcast_in_dim3A_253 = arith.constant 0.000000e+00 : f32
    %broadcast_in_dim3A_254 = vector.broadcast %broadcast_in_dim3A_253 : f32 to vector<16xf32>
    %swap3A_255 = arith.constant 3 : i32
    %swap3A_256 = arith.index_cast %swap3A_255 : i32 to index
    %swap3A_257 = arith.constant 112 : index
    %swap3A_258 = tpu.vector_load %arg20[%swap3A_256, %swap3A_257] {strides = array<i32>} : memref<16x128xf32, #tpu.memory_space<vmem>>, vector<1x16xf32>,
    %swap3A_259 = vector.shape_cast %swap3A_258 : vector<1x16xf32> to vector<16xf32>
    %swap3A_260 = vector.shape_cast %broadcast_in_dim3A_254 : vector<16xf32> to vector<1x16xf32>
    tpu.vector_store %arg20[%swap3A_256, %swap3A_257], %swap3A_260 {strides = array<i32>} : memref<16x128xf32, #tpu.memory_space<vmem>>, vector<1x16xf32>,
    %broadcast_in_dim3A_261 = arith.constant 0.000000e+00 : f32
    %broadcast_in_dim3A_262 = vector.broadcast %broadcast_in_dim3A_261 : f32 to vector<16xf32>
    %swap3A_263 = arith.constant 4 : i32
    %swap3A_264 = arith.index_cast %swap3A_263 : i32 to index
    %swap3A_265 = arith.constant 0 : index
    %swap3A_266 = tpu.vector_load %arg20[%swap3A_264, %swap3A_265] {strides = array<i32>} : memref<16x128xf32, #tpu.memory_space<vmem>>, vector<1x16xf32>,
    %swap3A_267 = vector.shape_cast %swap3A_266 : vector<1x16xf32> to vector<16xf32>
    %swap3A_268 = vector.shape_cast %broadcast_in_dim3A_262 : vector<16xf32> to vector<1x16xf32>
    tpu.vector_store %arg20[%swap3A_264, %swap3A_265], %swap3A_268 {strides = array<i32>} : memref<16x128xf32, #tpu.memory_space<vmem>>, vector<1x16xf32>,
    %broadcast_in_dim3A_269 = arith.constant 0.000000e+00 : f32
    %broadcast_in_dim3A_270 = vector.broadcast %broadcast_in_dim3A_269 : f32 to vector<16xf32>
    %swap3A_271 = arith.constant 4 : i32
    %swap3A_272 = arith.index_cast %swap3A_271 : i32 to index
    %swap3A_273 = arith.constant 16 : index
    %swap3A_274 = tpu.vector_load %arg20[%swap3A_272, %swap3A_273] {strides = array<i32>} : memref<16x128xf32, #tpu.memory_space<vmem>>, vector<1x16xf32>,
    %swap3A_275 = vector.shape_cast %swap3A_274 : vector<1x16xf32> to vector<16xf32>
    %swap3A_276 = vector.shape_cast %broadcast_in_dim3A_270 : vector<16xf32> to vector<1x16xf32>
    tpu.vector_store %arg20[%swap3A_272, %swap3A_273], %swap3A_276 {strides = array<i32>} : memref<16x128xf32, #tpu.memory_space<vmem>>, vector<1x16xf32>,
    %broadcast_in_dim3A_277 = arith.constant 0.000000e+00 : f32
    %broadcast_in_dim3A_278 = vector.broadcast %broadcast_in_dim3A_277 : f32 to vector<16xf32>
    %swap3A_279 = arith.constant 4 : i32
    %swap3A_280 = arith.index_cast %swap3A_279 : i32 to index
    %swap3A_281 = arith.constant 32 : index
    %swap3A_282 = tpu.vector_load %arg20[%swap3A_280, %swap3A_281] {strides = array<i32>} : memref<16x128xf32, #tpu.memory_space<vmem>>, vector<1x16xf32>,
    %swap3A_283 = vector.shape_cast %swap3A_282 : vector<1x16xf32> to vector<16xf32>
    %swap3A_284 = vector.shape_cast %broadcast_in_dim3A_278 : vector<16xf32> to vector<1x16xf32>
    tpu.vector_store %arg20[%swap3A_280, %swap3A_281], %swap3A_284 {strides = array<i32>} : memref<16x128xf32, #tpu.memory_space<vmem>>, vector<1x16xf32>,
    %broadcast_in_dim3A_285 = arith.constant 0.000000e+00 : f32
    %broadcast_in_dim3A_286 = vector.broadcast %broadcast_in_dim3A_285 : f32 to vector<16xf32>
    %swap3A_287 = arith.constant 4 : i32
    %swap3A_288 = arith.index_cast %swap3A_287 : i32 to index
    %swap3A_289 = arith.constant 48 : index
    %swap3A_290 = tpu.vector_load %arg20[%swap3A_288, %swap3A_289] {strides = array<i32>} : memref<16x128xf32, #tpu.memory_space<vmem>>, vector<1x16xf32>,
    %swap3A_291 = vector.shape_cast %swap3A_290 : vector<1x16xf32> to vector<16xf32>
    %swap3A_292 = vector.shape_cast %broadcast_in_dim3A_286 : vector<16xf32> to vector<1x16xf32>
    tpu.vector_store %arg20[%swap3A_288, %swap3A_289], %swap3A_292 {strides = array<i32>} : memref<16x128xf32, #tpu.memory_space<vmem>>, vector<1x16xf32>,
    %broadcast_in_dim3A_293 = arith.constant 1.000000e+00 : f32
    %broadcast_in_dim3A_294 = vector.broadcast %broadcast_in_dim3A_293 : f32 to vector<16xf32>
    %swap3A_295 = arith.constant 4 : i32
    %swap3A_296 = arith.index_cast %swap3A_295 : i32 to index
    %swap3A_297 = arith.constant 64 : index
    %swap3A_298 = tpu.vector_load %arg20[%swap3A_296, %swap3A_297] {strides = array<i32>} : memref<16x128xf32, #tpu.memory_space<vmem>>, vector<1x16xf32>,
    %swap3A_299 = vector.shape_cast %swap3A_298 : vector<1x16xf32> to vector<16xf32>
    %swap3A_300 = vector.shape_cast %broadcast_in_dim3A_294 : vector<16xf32> to vector<1x16xf32>
    tpu.vector_store %arg20[%swap3A_296, %swap3A_297], %swap3A_300 {strides = array<i32>} : memref<16x128xf32, #tpu.memory_space<vmem>>, vector<1x16xf32>,
    %broadcast_in_dim3A_301 = arith.constant 0.000000e+00 : f32
    %broadcast_in_dim3A_302 = vector.broadcast %broadcast_in_dim3A_301 : f32 to vector<16xf32>
    %swap3A_303 = arith.constant 4 : i32
    %swap3A_304 = arith.index_cast %swap3A_303 : i32 to index
    %swap3A_305 = arith.constant 80 : index
    %swap3A_306 = tpu.vector_load %arg20[%swap3A_304, %swap3A_305] {strides = array<i32>} : memref<16x128xf32, #tpu.memory_space<vmem>>, vector<1x16xf32>,
    %swap3A_307 = vector.shape_cast %swap3A_306 : vector<1x16xf32> to vector<16xf32>
    %swap3A_308 = vector.shape_cast %broadcast_in_dim3A_302 : vector<16xf32> to vector<1x16xf32>
    tpu.vector_store %arg20[%swap3A_304, %swap3A_305], %swap3A_308 {strides = array<i32>} : memref<16x128xf32, #tpu.memory_space<vmem>>, vector<1x16xf32>,
    %broadcast_in_dim3A_309 = arith.constant 0.000000e+00 : f32
    %broadcast_in_dim3A_310 = vector.broadcast %broadcast_in_dim3A_309 : f32 to vector<16xf32>
    %swap3A_311 = arith.constant 4 : i32
    %swap3A_312 = arith.index_cast %swap3A_311 : i32 to index
    %swap3A_313 = arith.constant 96 : index
    %swap3A_314 = tpu.vector_load %arg20[%swap3A_312, %swap3A_313] {strides = array<i32>} : memref<16x128xf32, #tpu.memory_space<vmem>>, vector<1x16xf32>,
    %swap3A_315 = vector.shape_cast %swap3A_314 : vector<1x16xf32> to vector<16xf32>
    %swap3A_316 = vector.shape_cast %broadcast_in_dim3A_310 : vector<16xf32> to vector<1x16xf32>
    tpu.vector_store %arg20[%swap3A_312, %swap3A_313], %swap3A_316 {strides = array<i32>} : memref<16x128xf32, #tpu.memory_space<vmem>>, vector<1x16xf32>,
    %broadcast_in_dim3A_317 = arith.constant 0.000000e+00 : f32
    %broadcast_in_dim3A_318 = vector.broadcast %broadcast_in_dim3A_317 : f32 to vector<16xf32>
    %swap3A_319 = arith.constant 4 : i32
    %swap3A_320 = arith.index_cast %swap3A_319 : i32 to index
    %swap3A_321 = arith.constant 112 : index
    %swap3A_322 = tpu.vector_load %arg20[%swap3A_320, %swap3A_321] {strides = array<i32>} : memref<16x128xf32, #tpu.memory_space<vmem>>, vector<1x16xf32>,
    %swap3A_323 = vector.shape_cast %swap3A_322 : vector<1x16xf32> to vector<16xf32>
    %swap3A_324 = vector.shape_cast %broadcast_in_dim3A_318 : vector<16xf32> to vector<1x16xf32>
    tpu.vector_store %arg20[%swap3A_320, %swap3A_321], %swap3A_324 {strides = array<i32>} : memref<16x128xf32, #tpu.memory_space<vmem>>, vector<1x16xf32>,
    %broadcast_in_dim3A_325 = arith.constant 0.000000e+00 : f32
    %broadcast_in_dim3A_326 = vector.broadcast %broadcast_in_dim3A_325 : f32 to vector<16xf32>
    %swap3A_327 = arith.constant 5 : i32
    %swap3A_328 = arith.index_cast %swap3A_327 : i32 to index
    %swap3A_329 = arith.constant 0 : index
    %swap3A_330 = tpu.vector_load %arg20[%swap3A_328, %swap3A_329] {strides = array<i32>} : memref<16x128xf32, #tpu.memory_space<vmem>>, vector<1x16xf32>,
    %swap3A_331 = vector.shape_cast %swap3A_330 : vector<1x16xf32> to vector<16xf32>
    %swap3A_332 = vector.shape_cast %broadcast_in_dim3A_326 : vector<16xf32> to vector<1x16xf32>
    tpu.vector_store %arg20[%swap3A_328, %swap3A_329], %swap3A_332 {strides = array<i32>} : memref<16x128xf32, #tpu.memory_space<vmem>>, vector<1x16xf32>,
    %broadcast_in_dim3A_333 = arith.constant 0.000000e+00 : f32
    %broadcast_in_dim3A_334 = vector.broadcast %broadcast_in_dim3A_333 : f32 to vector<16xf32>
    %swap3A_335 = arith.constant 5 : i32
    %swap3A_336 = arith.index_cast %swap3A_335 : i32 to index
    %swap3A_337 = arith.constant 16 : index
    %swap3A_338 = tpu.vector_load %arg20[%swap3A_336, %swap3A_337] {strides = array<i32>} : memref<16x128xf32, #tpu.memory_space<vmem>>, vector<1x16xf32>,
    %swap3A_339 = vector.shape_cast %swap3A_338 : vector<1x16xf32> to vector<16xf32>
    %swap3A_340 = vector.shape_cast %broadcast_in_dim3A_334 : vector<16xf32> to vector<1x16xf32>
    tpu.vector_store %arg20[%swap3A_336, %swap3A_337], %swap3A_340 {strides = array<i32>} : memref<16x128xf32, #tpu.memory_space<vmem>>, vector<1x16xf32>,
    %broadcast_in_dim3A_341 = arith.constant 0.000000e+00 : f32
    %broadcast_in_dim3A_342 = vector.broadcast %broadcast_in_dim3A_341 : f32 to vector<16xf32>
    %swap3A_343 = arith.constant 5 : i32
    %swap3A_344 = arith.index_cast %swap3A_343 : i32 to index
    %swap3A_345 = arith.constant 32 : index
    %swap3A_346 = tpu.vector_load %arg20[%swap3A_344, %swap3A_345] {strides = array<i32>} : memref<16x128xf32, #tpu.memory_space<vmem>>, vector<1x16xf32>,
    %swap3A_347 = vector.shape_cast %swap3A_346 : vector<1x16xf32> to vector<16xf32>
    %swap3A_348 = vector.shape_cast %broadcast_in_dim3A_342 : vector<16xf32> to vector<1x16xf32>
    tpu.vector_store %arg20[%swap3A_344, %swap3A_345], %swap3A_348 {strides = array<i32>} : memref<16x128xf32, #tpu.memory_space<vmem>>, vector<1x16xf32>,
    %broadcast_in_dim3A_349 = arith.constant 0.000000e+00 : f32
    %broadcast_in_dim3A_350 = vector.broadcast %broadcast_in_dim3A_349 : f32 to vector<16xf32>
    %swap3A_351 = arith.constant 5 : i32
    %swap3A_352 = arith.index_cast %swap3A_351 : i32 to index
    %swap3A_353 = arith.constant 48 : index
    %swap3A_354 = tpu.vector_load %arg20[%swap3A_352, %swap3A_353] {strides = array<i32>} : memref<16x128xf32, #tpu.memory_space<vmem>>, vector<1x16xf32>,
    %swap3A_355 = vector.shape_cast %swap3A_354 : vector<1x16xf32> to vector<16xf32>
    %swap3A_356 = vector.shape_cast %broadcast_in_dim3A_350 : vector<16xf32> to vector<1x16xf32>
    tpu.vector_store %arg20[%swap3A_352, %swap3A_353], %swap3A_356 {strides = array<i32>} : memref<16x128xf32, #tpu.memory_space<vmem>>, vector<1x16xf32>,
    %broadcast_in_dim3A_357 = arith.constant 0.000000e+00 : f32
    %broadcast_in_dim3A_358 = vector.broadcast %broadcast_in_dim3A_357 : f32 to vector<16xf32>
    %swap3A_359 = arith.constant 5 : i32
    %swap3A_360 = arith.index_cast %swap3A_359 : i32 to index
    %swap3A_361 = arith.constant 64 : index
    %swap3A_362 = tpu.vector_load %arg20[%swap3A_360, %swap3A_361] {strides = array<i32>} : memref<16x128xf32, #tpu.memory_space<vmem>>, vector<1x16xf32>,
    %swap3A_363 = vector.shape_cast %swap3A_362 : vector<1x16xf32> to vector<16xf32>
    %swap3A_364 = vector.shape_cast %broadcast_in_dim3A_358 : vector<16xf32> to vector<1x16xf32>
    tpu.vector_store %arg20[%swap3A_360, %swap3A_361], %swap3A_364 {strides = array<i32>} : memref<16x128xf32, #tpu.memory_space<vmem>>, vector<1x16xf32>,
    %broadcast_in_dim3A_365 = arith.constant 1.000000e+00 : f32
    %broadcast_in_dim3A_366 = vector.broadcast %broadcast_in_dim3A_365 : f32 to vector<16xf32>
    %swap3A_367 = arith.constant 5 : i32
    %swap3A_368 = arith.index_cast %swap3A_367 : i32 to index
    %swap3A_369 = arith.constant 80 : index
    %swap3A_370 = tpu.vector_load %arg20[%swap3A_368, %swap3A_369] {strides = array<i32>} : memref<16x128xf32, #tpu.memory_space<vmem>>, vector<1x16xf32>,
    %swap3A_371 = vector.shape_cast %swap3A_370 : vector<1x16xf32> to vector<16xf32>
    %swap3A_372 = vector.shape_cast %broadcast_in_dim3A_366 : vector<16xf32> to vector<1x16xf32>
    tpu.vector_store %arg20[%swap3A_368, %swap3A_369], %swap3A_372 {strides = array<i32>} : memref<16x128xf32, #tpu.memory_space<vmem>>, vector<1x16xf32>,
    %broadcast_in_dim3A_373 = arith.constant 0.000000e+00 : f32
    %broadcast_in_dim3A_374 = vector.broadcast %broadcast_in_dim3A_373 : f32 to vector<16xf32>
    %swap3A_375 = arith.constant 5 : i32
    %swap3A_376 = arith.index_cast %swap3A_375 : i32 to index
    %swap3A_377 = arith.constant 96 : index
    %swap3A_378 = tpu.vector_load %arg20[%swap3A_376, %swap3A_377] {strides = array<i32>} : memref<16x128xf32, #tpu.memory_space<vmem>>, vector<1x16xf32>,
    %swap3A_379 = vector.shape_cast %swap3A_378 : vector<1x16xf32> to vector<16xf32>
    %swap3A_380 = vector.shape_cast %broadcast_in_dim3A_374 : vector<16xf32> to vector<1x16xf32>
    tpu.vector_store %arg20[%swap3A_376, %swap3A_377], %swap3A_380 {strides = array<i32>} : memref<16x128xf32, #tpu.memory_space<vmem>>, vector<1x16xf32>,
    %broadcast_in_dim3A_381 = arith.constant 0.000000e+00 : f32
    %broadcast_in_dim3A_382 = vector.broadcast %broadcast_in_dim3A_381 : f32 to vector<16xf32>
    %swap3A_383 = arith.constant 5 : i32
    %swap3A_384 = arith.index_cast %swap3A_383 : i32 to index
    %swap3A_385 = arith.constant 112 : index
    %swap3A_386 = tpu.vector_load %arg20[%swap3A_384, %swap3A_385] {strides = array<i32>} : memref<16x128xf32, #tpu.memory_space<vmem>>, vector<1x16xf32>,
    %swap3A_387 = vector.shape_cast %swap3A_386 : vector<1x16xf32> to vector<16xf32>
    %swap3A_388 = vector.shape_cast %broadcast_in_dim3A_382 : vector<16xf32> to vector<1x16xf32>
    tpu.vector_store %arg20[%swap3A_384, %swap3A_385], %swap3A_388 {strides = array<i32>} : memref<16x128xf32, #tpu.memory_space<vmem>>, vector<1x16xf32>,
    %broadcast_in_dim3A_389 = arith.constant 0.000000e+00 : f32
    %broadcast_in_dim3A_390 = vector.broadcast %broadcast_in_dim3A_389 : f32 to vector<16xf32>
    %swap3A_391 = arith.constant 6 : i32
    %swap3A_392 = arith.index_cast %swap3A_391 : i32 to index
    %swap3A_393 = arith.constant 0 : index
    %swap3A_394 = tpu.vector_load %arg20[%swap3A_392, %swap3A_393] {strides = array<i32>} : memref<16x128xf32, #tpu.memory_space<vmem>>, vector<1x16xf32>,
    %swap3A_395 = vector.shape_cast %swap3A_394 : vector<1x16xf32> to vector<16xf32>
    %swap3A_396 = vector.shape_cast %broadcast_in_dim3A_390 : vector<16xf32> to vector<1x16xf32>
    tpu.vector_store %arg20[%swap3A_392, %swap3A_393], %swap3A_396 {strides = array<i32>} : memref<16x128xf32, #tpu.memory_space<vmem>>, vector<1x16xf32>,
    %broadcast_in_dim3A_397 = arith.constant 0.000000e+00 : f32
    %broadcast_in_dim3A_398 = vector.broadcast %broadcast_in_dim3A_397 : f32 to vector<16xf32>
    %swap3A_399 = arith.constant 6 : i32
    %swap3A_400 = arith.index_cast %swap3A_399 : i32 to index
    %swap3A_401 = arith.constant 16 : index
    %swap3A_402 = tpu.vector_load %arg20[%swap3A_400, %swap3A_401] {strides = array<i32>} : memref<16x128xf32, #tpu.memory_space<vmem>>, vector<1x16xf32>,
    %swap3A_403 = vector.shape_cast %swap3A_402 : vector<1x16xf32> to vector<16xf32>
    %swap3A_404 = vector.shape_cast %broadcast_in_dim3A_398 : vector<16xf32> to vector<1x16xf32>
    tpu.vector_store %arg20[%swap3A_400, %swap3A_401], %swap3A_404 {strides = array<i32>} : memref<16x128xf32, #tpu.memory_space<vmem>>, vector<1x16xf32>,
    %broadcast_in_dim3A_405 = arith.constant 0.000000e+00 : f32
    %broadcast_in_dim3A_406 = vector.broadcast %broadcast_in_dim3A_405 : f32 to vector<16xf32>
    %swap3A_407 = arith.constant 6 : i32
    %swap3A_408 = arith.index_cast %swap3A_407 : i32 to index
    %swap3A_409 = arith.constant 32 : index
    %swap3A_410 = tpu.vector_load %arg20[%swap3A_408, %swap3A_409] {strides = array<i32>} : memref<16x128xf32, #tpu.memory_space<vmem>>, vector<1x16xf32>,
    %swap3A_411 = vector.shape_cast %swap3A_410 : vector<1x16xf32> to vector<16xf32>
    %swap3A_412 = vector.shape_cast %broadcast_in_dim3A_406 : vector<16xf32> to vector<1x16xf32>
    tpu.vector_store %arg20[%swap3A_408, %swap3A_409], %swap3A_412 {strides = array<i32>} : memref<16x128xf32, #tpu.memory_space<vmem>>, vector<1x16xf32>,
    %broadcast_in_dim3A_413 = arith.constant 0.000000e+00 : f32
    %broadcast_in_dim3A_414 = vector.broadcast %broadcast_in_dim3A_413 : f32 to vector<16xf32>
    %swap3A_415 = arith.constant 6 : i32
    %swap3A_416 = arith.index_cast %swap3A_415 : i32 to index
    %swap3A_417 = arith.constant 48 : index
    %swap3A_418 = tpu.vector_load %arg20[%swap3A_416, %swap3A_417] {strides = array<i32>} : memref<16x128xf32, #tpu.memory_space<vmem>>, vector<1x16xf32>,
    %swap3A_419 = vector.shape_cast %swap3A_418 : vector<1x16xf32> to vector<16xf32>
    %swap3A_420 = vector.shape_cast %broadcast_in_dim3A_414 : vector<16xf32> to vector<1x16xf32>
    tpu.vector_store %arg20[%swap3A_416, %swap3A_417], %swap3A_420 {strides = array<i32>} : memref<16x128xf32, #tpu.memory_space<vmem>>, vector<1x16xf32>,
    %broadcast_in_dim3A_421 = arith.constant 0.000000e+00 : f32
    %broadcast_in_dim3A_422 = vector.broadcast %broadcast_in_dim3A_421 : f32 to vector<16xf32>
    %swap3A_423 = arith.constant 6 : i32
    %swap3A_424 = arith.index_cast %swap3A_423 : i32 to index
    %swap3A_425 = arith.constant 64 : index
    %swap3A_426 = tpu.vector_load %arg20[%swap3A_424, %swap3A_425] {strides = array<i32>} : memref<16x128xf32, #tpu.memory_space<vmem>>, vector<1x16xf32>,
    %swap3A_427 = vector.shape_cast %swap3A_426 : vector<1x16xf32> to vector<16xf32>
    %swap3A_428 = vector.shape_cast %broadcast_in_dim3A_422 : vector<16xf32> to vector<1x16xf32>
    tpu.vector_store %arg20[%swap3A_424, %swap3A_425], %swap3A_428 {strides = array<i32>} : memref<16x128xf32, #tpu.memory_space<vmem>>, vector<1x16xf32>,
    %broadcast_in_dim3A_429 = arith.constant 0.000000e+00 : f32
    %broadcast_in_dim3A_430 = vector.broadcast %broadcast_in_dim3A_429 : f32 to vector<16xf32>
    %swap3A_431 = arith.constant 6 : i32
    %swap3A_432 = arith.index_cast %swap3A_431 : i32 to index
    %swap3A_433 = arith.constant 80 : index
    %swap3A_434 = tpu.vector_load %arg20[%swap3A_432, %swap3A_433] {strides = array<i32>} : memref<16x128xf32, #tpu.memory_space<vmem>>, vector<1x16xf32>,
    %swap3A_435 = vector.shape_cast %swap3A_434 : vector<1x16xf32> to vector<16xf32>
    %swap3A_436 = vector.shape_cast %broadcast_in_dim3A_430 : vector<16xf32> to vector<1x16xf32>
    tpu.vector_store %arg20[%swap3A_432, %swap3A_433], %swap3A_436 {strides = array<i32>} : memref<16x128xf32, #tpu.memory_space<vmem>>, vector<1x16xf32>,
    %broadcast_in_dim3A_437 = arith.constant 1.000000e+00 : f32
    %broadcast_in_dim3A_438 = vector.broadcast %broadcast_in_dim3A_437 : f32 to vector<16xf32>
    %swap3A_439 = arith.constant 6 : i32
    %swap3A_440 = arith.index_cast %swap3A_439 : i32 to index
    %swap3A_441 = arith.constant 96 : index
    %swap3A_442 = tpu.vector_load %arg20[%swap3A_440, %swap3A_441] {strides = array<i32>} : memref<16x128xf32, #tpu.memory_space<vmem>>, vector<1x16xf32>,
    %swap3A_443 = vector.shape_cast %swap3A_442 : vector<1x16xf32> to vector<16xf32>
    %swap3A_444 = vector.shape_cast %broadcast_in_dim3A_438 : vector<16xf32> to vector<1x16xf32>
    tpu.vector_store %arg20[%swap3A_440, %swap3A_441], %swap3A_444 {strides = array<i32>} : memref<16x128xf32, #tpu.memory_space<vmem>>, vector<1x16xf32>,
    %broadcast_in_dim3A_445 = arith.constant 0.000000e+00 : f32
    %broadcast_in_dim3A_446 = vector.broadcast %broadcast_in_dim3A_445 : f32 to vector<16xf32>
    %swap3A_447 = arith.constant 6 : i32
    %swap3A_448 = arith.index_cast %swap3A_447 : i32 to index
    %swap3A_449 = arith.constant 112 : index
    %swap3A_450 = tpu.vector_load %arg20[%swap3A_448, %swap3A_449] {strides = array<i32>} : memref<16x128xf32, #tpu.memory_space<vmem>>, vector<1x16xf32>,
    %swap3A_451 = vector.shape_cast %swap3A_450 : vector<1x16xf32> to vector<16xf32>
    %swap3A_452 = vector.shape_cast %broadcast_in_dim3A_446 : vector<16xf32> to vector<1x16xf32>
    tpu.vector_store %arg20[%swap3A_448, %swap3A_449], %swap3A_452 {strides = array<i32>} : memref<16x128xf32, #tpu.memory_space<vmem>>, vector<1x16xf32>,
    %broadcast_in_dim3A_453 = arith.constant 0.000000e+00 : f32
    %broadcast_in_dim3A_454 = vector.broadcast %broadcast_in_dim3A_453 : f32 to vector<16xf32>
    %swap3A_455 = arith.constant 7 : i32
    %swap3A_456 = arith.index_cast %swap3A_455 : i32 to index
    %swap3A_457 = arith.constant 0 : index
    %swap3A_458 = tpu.vector_load %arg20[%swap3A_456, %swap3A_457] {strides = array<i32>} : memref<16x128xf32, #tpu.memory_space<vmem>>, vector<1x16xf32>,
    %swap3A_459 = vector.shape_cast %swap3A_458 : vector<1x16xf32> to vector<16xf32>
    %swap3A_460 = vector.shape_cast %broadcast_in_dim3A_454 : vector<16xf32> to vector<1x16xf32>
    tpu.vector_store %arg20[%swap3A_456, %swap3A_457], %swap3A_460 {strides = array<i32>} : memref<16x128xf32, #tpu.memory_space<vmem>>, vector<1x16xf32>,
    %broadcast_in_dim3A_461 = arith.constant 0.000000e+00 : f32
    %broadcast_in_dim3A_462 = vector.broadcast %broadcast_in_dim3A_461 : f32 to vector<16xf32>
    %swap3A_463 = arith.constant 7 : i32
    %swap3A_464 = arith.index_cast %swap3A_463 : i32 to index
    %swap3A_465 = arith.constant 16 : index
    %swap3A_466 = tpu.vector_load %arg20[%swap3A_464, %swap3A_465] {strides = array<i32>} : memref<16x128xf32, #tpu.memory_space<vmem>>, vector<1x16xf32>,
    %swap3A_467 = vector.shape_cast %swap3A_466 : vector<1x16xf32> to vector<16xf32>
    %swap3A_468 = vector.shape_cast %broadcast_in_dim3A_462 : vector<16xf32> to vector<1x16xf32>
    tpu.vector_store %arg20[%swap3A_464, %swap3A_465], %swap3A_468 {strides = array<i32>} : memref<16x128xf32, #tpu.memory_space<vmem>>, vector<1x16xf32>,
    %broadcast_in_dim3A_469 = arith.constant 0.000000e+00 : f32
    %broadcast_in_dim3A_470 = vector.broadcast %broadcast_in_dim3A_469 : f32 to vector<16xf32>
    %swap3A_471 = arith.constant 7 : i32
    %swap3A_472 = arith.index_cast %swap3A_471 : i32 to index
    %swap3A_473 = arith.constant 32 : index
    %swap3A_474 = tpu.vector_load %arg20[%swap3A_472, %swap3A_473] {strides = array<i32>} : memref<16x128xf32, #tpu.memory_space<vmem>>, vector<1x16xf32>,
    %swap3A_475 = vector.shape_cast %swap3A_474 : vector<1x16xf32> to vector<16xf32>
    %swap3A_476 = vector.shape_cast %broadcast_in_dim3A_470 : vector<16xf32> to vector<1x16xf32>
    tpu.vector_store %arg20[%swap3A_472, %swap3A_473], %swap3A_476 {strides = array<i32>} : memref<16x128xf32, #tpu.memory_space<vmem>>, vector<1x16xf32>,
    %broadcast_in_dim3A_477 = arith.constant 0.000000e+00 : f32
    %broadcast_in_dim3A_478 = vector.broadcast %broadcast_in_dim3A_477 : f32 to vector<16xf32>
    %swap3A_479 = arith.constant 7 : i32
    %swap3A_480 = arith.index_cast %swap3A_479 : i32 to index
    %swap3A_481 = arith.constant 48 : index
    %swap3A_482 = tpu.vector_load %arg20[%swap3A_480, %swap3A_481] {strides = array<i32>} : memref<16x128xf32, #tpu.memory_space<vmem>>, vector<1x16xf32>,
    %swap3A_483 = vector.shape_cast %swap3A_482 : vector<1x16xf32> to vector<16xf32>
    %swap3A_484 = vector.shape_cast %broadcast_in_dim3A_478 : vector<16xf32> to vector<1x16xf32>
    tpu.vector_store %arg20[%swap3A_480, %swap3A_481], %swap3A_484 {strides = array<i32>} : memref<16x128xf32, #tpu.memory_space<vmem>>, vector<1x16xf32>,
    %broadcast_in_dim3A_485 = arith.constant 0.000000e+00 : f32
    %broadcast_in_dim3A_486 = vector.broadcast %broadcast_in_dim3A_485 : f32 to vector<16xf32>
    %swap3A_487 = arith.constant 7 : i32
    %swap3A_488 = arith.index_cast %swap3A_487 : i32 to index
    %swap3A_489 = arith.constant 64 : index
    %swap3A_490 = tpu.vector_load %arg20[%swap3A_488, %swap3A_489] {strides = array<i32>} : memref<16x128xf32, #tpu.memory_space<vmem>>, vector<1x16xf32>,
    %swap3A_491 = vector.shape_cast %swap3A_490 : vector<1x16xf32> to vector<16xf32>
    %swap3A_492 = vector.shape_cast %broadcast_in_dim3A_486 : vector<16xf32> to vector<1x16xf32>
    tpu.vector_store %arg20[%swap3A_488, %swap3A_489], %swap3A_492 {strides = array<i32>} : memref<16x128xf32, #tpu.memory_space<vmem>>, vector<1x16xf32>,
    %broadcast_in_dim3A_493 = arith.constant 0.000000e+00 : f32
    %broadcast_in_dim3A_494 = vector.broadcast %broadcast_in_dim3A_493 : f32 to vector<16xf32>
    %swap3A_495 = arith.constant 7 : i32
    %swap3A_496 = arith.index_cast %swap3A_495 : i32 to index
    %swap3A_497 = arith.constant 80 : index
    %swap3A_498 = tpu.vector_load %arg20[%swap3A_496, %swap3A_497] {strides = array<i32>} : memref<16x128xf32, #tpu.memory_space<vmem>>, vector<1x16xf32>,
    %swap3A_499 = vector.shape_cast %swap3A_498 : vector<1x16xf32> to vector<16xf32>
    %swap3A_500 = vector.shape_cast %broadcast_in_dim3A_494 : vector<16xf32> to vector<1x16xf32>
    tpu.vector_store %arg20[%swap3A_496, %swap3A_497], %swap3A_500 {strides = array<i32>} : memref<16x128xf32, #tpu.memory_space<vmem>>, vector<1x16xf32>,
    %broadcast_in_dim3A_501 = arith.constant 0.000000e+00 : f32
    %broadcast_in_dim3A_502 = vector.broadcast %broadcast_in_dim3A_501 : f32 to vector<16xf32>
    %swap3A_503 = arith.constant 7 : i32
    %swap3A_504 = arith.index_cast %swap3A_503 : i32 to index
    %swap3A_505 = arith.constant 96 : index
    %swap3A_506 = tpu.vector_load %arg20[%swap3A_504, %swap3A_505] {strides = array<i32>} : memref<16x128xf32, #tpu.memory_space<vmem>>, vector<1x16xf32>,
    %swap3A_507 = vector.shape_cast %swap3A_506 : vector<1x16xf32> to vector<16xf32>
    %swap3A_508 = vector.shape_cast %broadcast_in_dim3A_502 : vector<16xf32> to vector<1x16xf32>
    tpu.vector_store %arg20[%swap3A_504, %swap3A_505], %swap3A_508 {strides = array<i32>} : memref<16x128xf32, #tpu.memory_space<vmem>>, vector<1x16xf32>,
    %broadcast_in_dim3A_509 = arith.constant 1.000000e+00 : f32
    %broadcast_in_dim3A_510 = vector.broadcast %broadcast_in_dim3A_509 : f32 to vector<16xf32>
    %swap3A_511 = arith.constant 7 : i32
    %swap3A_512 = arith.index_cast %swap3A_511 : i32 to index
    %swap3A_513 = arith.constant 112 : index
    %swap3A_514 = tpu.vector_load %arg20[%swap3A_512, %swap3A_513] {strides = array<i32>} : memref<16x128xf32, #tpu.memory_space<vmem>>, vector<1x16xf32>,
    %swap3A_515 = vector.shape_cast %swap3A_514 : vector<1x16xf32> to vector<16xf32>
    %swap3A_516 = vector.shape_cast %broadcast_in_dim3A_510 : vector<16xf32> to vector<1x16xf32>
    tpu.vector_store %arg20[%swap3A_512, %swap3A_513], %swap3A_516 {strides = array<i32>} : memref<16x128xf32, #tpu.memory_space<vmem>>, vector<1x16xf32>,
    %broadcast_in_dim3A_517 = arith.constant 1.000000e+00 : f32
    %broadcast_in_dim3A_518 = vector.broadcast %broadcast_in_dim3A_517 : f32 to vector<16xf32>
    %swap3A_519 = arith.constant 8 : i32
    %swap3A_520 = arith.index_cast %swap3A_519 : i32 to index
    %swap3A_521 = arith.constant 0 : index
    %swap3A_522 = tpu.vector_load %arg20[%swap3A_520, %swap3A_521] {strides = array<i32>} : memref<16x128xf32, #tpu.memory_space<vmem>>, vector<1x16xf32>,
    %swap3A_523 = vector.shape_cast %swap3A_522 : vector<1x16xf32> to vector<16xf32>
    %swap3A_524 = vector.shape_cast %broadcast_in_dim3A_518 : vector<16xf32> to vector<1x16xf32>
    tpu.vector_store %arg20[%swap3A_520, %swap3A_521], %swap3A_524 {strides = array<i32>} : memref<16x128xf32, #tpu.memory_space<vmem>>, vector<1x16xf32>,
    %broadcast_in_dim3A_525 = arith.constant 0.000000e+00 : f32
    %broadcast_in_dim3A_526 = vector.broadcast %broadcast_in_dim3A_525 : f32 to vector<16xf32>
    %swap3A_527 = arith.constant 8 : i32
    %swap3A_528 = arith.index_cast %swap3A_527 : i32 to index
    %swap3A_529 = arith.constant 16 : index
    %swap3A_530 = tpu.vector_load %arg20[%swap3A_528, %swap3A_529] {strides = array<i32>} : memref<16x128xf32, #tpu.memory_space<vmem>>, vector<1x16xf32>,
    %swap3A_531 = vector.shape_cast %swap3A_530 : vector<1x16xf32> to vector<16xf32>
    %swap3A_532 = vector.shape_cast %broadcast_in_dim3A_526 : vector<16xf32> to vector<1x16xf32>
    tpu.vector_store %arg20[%swap3A_528, %swap3A_529], %swap3A_532 {strides = array<i32>} : memref<16x128xf32, #tpu.memory_space<vmem>>, vector<1x16xf32>,
    %broadcast_in_dim3A_533 = arith.constant 0.000000e+00 : f32
    %broadcast_in_dim3A_534 = vector.broadcast %broadcast_in_dim3A_533 : f32 to vector<16xf32>
    %swap3A_535 = arith.constant 8 : i32
    %swap3A_536 = arith.index_cast %swap3A_535 : i32 to index
    %swap3A_537 = arith.constant 32 : index
    %swap3A_538 = tpu.vector_load %arg20[%swap3A_536, %swap3A_537] {strides = array<i32>} : memref<16x128xf32, #tpu.memory_space<vmem>>, vector<1x16xf32>,
    %swap3A_539 = vector.shape_cast %swap3A_538 : vector<1x16xf32> to vector<16xf32>
    %swap3A_540 = vector.shape_cast %broadcast_in_dim3A_534 : vector<16xf32> to vector<1x16xf32>
    tpu.vector_store %arg20[%swap3A_536, %swap3A_537], %swap3A_540 {strides = array<i32>} : memref<16x128xf32, #tpu.memory_space<vmem>>, vector<1x16xf32>,
    %broadcast_in_dim3A_541 = arith.constant 0.000000e+00 : f32
    %broadcast_in_dim3A_542 = vector.broadcast %broadcast_in_dim3A_541 : f32 to vector<16xf32>
    %swap3A_543 = arith.constant 8 : i32
    %swap3A_544 = arith.index_cast %swap3A_543 : i32 to index
    %swap3A_545 = arith.constant 48 : index
    %swap3A_546 = tpu.vector_load %arg20[%swap3A_544, %swap3A_545] {strides = array<i32>} : memref<16x128xf32, #tpu.memory_space<vmem>>, vector<1x16xf32>,
    %swap3A_547 = vector.shape_cast %swap3A_546 : vector<1x16xf32> to vector<16xf32>
    %swap3A_548 = vector.shape_cast %broadcast_in_dim3A_542 : vector<16xf32> to vector<1x16xf32>
    tpu.vector_store %arg20[%swap3A_544, %swap3A_545], %swap3A_548 {strides = array<i32>} : memref<16x128xf32, #tpu.memory_space<vmem>>, vector<1x16xf32>,
    %broadcast_in_dim3A_549 = arith.constant 0.000000e+00 : f32
    %broadcast_in_dim3A_550 = vector.broadcast %broadcast_in_dim3A_549 : f32 to vector<16xf32>
    %swap3A_551 = arith.constant 8 : i32
    %swap3A_552 = arith.index_cast %swap3A_551 : i32 to index
    %swap3A_553 = arith.constant 64 : index
    %swap3A_554 = tpu.vector_load %arg20[%swap3A_552, %swap3A_553] {strides = array<i32>} : memref<16x128xf32, #tpu.memory_space<vmem>>, vector<1x16xf32>,
    %swap3A_555 = vector.shape_cast %swap3A_554 : vector<1x16xf32> to vector<16xf32>
    %swap3A_556 = vector.shape_cast %broadcast_in_dim3A_550 : vector<16xf32> to vector<1x16xf32>
    tpu.vector_store %arg20[%swap3A_552, %swap3A_553], %swap3A_556 {strides = array<i32>} : memref<16x128xf32, #tpu.memory_space<vmem>>, vector<1x16xf32>,
    %broadcast_in_dim3A_557 = arith.constant 0.000000e+00 : f32
    %broadcast_in_dim3A_558 = vector.broadcast %broadcast_in_dim3A_557 : f32 to vector<16xf32>
    %swap3A_559 = arith.constant 8 : i32
    %swap3A_560 = arith.index_cast %swap3A_559 : i32 to index
    %swap3A_561 = arith.constant 80 : index
    %swap3A_562 = tpu.vector_load %arg20[%swap3A_560, %swap3A_561] {strides = array<i32>} : memref<16x128xf32, #tpu.memory_space<vmem>>, vector<1x16xf32>,
    %swap3A_563 = vector.shape_cast %swap3A_562 : vector<1x16xf32> to vector<16xf32>
    %swap3A_564 = vector.shape_cast %broadcast_in_dim3A_558 : vector<16xf32> to vector<1x16xf32>
    tpu.vector_store %arg20[%swap3A_560, %swap3A_561], %swap3A_564 {strides = array<i32>} : memref<16x128xf32, #tpu.memory_space<vmem>>, vector<1x16xf32>,
    %broadcast_in_dim3A_565 = arith.constant 0.000000e+00 : f32
    %broadcast_in_dim3A_566 = vector.broadcast %broadcast_in_dim3A_565 : f32 to vector<16xf32>
    %swap3A_567 = arith.constant 8 : i32
    %swap3A_568 = arith.index_cast %swap3A_567 : i32 to index
    %swap3A_569 = arith.constant 96 : index
    %swap3A_570 = tpu.vector_load %arg20[%swap3A_568, %swap3A_569] {strides = array<i32>} : memref<16x128xf32, #tpu.memory_space<vmem>>, vector<1x16xf32>,
    %swap3A_571 = vector.shape_cast %swap3A_570 : vector<1x16xf32> to vector<16xf32>
    %swap3A_572 = vector.shape_cast %broadcast_in_dim3A_566 : vector<16xf32> to vector<1x16xf32>
    tpu.vector_store %arg20[%swap3A_568, %swap3A_569], %swap3A_572 {strides = array<i32>} : memref<16x128xf32, #tpu.memory_space<vmem>>, vector<1x16xf32>,
    %broadcast_in_dim3A_573 = arith.constant 0.000000e+00 : f32
    %broadcast_in_dim3A_574 = vector.broadcast %broadcast_in_dim3A_573 : f32 to vector<16xf32>
    %swap3A_575 = arith.constant 8 : i32
    %swap3A_576 = arith.index_cast %swap3A_575 : i32 to index
    %swap3A_577 = arith.constant 112 : index
    %swap3A_578 = tpu.vector_load %arg20[%swap3A_576, %swap3A_577] {strides = array<i32>} : memref<16x128xf32, #tpu.memory_space<vmem>>, vector<1x16xf32>,
    %swap3A_579 = vector.shape_cast %swap3A_578 : vector<1x16xf32> to vector<16xf32>
    %swap3A_580 = vector.shape_cast %broadcast_in_dim3A_574 : vector<16xf32> to vector<1x16xf32>
    tpu.vector_store %arg20[%swap3A_576, %swap3A_577], %swap3A_580 {strides = array<i32>} : memref<16x128xf32, #tpu.memory_space<vmem>>, vector<1x16xf32>,
    %broadcast_in_dim3A_581 = arith.constant 0.000000e+00 : f32
    %broadcast_in_dim3A_582 = vector.broadcast %broadcast_in_dim3A_581 : f32 to vector<16xf32>
    %swap3A_583 = arith.constant 9 : i32
    %swap3A_584 = arith.index_cast %swap3A_583 : i32 to index
    %swap3A_585 = arith.constant 0 : index
    %swap3A_586 = tpu.vector_load %arg20[%swap3A_584, %swap3A_585] {strides = array<i32>} : memref<16x128xf32, #tpu.memory_space<vmem>>, vector<1x16xf32>,
    %swap3A_587 = vector.shape_cast %swap3A_586 : vector<1x16xf32> to vector<16xf32>
    %swap3A_588 = vector.shape_cast %broadcast_in_dim3A_582 : vector<16xf32> to vector<1x16xf32>
    tpu.vector_store %arg20[%swap3A_584, %swap3A_585], %swap3A_588 {strides = array<i32>} : memref<16x128xf32, #tpu.memory_space<vmem>>, vector<1x16xf32>,
    %broadcast_in_dim3A_589 = arith.constant 1.000000e+00 : f32
    %broadcast_in_dim3A_590 = vector.broadcast %broadcast_in_dim3A_589 : f32 to vector<16xf32>
    %swap3A_591 = arith.constant 9 : i32
    %swap3A_592 = arith.index_cast %swap3A_591 : i32 to index
    %swap3A_593 = arith.constant 16 : index
    %swap3A_594 = tpu.vector_load %arg20[%swap3A_592, %swap3A_593] {strides = array<i32>} : memref<16x128xf32, #tpu.memory_space<vmem>>, vector<1x16xf32>,
    %swap3A_595 = vector.shape_cast %swap3A_594 : vector<1x16xf32> to vector<16xf32>
    %swap3A_596 = vector.shape_cast %broadcast_in_dim3A_590 : vector<16xf32> to vector<1x16xf32>
    tpu.vector_store %arg20[%swap3A_592, %swap3A_593], %swap3A_596 {strides = array<i32>} : memref<16x128xf32, #tpu.memory_space<vmem>>, vector<1x16xf32>,
    %broadcast_in_dim3A_597 = arith.constant 0.000000e+00 : f32
    %broadcast_in_dim3A_598 = vector.broadcast %broadcast_in_dim3A_597 : f32 to vector<16xf32>
    %swap3A_599 = arith.constant 9 : i32
    %swap3A_600 = arith.index_cast %swap3A_599 : i32 to index
    %swap3A_601 = arith.constant 32 : index
    %swap3A_602 = tpu.vector_load %arg20[%swap3A_600, %swap3A_601] {strides = array<i32>} : memref<16x128xf32, #tpu.memory_space<vmem>>, vector<1x16xf32>,
    %swap3A_603 = vector.shape_cast %swap3A_602 : vector<1x16xf32> to vector<16xf32>
    %swap3A_604 = vector.shape_cast %broadcast_in_dim3A_598 : vector<16xf32> to vector<1x16xf32>
    tpu.vector_store %arg20[%swap3A_600, %swap3A_601], %swap3A_604 {strides = array<i32>} : memref<16x128xf32, #tpu.memory_space<vmem>>, vector<1x16xf32>,
    %broadcast_in_dim3A_605 = arith.constant 0.000000e+00 : f32
    %broadcast_in_dim3A_606 = vector.broadcast %broadcast_in_dim3A_605 : f32 to vector<16xf32>
    %swap3A_607 = arith.constant 9 : i32
    %swap3A_608 = arith.index_cast %swap3A_607 : i32 to index
    %swap3A_609 = arith.constant 48 : index
    %swap3A_610 = tpu.vector_load %arg20[%swap3A_608, %swap3A_609] {strides = array<i32>} : memref<16x128xf32, #tpu.memory_space<vmem>>, vector<1x16xf32>,
    %swap3A_611 = vector.shape_cast %swap3A_610 : vector<1x16xf32> to vector<16xf32>
    %swap3A_612 = vector.shape_cast %broadcast_in_dim3A_606 : vector<16xf32> to vector<1x16xf32>
    tpu.vector_store %arg20[%swap3A_608, %swap3A_609], %swap3A_612 {strides = array<i32>} : memref<16x128xf32, #tpu.memory_space<vmem>>, vector<1x16xf32>,
    %broadcast_in_dim3A_613 = arith.constant 0.000000e+00 : f32
    %broadcast_in_dim3A_614 = vector.broadcast %broadcast_in_dim3A_613 : f32 to vector<16xf32>
    %swap3A_615 = arith.constant 9 : i32
    %swap3A_616 = arith.index_cast %swap3A_615 : i32 to index
    %swap3A_617 = arith.constant 64 : index
    %swap3A_618 = tpu.vector_load %arg20[%swap3A_616, %swap3A_617] {strides = array<i32>} : memref<16x128xf32, #tpu.memory_space<vmem>>, vector<1x16xf32>,
    %swap3A_619 = vector.shape_cast %swap3A_618 : vector<1x16xf32> to vector<16xf32>
    %swap3A_620 = vector.shape_cast %broadcast_in_dim3A_614 : vector<16xf32> to vector<1x16xf32>
    tpu.vector_store %arg20[%swap3A_616, %swap3A_617], %swap3A_620 {strides = array<i32>} : memref<16x128xf32, #tpu.memory_space<vmem>>, vector<1x16xf32>,
    %broadcast_in_dim3A_621 = arith.constant 0.000000e+00 : f32
    %broadcast_in_dim3A_622 = vector.broadcast %broadcast_in_dim3A_621 : f32 to vector<16xf32>
    %swap3A_623 = arith.constant 9 : i32
    %swap3A_624 = arith.index_cast %swap3A_623 : i32 to index
    %swap3A_625 = arith.constant 80 : index
    %swap3A_626 = tpu.vector_load %arg20[%swap3A_624, %swap3A_625] {strides = array<i32>} : memref<16x128xf32, #tpu.memory_space<vmem>>, vector<1x16xf32>,
    %swap3A_627 = vector.shape_cast %swap3A_626 : vector<1x16xf32> to vector<16xf32>
    %swap3A_628 = vector.shape_cast %broadcast_in_dim3A_622 : vector<16xf32> to vector<1x16xf32>
    tpu.vector_store %arg20[%swap3A_624, %swap3A_625], %swap3A_628 {strides = array<i32>} : memref<16x128xf32, #tpu.memory_space<vmem>>, vector<1x16xf32>,
    %broadcast_in_dim3A_629 = arith.constant 0.000000e+00 : f32
    %broadcast_in_dim3A_630 = vector.broadcast %broadcast_in_dim3A_629 : f32 to vector<16xf32>
    %swap3A_631 = arith.constant 9 : i32
    %swap3A_632 = arith.index_cast %swap3A_631 : i32 to index
    %swap3A_633 = arith.constant 96 : index
    %swap3A_634 = tpu.vector_load %arg20[%swap3A_632, %swap3A_633] {strides = array<i32>} : memref<16x128xf32, #tpu.memory_space<vmem>>, vector<1x16xf32>,
    %swap3A_635 = vector.shape_cast %swap3A_634 : vector<1x16xf32> to vector<16xf32>
    %swap3A_636 = vector.shape_cast %broadcast_in_dim3A_630 : vector<16xf32> to vector<1x16xf32>
    tpu.vector_store %arg20[%swap3A_632, %swap3A_633], %swap3A_636 {strides = array<i32>} : memref<16x128xf32, #tpu.memory_space<vmem>>, vector<1x16xf32>,
    %broadcast_in_dim3A_637 = arith.constant 0.000000e+00 : f32
    %broadcast_in_dim3A_638 = vector.broadcast %broadcast_in_dim3A_637 : f32 to vector<16xf32>
    %swap3A_639 = arith.constant 9 : i32
    %swap3A_640 = arith.index_cast %swap3A_639 : i32 to index
    %swap3A_641 = arith.constant 112 : index
    %swap3A_642 = tpu.vector_load %arg20[%swap3A_640, %swap3A_641] {strides = array<i32>} : memref<16x128xf32, #tpu.memory_space<vmem>>, vector<1x16xf32>,
    %swap3A_643 = vector.shape_cast %swap3A_642 : vector<1x16xf32> to vector<16xf32>
    %swap3A_644 = vector.shape_cast %broadcast_in_dim3A_638 : vector<16xf32> to vector<1x16xf32>
    tpu.vector_store %arg20[%swap3A_640, %swap3A_641], %swap3A_644 {strides = array<i32>} : memref<16x128xf32, #tpu.memory_space<vmem>>, vector<1x16xf32>,
    %broadcast_in_dim3A_645 = arith.constant 0.000000e+00 : f32
    %broadcast_in_dim3A_646 = vector.broadcast %broadcast_in_dim3A_645 : f32 to vector<16xf32>
    %swap3A_647 = arith.constant 10 : i32
    %swap3A_648 = arith.index_cast %swap3A_647 : i32 to index
    %swap3A_649 = arith.constant 0 : index
    %swap3A_650 = tpu.vector_load %arg20[%swap3A_648, %swap3A_649] {strides = array<i32>} : memref<16x128xf32, #tpu.memory_space<vmem>>, vector<1x16xf32>,
    %swap3A_651 = vector.shape_cast %swap3A_650 : vector<1x16xf32> to vector<16xf32>
    %swap3A_652 = vector.shape_cast %broadcast_in_dim3A_646 : vector<16xf32> to vector<1x16xf32>
    tpu.vector_store %arg20[%swap3A_648, %swap3A_649], %swap3A_652 {strides = array<i32>} : memref<16x128xf32, #tpu.memory_space<vmem>>, vector<1x16xf32>,
    %broadcast_in_dim3A_653 = arith.constant 0.000000e+00 : f32
    %broadcast_in_dim3A_654 = vector.broadcast %broadcast_in_dim3A_653 : f32 to vector<16xf32>
    %swap3A_655 = arith.constant 10 : i32
    %swap3A_656 = arith.index_cast %swap3A_655 : i32 to index
    %swap3A_657 = arith.constant 16 : index
    %swap3A_658 = tpu.vector_load %arg20[%swap3A_656, %swap3A_657] {strides = array<i32>} : memref<16x128xf32, #tpu.memory_space<vmem>>, vector<1x16xf32>,
    %swap3A_659 = vector.shape_cast %swap3A_658 : vector<1x16xf32> to vector<16xf32>
    %swap3A_660 = vector.shape_cast %broadcast_in_dim3A_654 : vector<16xf32> to vector<1x16xf32>
    tpu.vector_store %arg20[%swap3A_656, %swap3A_657], %swap3A_660 {strides = array<i32>} : memref<16x128xf32, #tpu.memory_space<vmem>>, vector<1x16xf32>,
    %broadcast_in_dim3A_661 = arith.constant 1.000000e+00 : f32
    %broadcast_in_dim3A_662 = vector.broadcast %broadcast_in_dim3A_661 : f32 to vector<16xf32>
    %swap3A_663 = arith.constant 10 : i32
    %swap3A_664 = arith.index_cast %swap3A_663 : i32 to index
    %swap3A_665 = arith.constant 32 : index
    %swap3A_666 = tpu.vector_load %arg20[%swap3A_664, %swap3A_665] {strides = array<i32>} : memref<16x128xf32, #tpu.memory_space<vmem>>, vector<1x16xf32>,
    %swap3A_667 = vector.shape_cast %swap3A_666 : vector<1x16xf32> to vector<16xf32>
    %swap3A_668 = vector.shape_cast %broadcast_in_dim3A_662 : vector<16xf32> to vector<1x16xf32>
    tpu.vector_store %arg20[%swap3A_664, %swap3A_665], %swap3A_668 {strides = array<i32>} : memref<16x128xf32, #tpu.memory_space<vmem>>, vector<1x16xf32>,
    %broadcast_in_dim3A_669 = arith.constant 0.000000e+00 : f32
    %broadcast_in_dim3A_670 = vector.broadcast %broadcast_in_dim3A_669 : f32 to vector<16xf32>
    %swap3A_671 = arith.constant 10 : i32
    %swap3A_672 = arith.index_cast %swap3A_671 : i32 to index
    %swap3A_673 = arith.constant 48 : index
    %swap3A_674 = tpu.vector_load %arg20[%swap3A_672, %swap3A_673] {strides = array<i32>} : memref<16x128xf32, #tpu.memory_space<vmem>>, vector<1x16xf32>,
    %swap3A_675 = vector.shape_cast %swap3A_674 : vector<1x16xf32> to vector<16xf32>
    %swap3A_676 = vector.shape_cast %broadcast_in_dim3A_670 : vector<16xf32> to vector<1x16xf32>
    tpu.vector_store %arg20[%swap3A_672, %swap3A_673], %swap3A_676 {strides = array<i32>} : memref<16x128xf32, #tpu.memory_space<vmem>>, vector<1x16xf32>,
    %broadcast_in_dim3A_677 = arith.constant 0.000000e+00 : f32
    %broadcast_in_dim3A_678 = vector.broadcast %broadcast_in_dim3A_677 : f32 to vector<16xf32>
    %swap3A_679 = arith.constant 10 : i32
    %swap3A_680 = arith.index_cast %swap3A_679 : i32 to index
    %swap3A_681 = arith.constant 64 : index
    %swap3A_682 = tpu.vector_load %arg20[%swap3A_680, %swap3A_681] {strides = array<i32>} : memref<16x128xf32, #tpu.memory_space<vmem>>, vector<1x16xf32>,
    %swap3A_683 = vector.shape_cast %swap3A_682 : vector<1x16xf32> to vector<16xf32>
    %swap3A_684 = vector.shape_cast %broadcast_in_dim3A_678 : vector<16xf32> to vector<1x16xf32>
    tpu.vector_store %arg20[%swap3A_680, %swap3A_681], %swap3A_684 {strides = array<i32>} : memref<16x128xf32, #tpu.memory_space<vmem>>, vector<1x16xf32>,
    %broadcast_in_dim3A_685 = arith.constant 0.000000e+00 : f32
    %broadcast_in_dim3A_686 = vector.broadcast %broadcast_in_dim3A_685 : f32 to vector<16xf32>
    %swap3A_687 = arith.constant 10 : i32
    %swap3A_688 = arith.index_cast %swap3A_687 : i32 to index
    %swap3A_689 = arith.constant 80 : index
    %swap3A_690 = tpu.vector_load %arg20[%swap3A_688, %swap3A_689] {strides = array<i32>} : memref<16x128xf32, #tpu.memory_space<vmem>>, vector<1x16xf32>,
    %swap3A_691 = vector.shape_cast %swap3A_690 : vector<1x16xf32> to vector<16xf32>
    %swap3A_692 = vector.shape_cast %broadcast_in_dim3A_686 : vector<16xf32> to vector<1x16xf32>
    tpu.vector_store %arg20[%swap3A_688, %swap3A_689], %swap3A_692 {strides = array<i32>} : memref<16x128xf32, #tpu.memory_space<vmem>>, vector<1x16xf32>,
    %broadcast_in_dim3A_693 = arith.constant 0.000000e+00 : f32
    %broadcast_in_dim3A_694 = vector.broadcast %broadcast_in_dim3A_693 : f32 to vector<16xf32>
    %swap3A_695 = arith.constant 10 : i32
    %swap3A_696 = arith.index_cast %swap3A_695 : i32 to index
    %swap3A_697 = arith.constant 96 : index
    %swap3A_698 = tpu.vector_load %arg20[%swap3A_696, %swap3A_697] {strides = array<i32>} : memref<16x128xf32, #tpu.memory_space<vmem>>, vector<1x16xf32>,
    %swap3A_699 = vector.shape_cast %swap3A_698 : vector<1x16xf32> to vector<16xf32>
    %swap3A_700 = vector.shape_cast %broadcast_in_dim3A_694 : vector<16xf32> to vector<1x16xf32>
    tpu.vector_store %arg20[%swap3A_696, %swap3A_697], %swap3A_700 {strides = array<i32>} : memref<16x128xf32, #tpu.memory_space<vmem>>, vector<1x16xf32>,
    %broadcast_in_dim3A_701 = arith.constant 0.000000e+00 : f32
    %broadcast_in_dim3A_702 = vector.broadcast %broadcast_in_dim3A_701 : f32 to vector<16xf32>
    %swap3A_703 = arith.constant 10 : i32
    %swap3A_704 = arith.index_cast %swap3A_703 : i32 to index
    %swap3A_705 = arith.constant 112 : index
    %swap3A_706 = tpu.vector_load %arg20[%swap3A_704, %swap3A_705] {strides = array<i32>} : memref<16x128xf32, #tpu.memory_space<vmem>>, vector<1x16xf32>,
    %swap3A_707 = vector.shape_cast %swap3A_706 : vector<1x16xf32> to vector<16xf32>
    %swap3A_708 = vector.shape_cast %broadcast_in_dim3A_702 : vector<16xf32> to vector<1x16xf32>
    tpu.vector_store %arg20[%swap3A_704, %swap3A_705], %swap3A_708 {strides = array<i32>} : memref<16x128xf32, #tpu.memory_space<vmem>>, vector<1x16xf32>,
    %broadcast_in_dim3A_709 = arith.constant 0.000000e+00 : f32
    %broadcast_in_dim3A_710 = vector.broadcast %broadcast_in_dim3A_709 : f32 to vector<16xf32>
    %swap3A_711 = arith.constant 11 : i32
    %swap3A_712 = arith.index_cast %swap3A_711 : i32 to index
    %swap3A_713 = arith.constant 0 : index
    %swap3A_714 = tpu.vector_load %arg20[%swap3A_712, %swap3A_713] {strides = array<i32>} : memref<16x128xf32, #tpu.memory_space<vmem>>, vector<1x16xf32>,
    %swap3A_715 = vector.shape_cast %swap3A_714 : vector<1x16xf32> to vector<16xf32>
    %swap3A_716 = vector.shape_cast %broadcast_in_dim3A_710 : vector<16xf32> to vector<1x16xf32>
    tpu.vector_store %arg20[%swap3A_712, %swap3A_713], %swap3A_716 {strides = array<i32>} : memref<16x128xf32, #tpu.memory_space<vmem>>, vector<1x16xf32>,
    %broadcast_in_dim3A_717 = arith.constant 0.000000e+00 : f32
    %broadcast_in_dim3A_718 = vector.broadcast %broadcast_in_dim3A_717 : f32 to vector<16xf32>
    %swap3A_719 = arith.constant 11 : i32
    %swap3A_720 = arith.index_cast %swap3A_719 : i32 to index
    %swap3A_721 = arith.constant 16 : index
    %swap3A_722 = tpu.vector_load %arg20[%swap3A_720, %swap3A_721] {strides = array<i32>} : memref<16x128xf32, #tpu.memory_space<vmem>>, vector<1x16xf32>,
    %swap3A_723 = vector.shape_cast %swap3A_722 : vector<1x16xf32> to vector<16xf32>
    %swap3A_724 = vector.shape_cast %broadcast_in_dim3A_718 : vector<16xf32> to vector<1x16xf32>
    tpu.vector_store %arg20[%swap3A_720, %swap3A_721], %swap3A_724 {strides = array<i32>} : memref<16x128xf32, #tpu.memory_space<vmem>>, vector<1x16xf32>,
    %broadcast_in_dim3A_725 = arith.constant 0.000000e+00 : f32
    %broadcast_in_dim3A_726 = vector.broadcast %broadcast_in_dim3A_725 : f32 to vector<16xf32>
    %swap3A_727 = arith.constant 11 : i32
    %swap3A_728 = arith.index_cast %swap3A_727 : i32 to index
    %swap3A_729 = arith.constant 32 : index
    %swap3A_730 = tpu.vector_load %arg20[%swap3A_728, %swap3A_729] {strides = array<i32>} : memref<16x128xf32, #tpu.memory_space<vmem>>, vector<1x16xf32>,
    %swap3A_731 = vector.shape_cast %swap3A_730 : vector<1x16xf32> to vector<16xf32>
    %swap3A_732 = vector.shape_cast %broadcast_in_dim3A_726 : vector<16xf32> to vector<1x16xf32>
    tpu.vector_store %arg20[%swap3A_728, %swap3A_729], %swap3A_732 {strides = array<i32>} : memref<16x128xf32, #tpu.memory_space<vmem>>, vector<1x16xf32>,
    %broadcast_in_dim3A_733 = arith.constant 1.000000e+00 : f32
    %broadcast_in_dim3A_734 = vector.broadcast %broadcast_in_dim3A_733 : f32 to vector<16xf32>
    %swap3A_735 = arith.constant 11 : i32
    %swap3A_736 = arith.index_cast %swap3A_735 : i32 to index
    %swap3A_737 = arith.constant 48 : index
    %swap3A_738 = tpu.vector_load %arg20[%swap3A_736, %swap3A_737] {strides = array<i32>} : memref<16x128xf32, #tpu.memory_space<vmem>>, vector<1x16xf32>,
    %swap3A_739 = vector.shape_cast %swap3A_738 : vector<1x16xf32> to vector<16xf32>
    %swap3A_740 = vector.shape_cast %broadcast_in_dim3A_734 : vector<16xf32> to vector<1x16xf32>
    tpu.vector_store %arg20[%swap3A_736, %swap3A_737], %swap3A_740 {strides = array<i32>} : memref<16x128xf32, #tpu.memory_space<vmem>>, vector<1x16xf32>,
    %broadcast_in_dim3A_741 = arith.constant 0.000000e+00 : f32
    %broadcast_in_dim3A_742 = vector.broadcast %broadcast_in_dim3A_741 : f32 to vector<16xf32>
    %swap3A_743 = arith.constant 11 : i32
    %swap3A_744 = arith.index_cast %swap3A_743 : i32 to index
    %swap3A_745 = arith.constant 64 : index
    %swap3A_746 = tpu.vector_load %arg20[%swap3A_744, %swap3A_745] {strides = array<i32>} : memref<16x128xf32, #tpu.memory_space<vmem>>, vector<1x16xf32>,
    %swap3A_747 = vector.shape_cast %swap3A_746 : vector<1x16xf32> to vector<16xf32>
    %swap3A_748 = vector.shape_cast %broadcast_in_dim3A_742 : vector<16xf32> to vector<1x16xf32>
    tpu.vector_store %arg20[%swap3A_744, %swap3A_745], %swap3A_748 {strides = array<i32>} : memref<16x128xf32, #tpu.memory_space<vmem>>, vector<1x16xf32>,
    %broadcast_in_dim3A_749 = arith.constant 0.000000e+00 : f32
    %broadcast_in_dim3A_750 = vector.broadcast %broadcast_in_dim3A_749 : f32 to vector<16xf32>
    %swap3A_751 = arith.constant 11 : i32
    %swap3A_752 = arith.index_cast %swap3A_751 : i32 to index
    %swap3A_753 = arith.constant 80 : index
    %swap3A_754 = tpu.vector_load %arg20[%swap3A_752, %swap3A_753] {strides = array<i32>} : memref<16x128xf32, #tpu.memory_space<vmem>>, vector<1x16xf32>,
    %swap3A_755 = vector.shape_cast %swap3A_754 : vector<1x16xf32> to vector<16xf32>
    %swap3A_756 = vector.shape_cast %broadcast_in_dim3A_750 : vector<16xf32> to vector<1x16xf32>
    tpu.vector_store %arg20[%swap3A_752, %swap3A_753], %swap3A_756 {strides = array<i32>} : memref<16x128xf32, #tpu.memory_space<vmem>>, vector<1x16xf32>,
    %broadcast_in_dim3A_757 = arith.constant 0.000000e+00 : f32
    %broadcast_in_dim3A_758 = vector.broadcast %broadcast_in_dim3A_757 : f32 to vector<16xf32>
    %swap3A_759 = arith.constant 11 : i32
    %swap3A_760 = arith.index_cast %swap3A_759 : i32 to index
    %swap3A_761 = arith.constant 96 : index
    %swap3A_762 = tpu.vector_load %arg20[%swap3A_760, %swap3A_761] {strides = array<i32>} : memref<16x128xf32, #tpu.memory_space<vmem>>, vector<1x16xf32>,
    %swap3A_763 = vector.shape_cast %swap3A_762 : vector<1x16xf32> to vector<16xf32>
    %swap3A_764 = vector.shape_cast %broadcast_in_dim3A_758 : vector<16xf32> to vector<1x16xf32>
    tpu.vector_store %arg20[%swap3A_760, %swap3A_761], %swap3A_764 {strides = array<i32>} : memref<16x128xf32, #tpu.memory_space<vmem>>, vector<1x16xf32>,
    %broadcast_in_dim3A_765 = arith.constant 0.000000e+00 : f32
    %broadcast_in_dim3A_766 = vector.broadcast %broadcast_in_dim3A_765 : f32 to vector<16xf32>
    %swap3A_767 = arith.constant 11 : i32
    %swap3A_768 = arith.index_cast %swap3A_767 : i32 to index
    %swap3A_769 = arith.constant 112 : index
    %swap3A_770 = tpu.vector_load %arg20[%swap3A_768, %swap3A_769] {strides = array<i32>} : memref<16x128xf32, #tpu.memory_space<vmem>>, vector<1x16xf32>,
    %swap3A_771 = vector.shape_cast %swap3A_770 : vector<1x16xf32> to vector<16xf32>
    %swap3A_772 = vector.shape_cast %broadcast_in_dim3A_766 : vector<16xf32> to vector<1x16xf32>
    tpu.vector_store %arg20[%swap3A_768, %swap3A_769], %swap3A_772 {strides = array<i32>} : memref<16x128xf32, #tpu.memory_space<vmem>>, vector<1x16xf32>,
    %broadcast_in_dim3A_773 = arith.constant 0.000000e+00 : f32
    %broadcast_in_dim3A_774 = vector.broadcast %broadcast_in_dim3A_773 : f32 to vector<16xf32>
    %swap3A_775 = arith.constant 12 : i32
    %swap3A_776 = arith.index_cast %swap3A_775 : i32 to index
    %swap3A_777 = arith.constant 0 : index
    %swap3A_778 = tpu.vector_load %arg20[%swap3A_776, %swap3A_777] {strides = array<i32>} : memref<16x128xf32, #tpu.memory_space<vmem>>, vector<1x16xf32>,
    %swap3A_779 = vector.shape_cast %swap3A_778 : vector<1x16xf32> to vector<16xf32>
    %swap3A_780 = vector.shape_cast %broadcast_in_dim3A_774 : vector<16xf32> to vector<1x16xf32>
    tpu.vector_store %arg20[%swap3A_776, %swap3A_777], %swap3A_780 {strides = array<i32>} : memref<16x128xf32, #tpu.memory_space<vmem>>, vector<1x16xf32>,
    %broadcast_in_dim3A_781 = arith.constant 0.000000e+00 : f32
    %broadcast_in_dim3A_782 = vector.broadcast %broadcast_in_dim3A_781 : f32 to vector<16xf32>
    %swap3A_783 = arith.constant 12 : i32
    %swap3A_784 = arith.index_cast %swap3A_783 : i32 to index
    %swap3A_785 = arith.constant 16 : index
    %swap3A_786 = tpu.vector_load %arg20[%swap3A_784, %swap3A_785] {strides = array<i32>} : memref<16x128xf32, #tpu.memory_space<vmem>>, vector<1x16xf32>,
    %swap3A_787 = vector.shape_cast %swap3A_786 : vector<1x16xf32> to vector<16xf32>
    %swap3A_788 = vector.shape_cast %broadcast_in_dim3A_782 : vector<16xf32> to vector<1x16xf32>
    tpu.vector_store %arg20[%swap3A_784, %swap3A_785], %swap3A_788 {strides = array<i32>} : memref<16x128xf32, #tpu.memory_space<vmem>>, vector<1x16xf32>,
    %broadcast_in_dim3A_789 = arith.constant 0.000000e+00 : f32
    %broadcast_in_dim3A_790 = vector.broadcast %broadcast_in_dim3A_789 : f32 to vector<16xf32>
    %swap3A_791 = arith.constant 12 : i32
    %swap3A_792 = arith.index_cast %swap3A_791 : i32 to index
    %swap3A_793 = arith.constant 32 : index
    %swap3A_794 = tpu.vector_load %arg20[%swap3A_792, %swap3A_793] {strides = array<i32>} : memref<16x128xf32, #tpu.memory_space<vmem>>, vector<1x16xf32>,
    %swap3A_795 = vector.shape_cast %swap3A_794 : vector<1x16xf32> to vector<16xf32>
    %swap3A_796 = vector.shape_cast %broadcast_in_dim3A_790 : vector<16xf32> to vector<1x16xf32>
    tpu.vector_store %arg20[%swap3A_792, %swap3A_793], %swap3A_796 {strides = array<i32>} : memref<16x128xf32, #tpu.memory_space<vmem>>, vector<1x16xf32>,
    %broadcast_in_dim3A_797 = arith.constant 0.000000e+00 : f32
    %broadcast_in_dim3A_798 = vector.broadcast %broadcast_in_dim3A_797 : f32 to vector<16xf32>
    %swap3A_799 = arith.constant 12 : i32
    %swap3A_800 = arith.index_cast %swap3A_799 : i32 to index
    %swap3A_801 = arith.constant 48 : index
    %swap3A_802 = tpu.vector_load %arg20[%swap3A_800, %swap3A_801] {strides = array<i32>} : memref<16x128xf32, #tpu.memory_space<vmem>>, vector<1x16xf32>,
    %swap3A_803 = vector.shape_cast %swap3A_802 : vector<1x16xf32> to vector<16xf32>
    %swap3A_804 = vector.shape_cast %broadcast_in_dim3A_798 : vector<16xf32> to vector<1x16xf32>
    tpu.vector_store %arg20[%swap3A_800, %swap3A_801], %swap3A_804 {strides = array<i32>} : memref<16x128xf32, #tpu.memory_space<vmem>>, vector<1x16xf32>,
    %broadcast_in_dim3A_805 = arith.constant 1.000000e+00 : f32
    %broadcast_in_dim3A_806 = vector.broadcast %broadcast_in_dim3A_805 : f32 to vector<16xf32>
    %swap3A_807 = arith.constant 12 : i32
    %swap3A_808 = arith.index_cast %swap3A_807 : i32 to index
    %swap3A_809 = arith.constant 64 : index
    %swap3A_810 = tpu.vector_load %arg20[%swap3A_808, %swap3A_809] {strides = array<i32>} : memref<16x128xf32, #tpu.memory_space<vmem>>, vector<1x16xf32>,
    %swap3A_811 = vector.shape_cast %swap3A_810 : vector<1x16xf32> to vector<16xf32>
    %swap3A_812 = vector.shape_cast %broadcast_in_dim3A_806 : vector<16xf32> to vector<1x16xf32>
    tpu.vector_store %arg20[%swap3A_808, %swap3A_809], %swap3A_812 {strides = array<i32>} : memref<16x128xf32, #tpu.memory_space<vmem>>, vector<1x16xf32>,
    %broadcast_in_dim3A_813 = arith.constant 0.000000e+00 : f32
    %broadcast_in_dim3A_814 = vector.broadcast %broadcast_in_dim3A_813 : f32 to vector<16xf32>
    %swap3A_815 = arith.constant 12 : i32
    %swap3A_816 = arith.index_cast %swap3A_815 : i32 to index
    %swap3A_817 = arith.constant 80 : index
    %swap3A_818 = tpu.vector_load %arg20[%swap3A_816, %swap3A_817] {strides = array<i32>} : memref<16x128xf32, #tpu.memory_space<vmem>>, vector<1x16xf32>,
    %swap3A_819 = vector.shape_cast %swap3A_818 : vector<1x16xf32> to vector<16xf32>
    %swap3A_820 = vector.shape_cast %broadcast_in_dim3A_814 : vector<16xf32> to vector<1x16xf32>
    tpu.vector_store %arg20[%swap3A_816, %swap3A_817], %swap3A_820 {strides = array<i32>} : memref<16x128xf32, #tpu.memory_space<vmem>>, vector<1x16xf32>,
    %broadcast_in_dim3A_821 = arith.constant 0.000000e+00 : f32
    %broadcast_in_dim3A_822 = vector.broadcast %broadcast_in_dim3A_821 : f32 to vector<16xf32>
    %swap3A_823 = arith.constant 12 : i32
    %swap3A_824 = arith.index_cast %swap3A_823 : i32 to index
    %swap3A_825 = arith.constant 96 : index
    %swap3A_826 = tpu.vector_load %arg20[%swap3A_824, %swap3A_825] {strides = array<i32>} : memref<16x128xf32, #tpu.memory_space<vmem>>, vector<1x16xf32>,
    %swap3A_827 = vector.shape_cast %swap3A_826 : vector<1x16xf32> to vector<16xf32>
    %swap3A_828 = vector.shape_cast %broadcast_in_dim3A_822 : vector<16xf32> to vector<1x16xf32>
    tpu.vector_store %arg20[%swap3A_824, %swap3A_825], %swap3A_828 {strides = array<i32>} : memref<16x128xf32, #tpu.memory_space<vmem>>, vector<1x16xf32>,
    %broadcast_in_dim3A_829 = arith.constant 0.000000e+00 : f32
    %broadcast_in_dim3A_830 = vector.broadcast %broadcast_in_dim3A_829 : f32 to vector<16xf32>
    %swap3A_831 = arith.constant 12 : i32
    %swap3A_832 = arith.index_cast %swap3A_831 : i32 to index
    %swap3A_833 = arith.constant 112 : index
    %swap3A_834 = tpu.vector_load %arg20[%swap3A_832, %swap3A_833] {strides = array<i32>} : memref<16x128xf32, #tpu.memory_space<vmem>>, vector<1x16xf32>,
    %swap3A_835 = vector.shape_cast %swap3A_834 : vector<1x16xf32> to vector<16xf32>
    %swap3A_836 = vector.shape_cast %broadcast_in_dim3A_830 : vector<16xf32> to vector<1x16xf32>
    tpu.vector_store %arg20[%swap3A_832, %swap3A_833], %swap3A_836 {strides = array<i32>} : memref<16x128xf32, #tpu.memory_space<vmem>>, vector<1x16xf32>,
    %broadcast_in_dim3A_837 = arith.constant 0.000000e+00 : f32
    %broadcast_in_dim3A_838 = vector.broadcast %broadcast_in_dim3A_837 : f32 to vector<16xf32>
    %swap3A_839 = arith.constant 13 : i32
    %swap3A_840 = arith.index_cast %swap3A_839 : i32 to index
    %swap3A_841 = arith.constant 0 : index
    %swap3A_842 = tpu.vector_load %arg20[%swap3A_840, %swap3A_841] {strides = array<i32>} : memref<16x128xf32, #tpu.memory_space<vmem>>, vector<1x16xf32>,
    %swap3A_843 = vector.shape_cast %swap3A_842 : vector<1x16xf32> to vector<16xf32>
    %swap3A_844 = vector.shape_cast %broadcast_in_dim3A_838 : vector<16xf32> to vector<1x16xf32>
    tpu.vector_store %arg20[%swap3A_840, %swap3A_841], %swap3A_844 {strides = array<i32>} : memref<16x128xf32, #tpu.memory_space<vmem>>, vector<1x16xf32>,
    %broadcast_in_dim3A_845 = arith.constant 0.000000e+00 : f32
    %broadcast_in_dim3A_846 = vector.broadcast %broadcast_in_dim3A_845 : f32 to vector<16xf32>
    %swap3A_847 = arith.constant 13 : i32
    %swap3A_848 = arith.index_cast %swap3A_847 : i32 to index
    %swap3A_849 = arith.constant 16 : index
    %swap3A_850 = tpu.vector_load %arg20[%swap3A_848, %swap3A_849] {strides = array<i32>} : memref<16x128xf32, #tpu.memory_space<vmem>>, vector<1x16xf32>,
    %swap3A_851 = vector.shape_cast %swap3A_850 : vector<1x16xf32> to vector<16xf32>
    %swap3A_852 = vector.shape_cast %broadcast_in_dim3A_846 : vector<16xf32> to vector<1x16xf32>
    tpu.vector_store %arg20[%swap3A_848, %swap3A_849], %swap3A_852 {strides = array<i32>} : memref<16x128xf32, #tpu.memory_space<vmem>>, vector<1x16xf32>,
    %broadcast_in_dim3A_853 = arith.constant 0.000000e+00 : f32
    %broadcast_in_dim3A_854 = vector.broadcast %broadcast_in_dim3A_853 : f32 to vector<16xf32>
    %swap3A_855 = arith.constant 13 : i32
    %swap3A_856 = arith.index_cast %swap3A_855 : i32 to index
    %swap3A_857 = arith.constant 32 : index
    %swap3A_858 = tpu.vector_load %arg20[%swap3A_856, %swap3A_857] {strides = array<i32>} : memref<16x128xf32, #tpu.memory_space<vmem>>, vector<1x16xf32>,
    %swap3A_859 = vector.shape_cast %swap3A_858 : vector<1x16xf32> to vector<16xf32>
    %swap3A_860 = vector.shape_cast %broadcast_in_dim3A_854 : vector<16xf32> to vector<1x16xf32>
    tpu.vector_store %arg20[%swap3A_856, %swap3A_857], %swap3A_860 {strides = array<i32>} : memref<16x128xf32, #tpu.memory_space<vmem>>, vector<1x16xf32>,
    %broadcast_in_dim3A_861 = arith.constant 0.000000e+00 : f32
    %broadcast_in_dim3A_862 = vector.broadcast %broadcast_in_dim3A_861 : f32 to vector<16xf32>
    %swap3A_863 = arith.constant 13 : i32
    %swap3A_864 = arith.index_cast %swap3A_863 : i32 to index
    %swap3A_865 = arith.constant 48 : index
    %swap3A_866 = tpu.vector_load %arg20[%swap3A_864, %swap3A_865] {strides = array<i32>} : memref<16x128xf32, #tpu.memory_space<vmem>>, vector<1x16xf32>,
    %swap3A_867 = vector.shape_cast %swap3A_866 : vector<1x16xf32> to vector<16xf32>
    %swap3A_868 = vector.shape_cast %broadcast_in_dim3A_862 : vector<16xf32> to vector<1x16xf32>
    tpu.vector_store %arg20[%swap3A_864, %swap3A_865], %swap3A_868 {strides = array<i32>} : memref<16x128xf32, #tpu.memory_space<vmem>>, vector<1x16xf32>,
    %broadcast_in_dim3A_869 = arith.constant 0.000000e+00 : f32
    %broadcast_in_dim3A_870 = vector.broadcast %broadcast_in_dim3A_869 : f32 to vector<16xf32>
    %swap3A_871 = arith.constant 13 : i32
    %swap3A_872 = arith.index_cast %swap3A_871 : i32 to index
    %swap3A_873 = arith.constant 64 : index
    %swap3A_874 = tpu.vector_load %arg20[%swap3A_872, %swap3A_873] {strides = array<i32>} : memref<16x128xf32, #tpu.memory_space<vmem>>, vector<1x16xf32>,
    %swap3A_875 = vector.shape_cast %swap3A_874 : vector<1x16xf32> to vector<16xf32>
    %swap3A_876 = vector.shape_cast %broadcast_in_dim3A_870 : vector<16xf32> to vector<1x16xf32>
    tpu.vector_store %arg20[%swap3A_872, %swap3A_873], %swap3A_876 {strides = array<i32>} : memref<16x128xf32, #tpu.memory_space<vmem>>, vector<1x16xf32>,
    %broadcast_in_dim3A_877 = arith.constant 1.000000e+00 : f32
    %broadcast_in_dim3A_878 = vector.broadcast %broadcast_in_dim3A_877 : f32 to vector<16xf32>
    %swap3A_879 = arith.constant 13 : i32
    %swap3A_880 = arith.index_cast %swap3A_879 : i32 to index
    %swap3A_881 = arith.constant 80 : index
    %swap3A_882 = tpu.vector_load %arg20[%swap3A_880, %swap3A_881] {strides = array<i32>} : memref<16x128xf32, #tpu.memory_space<vmem>>, vector<1x16xf32>,
    %swap3A_883 = vector.shape_cast %swap3A_882 : vector<1x16xf32> to vector<16xf32>
    %swap3A_884 = vector.shape_cast %broadcast_in_dim3A_878 : vector<16xf32> to vector<1x16xf32>
    tpu.vector_store %arg20[%swap3A_880, %swap3A_881], %swap3A_884 {strides = array<i32>} : memref<16x128xf32, #tpu.memory_space<vmem>>, vector<1x16xf32>,
    %broadcast_in_dim3A_885 = arith.constant 0.000000e+00 : f32
    %broadcast_in_dim3A_886 = vector.broadcast %broadcast_in_dim3A_885 : f32 to vector<16xf32>
    %swap3A_887 = arith.constant 13 : i32
    %swap3A_888 = arith.index_cast %swap3A_887 : i32 to index
    %swap3A_889 = arith.constant 96 : index
    %swap3A_890 = tpu.vector_load %arg20[%swap3A_888, %swap3A_889] {strides = array<i32>} : memref<16x128xf32, #tpu.memory_space<vmem>>, vector<1x16xf32>,
    %swap3A_891 = vector.shape_cast %swap3A_890 : vector<1x16xf32> to vector<16xf32>
    %swap3A_892 = vector.shape_cast %broadcast_in_dim3A_886 : vector<16xf32> to vector<1x16xf32>
    tpu.vector_store %arg20[%swap3A_888, %swap3A_889], %swap3A_892 {strides = array<i32>} : memref<16x128xf32, #tpu.memory_space<vmem>>, vector<1x16xf32>,
    %broadcast_in_dim3A_893 = arith.constant 0.000000e+00 : f32
    %broadcast_in_dim3A_894 = vector.broadcast %broadcast_in_dim3A_893 : f32 to vector<16xf32>
    %swap3A_895 = arith.constant 13 : i32
    %swap3A_896 = arith.index_cast %swap3A_895 : i32 to index
    %swap3A_897 = arith.constant 112 : index
    %swap3A_898 = tpu.vector_load %arg20[%swap3A_896, %swap3A_897] {strides = array<i32>} : memref<16x128xf32, #tpu.memory_space<vmem>>, vector<1x16xf32>,
    %swap3A_899 = vector.shape_cast %swap3A_898 : vector<1x16xf32> to vector<16xf32>
    %swap3A_900 = vector.shape_cast %broadcast_in_dim3A_894 : vector<16xf32> to vector<1x16xf32>
    tpu.vector_store %arg20[%swap3A_896, %swap3A_897], %swap3A_900 {strides = array<i32>} : memref<16x128xf32, #tpu.memory_space<vmem>>, vector<1x16xf32>,
    %broadcast_in_dim3A_901 = arith.constant 0.000000e+00 : f32
    %broadcast_in_dim3A_902 = vector.broadcast %broadcast_in_dim3A_901 : f32 to vector<16xf32>
    %swap3A_903 = arith.constant 14 : i32
    %swap3A_904 = arith.index_cast %swap3A_903 : i32 to index
    %swap3A_905 = arith.constant 0 : index
    %swap3A_906 = tpu.vector_load %arg20[%swap3A_904, %swap3A_905] {strides = array<i32>} : memref<16x128xf32, #tpu.memory_space<vmem>>, vector<1x16xf32>,
    %swap3A_907 = vector.shape_cast %swap3A_906 : vector<1x16xf32> to vector<16xf32>
    %swap3A_908 = vector.shape_cast %broadcast_in_dim3A_902 : vector<16xf32> to vector<1x16xf32>
    tpu.vector_store %arg20[%swap3A_904, %swap3A_905], %swap3A_908 {strides = array<i32>} : memref<16x128xf32, #tpu.memory_space<vmem>>, vector<1x16xf32>,
    %broadcast_in_dim3A_909 = arith.constant 0.000000e+00 : f32
    %broadcast_in_dim3A_910 = vector.broadcast %broadcast_in_dim3A_909 : f32 to vector<16xf32>
    %swap3A_911 = arith.constant 14 : i32
    %swap3A_912 = arith.index_cast %swap3A_911 : i32 to index
    %swap3A_913 = arith.constant 16 : index
    %swap3A_914 = tpu.vector_load %arg20[%swap3A_912, %swap3A_913] {strides = array<i32>} : memref<16x128xf32, #tpu.memory_space<vmem>>, vector<1x16xf32>,
    %swap3A_915 = vector.shape_cast %swap3A_914 : vector<1x16xf32> to vector<16xf32>
    %swap3A_916 = vector.shape_cast %broadcast_in_dim3A_910 : vector<16xf32> to vector<1x16xf32>
    tpu.vector_store %arg20[%swap3A_912, %swap3A_913], %swap3A_916 {strides = array<i32>} : memref<16x128xf32, #tpu.memory_space<vmem>>, vector<1x16xf32>,
    %broadcast_in_dim3A_917 = arith.constant 0.000000e+00 : f32
    %broadcast_in_dim3A_918 = vector.broadcast %broadcast_in_dim3A_917 : f32 to vector<16xf32>
    %swap3A_919 = arith.constant 14 : i32
    %swap3A_920 = arith.index_cast %swap3A_919 : i32 to index
    %swap3A_921 = arith.constant 32 : index
    %swap3A_922 = tpu.vector_load %arg20[%swap3A_920, %swap3A_921] {strides = array<i32>} : memref<16x128xf32, #tpu.memory_space<vmem>>, vector<1x16xf32>,
    %swap3A_923 = vector.shape_cast %swap3A_922 : vector<1x16xf32> to vector<16xf32>
    %swap3A_924 = vector.shape_cast %broadcast_in_dim3A_918 : vector<16xf32> to vector<1x16xf32>
    tpu.vector_store %arg20[%swap3A_920, %swap3A_921], %swap3A_924 {strides = array<i32>} : memref<16x128xf32, #tpu.memory_space<vmem>>, vector<1x16xf32>,
    %broadcast_in_dim3A_925 = arith.constant 0.000000e+00 : f32
    %broadcast_in_dim3A_926 = vector.broadcast %broadcast_in_dim3A_925 : f32 to vector<16xf32>
    %swap3A_927 = arith.constant 14 : i32
    %swap3A_928 = arith.index_cast %swap3A_927 : i32 to index
    %swap3A_929 = arith.constant 48 : index
    %swap3A_930 = tpu.vector_load %arg20[%swap3A_928, %swap3A_929] {strides = array<i32>} : memref<16x128xf32, #tpu.memory_space<vmem>>, vector<1x16xf32>,
    %swap3A_931 = vector.shape_cast %swap3A_930 : vector<1x16xf32> to vector<16xf32>
    %swap3A_932 = vector.shape_cast %broadcast_in_dim3A_926 : vector<16xf32> to vector<1x16xf32>
    tpu.vector_store %arg20[%swap3A_928, %swap3A_929], %swap3A_932 {strides = array<i32>} : memref<16x128xf32, #tpu.memory_space<vmem>>, vector<1x16xf32>,
    %broadcast_in_dim3A_933 = arith.constant 0.000000e+00 : f32
    %broadcast_in_dim3A_934 = vector.broadcast %broadcast_in_dim3A_933 : f32 to vector<16xf32>
    %swap3A_935 = arith.constant 14 : i32
    %swap3A_936 = arith.index_cast %swap3A_935 : i32 to index
    %swap3A_937 = arith.constant 64 : index
    %swap3A_938 = tpu.vector_load %arg20[%swap3A_936, %swap3A_937] {strides = array<i32>} : memref<16x128xf32, #tpu.memory_space<vmem>>, vector<1x16xf32>,
    %swap3A_939 = vector.shape_cast %swap3A_938 : vector<1x16xf32> to vector<16xf32>
    %swap3A_940 = vector.shape_cast %broadcast_in_dim3A_934 : vector<16xf32> to vector<1x16xf32>
    tpu.vector_store %arg20[%swap3A_936, %swap3A_937], %swap3A_940 {strides = array<i32>} : memref<16x128xf32, #tpu.memory_space<vmem>>, vector<1x16xf32>,
    %broadcast_in_dim3A_941 = arith.constant 0.000000e+00 : f32
    %broadcast_in_dim3A_942 = vector.broadcast %broadcast_in_dim3A_941 : f32 to vector<16xf32>
    %swap3A_943 = arith.constant 14 : i32
    %swap3A_944 = arith.index_cast %swap3A_943 : i32 to index
    %swap3A_945 = arith.constant 80 : index
    %swap3A_946 = tpu.vector_load %arg20[%swap3A_944, %swap3A_945] {strides = array<i32>} : memref<16x128xf32, #tpu.memory_space<vmem>>, vector<1x16xf32>,
    %swap3A_947 = vector.shape_cast %swap3A_946 : vector<1x16xf32> to vector<16xf32>
    %swap3A_948 = vector.shape_cast %broadcast_in_dim3A_942 : vector<16xf32> to vector<1x16xf32>
    tpu.vector_store %arg20[%swap3A_944, %swap3A_945], %swap3A_948 {strides = array<i32>} : memref<16x128xf32, #tpu.memory_space<vmem>>, vector<1x16xf32>,
    %broadcast_in_dim3A_949 = arith.constant 1.000000e+00 : f32
    %broadcast_in_dim3A_950 = vector.broadcast %broadcast_in_dim3A_949 : f32 to vector<16xf32>
    %swap3A_951 = arith.constant 14 : i32
    %swap3A_952 = arith.index_cast %swap3A_951 : i32 to index
    %swap3A_953 = arith.constant 96 : index
    %swap3A_954 = tpu.vector_load %arg20[%swap3A_952, %swap3A_953] {strides = array<i32>} : memref<16x128xf32, #tpu.memory_space<vmem>>, vector<1x16xf32>,
    %swap3A_955 = vector.shape_cast %swap3A_954 : vector<1x16xf32> to vector<16xf32>
    %swap3A_956 = vector.shape_cast %broadcast_in_dim3A_950 : vector<16xf32> to vector<1x16xf32>
    tpu.vector_store %arg20[%swap3A_952, %swap3A_953], %swap3A_956 {strides = array<i32>} : memref<16x128xf32, #tpu.memory_space<vmem>>, vector<1x16xf32>,
    %broadcast_in_dim3A_957 = arith.constant 0.000000e+00 : f32
    %broadcast_in_dim3A_958 = vector.broadcast %broadcast_in_dim3A_957 : f32 to vector<16xf32>
    %swap3A_959 = arith.constant 14 : i32
    %swap3A_960 = arith.index_cast %swap3A_959 : i32 to index
    %swap3A_961 = arith.constant 112 : index
    %swap3A_962 = tpu.vector_load %arg20[%swap3A_960, %swap3A_961] {strides = array<i32>} : memref<16x128xf32, #tpu.memory_space<vmem>>, vector<1x16xf32>,
    %swap3A_963 = vector.shape_cast %swap3A_962 : vector<1x16xf32> to vector<16xf32>
    %swap3A_964 = vector.shape_cast %broadcast_in_dim3A_958 : vector<16xf32> to vector<1x16xf32>
    tpu.vector_store %arg20[%swap3A_960, %swap3A_961], %swap3A_964 {strides = array<i32>} : memref<16x128xf32, #tpu.memory_space<vmem>>, vector<1x16xf32>,
    %broadcast_in_dim3A_965 = arith.constant 0.000000e+00 : f32
    %broadcast_in_dim3A_966 = vector.broadcast %broadcast_in_dim3A_965 : f32 to vector<16xf32>
    %swap3A_967 = arith.constant 15 : i32
    %swap3A_968 = arith.index_cast %swap3A_967 : i32 to index
    %swap3A_969 = arith.constant 0 : index
    %swap3A_970 = tpu.vector_load %arg20[%swap3A_968, %swap3A_969] {strides = array<i32>} : memref<16x128xf32, #tpu.memory_space<vmem>>, vector<1x16xf32>,
    %swap3A_971 = vector.shape_cast %swap3A_970 : vector<1x16xf32> to vector<16xf32>
    %swap3A_972 = vector.shape_cast %broadcast_in_dim3A_966 : vector<16xf32> to vector<1x16xf32>
    tpu.vector_store %arg20[%swap3A_968, %swap3A_969], %swap3A_972 {strides = array<i32>} : memref<16x128xf32, #tpu.memory_space<vmem>>, vector<1x16xf32>,
    %broadcast_in_dim3A_973 = arith.constant 0.000000e+00 : f32
    %broadcast_in_dim3A_974 = vector.broadcast %broadcast_in_dim3A_973 : f32 to vector<16xf32>
    %swap3A_975 = arith.constant 15 : i32
    %swap3A_976 = arith.index_cast %swap3A_975 : i32 to index
    %swap3A_977 = arith.constant 16 : index
    %swap3A_978 = tpu.vector_load %arg20[%swap3A_976, %swap3A_977] {strides = array<i32>} : memref<16x128xf32, #tpu.memory_space<vmem>>, vector<1x16xf32>,
    %swap3A_979 = vector.shape_cast %swap3A_978 : vector<1x16xf32> to vector<16xf32>
    %swap3A_980 = vector.shape_cast %broadcast_in_dim3A_974 : vector<16xf32> to vector<1x16xf32>
    tpu.vector_store %arg20[%swap3A_976, %swap3A_977], %swap3A_980 {strides = array<i32>} : memref<16x128xf32, #tpu.memory_space<vmem>>, vector<1x16xf32>,
    %broadcast_in_dim3A_981 = arith.constant 0.000000e+00 : f32
    %broadcast_in_dim3A_982 = vector.broadcast %broadcast_in_dim3A_981 : f32 to vector<16xf32>
    %swap3A_983 = arith.constant 15 : i32
    %swap3A_984 = arith.index_cast %swap3A_983 : i32 to index
    %swap3A_985 = arith.constant 32 : index
    %swap3A_986 = tpu.vector_load %arg20[%swap3A_984, %swap3A_985] {strides = array<i32>} : memref<16x128xf32, #tpu.memory_space<vmem>>, vector<1x16xf32>,
    %swap3A_987 = vector.shape_cast %swap3A_986 : vector<1x16xf32> to vector<16xf32>
    %swap3A_988 = vector.shape_cast %broadcast_in_dim3A_982 : vector<16xf32> to vector<1x16xf32>
    tpu.vector_store %arg20[%swap3A_984, %swap3A_985], %swap3A_988 {strides = array<i32>} : memref<16x128xf32, #tpu.memory_space<vmem>>, vector<1x16xf32>,
    %broadcast_in_dim3A_989 = arith.constant 0.000000e+00 : f32
    %broadcast_in_dim3A_990 = vector.broadcast %broadcast_in_dim3A_989 : f32 to vector<16xf32>
    %swap3A_991 = arith.constant 15 : i32
    %swap3A_992 = arith.index_cast %swap3A_991 : i32 to index
    %swap3A_993 = arith.constant 48 : index
    %swap3A_994 = tpu.vector_load %arg20[%swap3A_992, %swap3A_993] {strides = array<i32>} : memref<16x128xf32, #tpu.memory_space<vmem>>, vector<1x16xf32>,
    %swap3A_995 = vector.shape_cast %swap3A_994 : vector<1x16xf32> to vector<16xf32>
    %swap3A_996 = vector.shape_cast %broadcast_in_dim3A_990 : vector<16xf32> to vector<1x16xf32>
    tpu.vector_store %arg20[%swap3A_992, %swap3A_993], %swap3A_996 {strides = array<i32>} : memref<16x128xf32, #tpu.memory_space<vmem>>, vector<1x16xf32>,
    %broadcast_in_dim3A_997 = arith.constant 0.000000e+00 : f32
    %broadcast_in_dim3A_998 = vector.broadcast %broadcast_in_dim3A_997 : f32 to vector<16xf32>
    %swap3A_999 = arith.constant 15 : i32
    %swap3A_1000 = arith.index_cast %swap3A_999 : i32 to index
    %swap3A_1001 = arith.constant 64 : index
    %swap3A_1002 = tpu.vector_load %arg20[%swap3A_1000, %swap3A_1001] {strides = array<i32>} : memref<16x128xf32, #tpu.memory_space<vmem>>, vector<1x16xf32>,
    %swap3A_1003 = vector.shape_cast %swap3A_1002 : vector<1x16xf32> to vector<16xf32>
    %swap3A_1004 = vector.shape_cast %broadcast_in_dim3A_998 : vector<16xf32> to vector<1x16xf32>
    tpu.vector_store %arg20[%swap3A_1000, %swap3A_1001], %swap3A_1004 {strides = array<i32>} : memref<16x128xf32, #tpu.memory_space<vmem>>, vector<1x16xf32>,
    %broadcast_in_dim3A_1005 = arith.constant 0.000000e+00 : f32
    %broadcast_in_dim3A_1006 = vector.broadcast %broadcast_in_dim3A_1005 : f32 to vector<16xf32>
    %swap3A_1007 = arith.constant 15 : i32
    %swap3A_1008 = arith.index_cast %swap3A_1007 : i32 to index
    %swap3A_1009 = arith.constant 80 : index
    %swap3A_1010 = tpu.vector_load %arg20[%swap3A_1008, %swap3A_1009] {strides = array<i32>} : memref<16x128xf32, #tpu.memory_space<vmem>>, vector<1x16xf32>,
    %swap3A_1011 = vector.shape_cast %swap3A_1010 : vector<1x16xf32> to vector<16xf32>
    %swap3A_1012 = vector.shape_cast %broadcast_in_dim3A_1006 : vector<16xf32> to vector<1x16xf32>
    tpu.vector_store %arg20[%swap3A_1008, %swap3A_1009], %swap3A_1012 {strides = array<i32>} : memref<16x128xf32, #tpu.memory_space<vmem>>, vector<1x16xf32>,
    %broadcast_in_dim3A_1013 = arith.constant 0.000000e+00 : f32
    %broadcast_in_dim3A_1014 = vector.broadcast %broadcast_in_dim3A_1013 : f32 to vector<16xf32>
    %swap3A_1015 = arith.constant 15 : i32
    %swap3A_1016 = arith.index_cast %swap3A_1015 : i32 to index
    %swap3A_1017 = arith.constant 96 : index
    %swap3A_1018 = tpu.vector_load %arg20[%swap3A_1016, %swap3A_1017] {strides = array<i32>} : memref<16x128xf32, #tpu.memory_space<vmem>>, vector<1x16xf32>,
    %swap3A_1019 = vector.shape_cast %swap3A_1018 : vector<1x16xf32> to vector<16xf32>
    %swap3A_1020 = vector.shape_cast %broadcast_in_dim3A_1014 : vector<16xf32> to vector<1x16xf32>
    tpu.vector_store %arg20[%swap3A_1016, %swap3A_1017], %swap3A_1020 {strides = array<i32>} : memref<16x128xf32, #tpu.memory_space<vmem>>, vector<1x16xf32>,
    %broadcast_in_dim3A_1021 = arith.constant 1.000000e+00 : f32
    %broadcast_in_dim3A_1022 = vector.broadcast %broadcast_in_dim3A_1021 : f32 to vector<16xf32>
    %swap3A_1023 = arith.constant 15 : i32
    %swap3A_1024 = arith.index_cast %swap3A_1023 : i32 to index
    %swap3A_1025 = arith.constant 112 : index
    %swap3A_1026 = tpu.vector_load %arg20[%swap3A_1024, %swap3A_1025] {strides = array<i32>} : memref<16x128xf32, #tpu.memory_space<vmem>>, vector<1x16xf32>,
    %swap3A_1027 = vector.shape_cast %swap3A_1026 : vector<1x16xf32> to vector<16xf32>
    %swap3A_1028 = vector.shape_cast %broadcast_in_dim3A_1022 : vector<16xf32> to vector<1x16xf32>
    tpu.vector_store %arg20[%swap3A_1024, %swap3A_1025], %swap3A_1028 {strides = array<i32>} : memref<16x128xf32, #tpu.memory_space<vmem>>, vector<1x16xf32>,
    %mul3A_1029 = arith.constant 8 : i32
    %mul3A_1030 = arith.muli %arg1, %mul3A_1029 : i32
    %and3A = arith.constant 7 : i32
    %and3A_1031 = vector.broadcast %and3A : i32 to vector<16xi32>
    %and3A_1032 = arith.andi %iota3A, %and3A_1031 : vector<16xi32>
    %add3A_1033 = vector.broadcast %mul3A_1030 : i32 to vector<16xi32>
    %add3A_1034 = arith.addi %add3A_1033, %and3A_1032 : vector<16xi32>
    %swap3A_1035 = arith.constant 0 : index
    %swap3A_1036 = tpu.vector_load %arg23[%swap3A_1035] {strides = array<i32>} : memref<16xi32, #tpu.memory_space<vmem>>, vector<16xi32>,
    %swap3A_1037 = vector.shape_cast %swap3A_1036 : vector<16xi32> to vector<16xi32>
    %swap3A_1038 = vector.shape_cast %add3A_1034 : vector<16xi32> to vector<16xi32>
    tpu.vector_store %arg23[%swap3A_1035], %swap3A_1038 {strides = array<i32>} : memref<16xi32, #tpu.memory_space<vmem>>, vector<16xi32>,
    "tpu.region"() ({
      %run_scoped3A = tpu.sem_alloc : memref<!tpu.dma_semaphore, #tpu.memory_space<semaphore_mem>>
      %dma_start3A = arith.constant 0 : i32
      %dma_start3A_1075 = arith.constant 0 : i32
      %dma_start3A_1076 = tpu.memref_slice %arg19[%dma_start3A, %dma_start3A_1075] : memref<128x128xf32, #tpu.memory_space<vmem_shared>> -> memref<128x128xf32, #tpu.memory_space<vmem_shared>>
      tpu.enqueue_indirect_dma source(%arg20 : memref<16x128xf32, #tpu.memory_space<vmem>>) target(%dma_start3A_1076 : memref<128x128xf32, #tpu.memory_space<vmem_shared>>) offsets(%arg23 : memref<16xi32, #tpu.memory_space<vmem>>) semaphore(%run_scoped3A : memref<!tpu.dma_semaphore, #tpu.memory_space<semaphore_mem>>)
      %dma_wait3A = arith.constant 0 : i32
      %dma_wait3A_1077 = arith.constant 0 : i32
      %dma_wait3A_1078 = tpu.memref_slice %arg19[%dma_wait3A, %dma_wait3A_1077] : memref<128x128xf32, #tpu.memory_space<vmem_shared>> -> memref<128x128xf32, #tpu.memory_space<vmem_shared>>
      tpu.wait_indirect_dma semaphore(%run_scoped3A : memref<!tpu.dma_semaphore, #tpu.memory_space<semaphore_mem>>) src(%arg20 : memref<16x128xf32, #tpu.memory_space<vmem>>) dst(%dma_wait3A_1078 : memref<128x128xf32, #tpu.memory_space<vmem_shared>>)
      tpu.yield
    }) : () -> ()
    %scan3A_1039 = arith.constant 0 : i32
    %scan3A_1040 = arith.constant 0 : i32
    %scan3A_1041 = arith.constant 10 : i32
    %scan3A_1042 = arith.addi %scan3A_1040, %scan3A_1041 : i32
    %scan3A_1043 = arith.constant 1 : i32
    %scan3A_1044 = scf.for %scan3A_1075 = %scan3A_1040 to %scan3A_1042 step %scan3A_1043 iter_args(%scan3A_1076 = %scan3A_1039) -> (i32)  : i32 {
      %mul3A_1077 = arith.constant 640 : i32
      %mul3A_1078 = arith.muli %arg1, %mul3A_1077 : i32
      %mul3A_1079 = arith.constant 64 : i32
      %mul3A_1080 = arith.muli %scan3A_1075, %mul3A_1079 : i32
      %add3A_1081 = arith.addi %mul3A_1078, %mul3A_1080 : i32
      %add3A_1082 = arith.constant 0 : i32
      %add3A_1083 = arith.addi %add3A_1081, %add3A_1082 : i32
      %add3A_1084 = vector.broadcast %add3A_1083 : i32 to vector<16xi32>
      %add3A_1085 = arith.addi %add3A_1084, %iota3A : vector<16xi32>
      %swap3A_1086 = arith.constant 0 : index
      %swap3A_1087 = tpu.vector_load %arg12[%swap3A_1086] {strides = array<i32>} : memref<64xi32, #tpu.memory_space<vmem>>, vector<16xi32>,
      %swap3A_1088 = vector.shape_cast %swap3A_1087 : vector<16xi32> to vector<16xi32>
      %swap3A_1089 = vector.shape_cast %add3A_1085 : vector<16xi32> to vector<16xi32>
      tpu.vector_store %arg12[%swap3A_1086], %swap3A_1089 {strides = array<i32>} : memref<64xi32, #tpu.memory_space<vmem>>, vector<16xi32>,
      %add3A_1090 = arith.constant 16 : i32
      %add3A_1091 = arith.addi %add3A_1081, %add3A_1090 : i32
      %add3A_1092 = vector.broadcast %add3A_1091 : i32 to vector<16xi32>
      %add3A_1093 = arith.addi %add3A_1092, %iota3A : vector<16xi32>
      %swap3A_1094 = arith.constant 16 : index
      %swap3A_1095 = tpu.vector_load %arg12[%swap3A_1094] {strides = array<i32>} : memref<64xi32, #tpu.memory_space<vmem>>, vector<16xi32>,
      %swap3A_1096 = vector.shape_cast %swap3A_1095 : vector<16xi32> to vector<16xi32>
      %swap3A_1097 = vector.shape_cast %add3A_1093 : vector<16xi32> to vector<16xi32>
      tpu.vector_store %arg12[%swap3A_1094], %swap3A_1097 {strides = array<i32>} : memref<64xi32, #tpu.memory_space<vmem>>, vector<16xi32>,
      %add3A_1098 = arith.constant 32 : i32
      %add3A_1099 = arith.addi %add3A_1081, %add3A_1098 : i32
      %add3A_1100 = vector.broadcast %add3A_1099 : i32 to vector<16xi32>
      %add3A_1101 = arith.addi %add3A_1100, %iota3A : vector<16xi32>
      %swap3A_1102 = arith.constant 32 : index
      %swap3A_1103 = tpu.vector_load %arg12[%swap3A_1102] {strides = array<i32>} : memref<64xi32, #tpu.memory_space<vmem>>, vector<16xi32>,
      %swap3A_1104 = vector.shape_cast %swap3A_1103 : vector<16xi32> to vector<16xi32>
      %swap3A_1105 = vector.shape_cast %add3A_1101 : vector<16xi32> to vector<16xi32>
      tpu.vector_store %arg12[%swap3A_1102], %swap3A_1105 {strides = array<i32>} : memref<64xi32, #tpu.memory_space<vmem>>, vector<16xi32>,
      %add3A_1106 = arith.constant 48 : i32
      %add3A_1107 = arith.addi %add3A_1081, %add3A_1106 : i32
      %add3A_1108 = vector.broadcast %add3A_1107 : i32 to vector<16xi32>
      %add3A_1109 = arith.addi %add3A_1108, %iota3A : vector<16xi32>
      %swap3A_1110 = arith.constant 48 : index
      %swap3A_1111 = tpu.vector_load %arg12[%swap3A_1110] {strides = array<i32>} : memref<64xi32, #tpu.memory_space<vmem>>, vector<16xi32>,
      %swap3A_1112 = vector.shape_cast %swap3A_1111 : vector<16xi32> to vector<16xi32>
      %swap3A_1113 = vector.shape_cast %add3A_1109 : vector<16xi32> to vector<16xi32>
      tpu.vector_store %arg12[%swap3A_1110], %swap3A_1113 {strides = array<i32>} : memref<64xi32, #tpu.memory_space<vmem>>, vector<16xi32>,
      "tpu.region"() ({
        %run_scoped3A = tpu.sem_alloc : memref<!tpu.dma_semaphore, #tpu.memory_space<semaphore_mem>>
        %dma_start3A = arith.constant 0 : i32
        %dma_start3A_1115 = arith.constant 0 : i32
        %dma_start3A_1116 = tpu.memref_slice %arg7[%dma_start3A, %dma_start3A_1115] : memref<10240x128xf32, #tpu.memory_space<vmem_shared>> -> memref<10240x128xf32, #tpu.memory_space<vmem_shared>>
        tpu.enqueue_indirect_dma source(%arg14 : memref<64x128xf32, #tpu.memory_space<vmem>>) target(%dma_start3A_1116 : memref<10240x128xf32, #tpu.memory_space<vmem_shared>>) offsets(%arg12 : memref<64xi32, #tpu.memory_space<vmem>>) semaphore(%run_scoped3A : memref<!tpu.dma_semaphore, #tpu.memory_space<semaphore_mem>>)
        %dma_wait3A = arith.constant 0 : i32
        %dma_wait3A_1117 = arith.constant 0 : i32
        %dma_wait3A_1118 = tpu.memref_slice %arg7[%dma_wait3A, %dma_wait3A_1117] : memref<10240x128xf32, #tpu.memory_space<vmem_shared>> -> memref<10240x128xf32, #tpu.memory_space<vmem_shared>>
        tpu.wait_indirect_dma semaphore(%run_scoped3A : memref<!tpu.dma_semaphore, #tpu.memory_space<semaphore_mem>>) src(%arg14 : memref<64x128xf32, #tpu.memory_space<vmem>>) dst(%dma_wait3A_1118 : memref<10240x128xf32, #tpu.memory_space<vmem_shared>>)
        tpu.yield
      }) : () -> ()
      %scan3A_1114 = arith.constant 0 : i32
      scf.yield %scan3A_1114 : i32
    }
    %scan3A_1045 = arith.constant 10 : i32
    %scan3A_1046 = arith.constant 0 : i32
    %scan3A_1047 = arith.constant 0 : i32
    %scan3A_1048 = arith.constant 5 : i32
    %scan3A_1049 = arith.addi %scan3A_1047, %scan3A_1048 : i32
    %scan3A_1050 = arith.constant 1 : i32
    %scan3A_1051 = scf.for %scan3A_1075 = %scan3A_1047 to %scan3A_1049 step %scan3A_1050 iter_args(%scan3A_1076 = %scan3A_1046) -> (i32)  : i32 {
      %mul3A_1077 = arith.constant 80 : i32
      %mul3A_1078 = arith.muli %arg1, %mul3A_1077 : i32
      %mul3A_1079 = arith.constant 16 : i32
      %mul3A_1080 = arith.muli %scan3A_1075, %mul3A_1079 : i32
      %add3A_1081 = arith.addi %mul3A_1078, %mul3A_1080 : i32
      %add3A_1082 = vector.broadcast %add3A_1081 : i32 to vector<16xi32>
      %add3A_1083 = arith.addi %add3A_1082, %iota3A : vector<16xi32>
      %swap3A_1084 = arith.constant 0 : index
      %swap3A_1085 = tpu.vector_load %arg23[%swap3A_1084] {strides = array<i32>} : memref<16xi32, #tpu.memory_space<vmem>>, vector<16xi32>,
      %swap3A_1086 = vector.shape_cast %swap3A_1085 : vector<16xi32> to vector<16xi32>
      %swap3A_1087 = vector.shape_cast %add3A_1083 : vector<16xi32> to vector<16xi32>
      tpu.vector_store %arg23[%swap3A_1084], %swap3A_1087 {strides = array<i32>} : memref<16xi32, #tpu.memory_space<vmem>>, vector<16xi32>,
      "tpu.region"() ({
        %run_scoped3A = tpu.sem_alloc : memref<!tpu.dma_semaphore, #tpu.memory_space<semaphore_mem>>
        %dma_start3A = arith.constant 0 : i32
        %dma_start3A_1089 = arith.constant 0 : i32
        %dma_start3A_1090 = tpu.memref_slice %arg14[%dma_start3A, %dma_start3A_1089] : memref<64x128xf32, #tpu.memory_space<vmem>> -> memref<16x128xf32, #tpu.memory_space<vmem>>
        %dma_start3A_1091 = arith.constant 0 : i32
        %dma_start3A_1092 = arith.constant 0 : i32
        %dma_start3A_1093 = tpu.memref_slice %arg18[%dma_start3A_1091, %dma_start3A_1092] : memref<1280x128xf32, #tpu.memory_space<vmem_shared>> -> memref<1280x128xf32, #tpu.memory_space<vmem_shared>>
        tpu.enqueue_indirect_dma source(%dma_start3A_1090 : memref<16x128xf32, #tpu.memory_space<vmem>>) target(%dma_start3A_1093 : memref<1280x128xf32, #tpu.memory_space<vmem_shared>>) offsets(%arg23 : memref<16xi32, #tpu.memory_space<vmem>>) semaphore(%run_scoped3A : memref<!tpu.dma_semaphore, #tpu.memory_space<semaphore_mem>>)
        %dma_wait3A = arith.constant 0 : i32
        %dma_wait3A_1094 = arith.constant 0 : i32
        %dma_wait3A_1095 = tpu.memref_slice %arg14[%dma_wait3A, %dma_wait3A_1094] : memref<64x128xf32, #tpu.memory_space<vmem>> -> memref<16x128xf32, #tpu.memory_space<vmem>>
        %dma_wait3A_1096 = arith.constant 0 : i32
        %dma_wait3A_1097 = arith.constant 0 : i32
        %dma_wait3A_1098 = tpu.memref_slice %arg18[%dma_wait3A_1096, %dma_wait3A_1097] : memref<1280x128xf32, #tpu.memory_space<vmem_shared>> -> memref<1280x128xf32, #tpu.memory_space<vmem_shared>>
        tpu.wait_indirect_dma semaphore(%run_scoped3A : memref<!tpu.dma_semaphore, #tpu.memory_space<semaphore_mem>>) src(%dma_wait3A_1095 : memref<16x128xf32, #tpu.memory_space<vmem>>) dst(%dma_wait3A_1098 : memref<1280x128xf32, #tpu.memory_space<vmem_shared>>)
        tpu.yield
      }) : () -> ()
      %scan3A_1088 = arith.constant 0 : i32
      scf.yield %scan3A_1088 : i32
    }
    %scan3A_1052 = arith.constant 5 : i32
    %barrier3A = arith.constant 0 : index
    tpu.barrier barrier_id(%barrier3A)
    %scan3A_1053 = arith.constant 0 : i32
    %scan3A_1054 = arith.constant 0 : i32
    %scan3A_1055 = arith.constant 80 : i32
    %scan3A_1056 = arith.addi %scan3A_1054, %scan3A_1055 : i32
    %scan3A_1057 = arith.constant 1 : i32
    %scan3A_1058 = scf.for %scan3A_1075 = %scan3A_1054 to %scan3A_1056 step %scan3A_1057 iter_args(%scan3A_1076 = %scan3A_1053) -> (i32)  : i32 {
      %mul3A_1077 = arith.constant 160 : i32
      %mul3A_1078 = arith.muli %add3A, %mul3A_1077 : i32
      %mul3A_1079 = arith.constant 2 : i32
      %mul3A_1080 = arith.muli %mul3A_1079, %scan3A_1075 : i32
      %add3A_1081 = arith.addi %mul3A_1078, %mul3A_1080 : i32
      %mul3A_1082 = arith.constant 64 : i32
      %mul3A_1083 = arith.muli %add3A_1081, %mul3A_1082 : i32
      "tpu.region"() ({
        %run_scoped3A = tpu.sem_alloc : memref<!tpu.dma_semaphore, #tpu.memory_space<semaphore_mem>>
        %dma_start3A_1277 = tpu.memref_slice %arg3[%mul3A_1083] : memref<327680xi32, #tpu.memory_space<hbm>> -> memref<64xi32, #tpu.memory_space<hbm>>
        %dma_start3A_1278 = tpu.memref_slice %arg3[%mul3A_1083] : memref<327680xi32, #tpu.memory_space<hbm>> -> memref<64xi32, #tpu.memory_space<hbm>>
        tpu.enqueue_dma source(%dma_start3A_1278 : memref<64xi32, #tpu.memory_space<hbm>>) target(%arg8 : memref<64xi32, #tpu.memory_space<vmem>>) target_semaphore(%run_scoped3A : memref<!tpu.dma_semaphore, #tpu.memory_space<semaphore_mem>>)
        %dma_wait3A_1279 = tpu.memref_slice %arg3[%mul3A_1083] : memref<327680xi32, #tpu.memory_space<hbm>> -> memref<64xi32, #tpu.memory_space<hbm>>
        %dma_wait3A_1280 = tpu.memref_slice %arg3[%mul3A_1083] : memref<327680xi32, #tpu.memory_space<hbm>> -> memref<64xi32, #tpu.memory_space<hbm>>
        tpu.wait_dma2 semaphore(%run_scoped3A : memref<!tpu.dma_semaphore, #tpu.memory_space<semaphore_mem>>) src(%dma_wait3A_1280 : memref<64xi32, #tpu.memory_space<hbm>>) dst(%arg8 : memref<64xi32, #tpu.memory_space<vmem>>)
        tpu.yield
      }) : () -> ()
      "tpu.region"() ({
        %run_scoped3A = tpu.sem_alloc : memref<!tpu.dma_semaphore, #tpu.memory_space<semaphore_mem>>
        %dma_start3A_1277 = tpu.memref_slice %arg4[%mul3A_1083] : memref<327680xi32, #tpu.memory_space<hbm>> -> memref<64xi32, #tpu.memory_space<hbm>>
        %dma_start3A_1278 = tpu.memref_slice %arg4[%mul3A_1083] : memref<327680xi32, #tpu.memory_space<hbm>> -> memref<64xi32, #tpu.memory_space<hbm>>
        tpu.enqueue_dma source(%dma_start3A_1278 : memref<64xi32, #tpu.memory_space<hbm>>) target(%arg9 : memref<64xi32, #tpu.memory_space<vmem>>) target_semaphore(%run_scoped3A : memref<!tpu.dma_semaphore, #tpu.memory_space<semaphore_mem>>)
        %dma_wait3A_1279 = tpu.memref_slice %arg4[%mul3A_1083] : memref<327680xi32, #tpu.memory_space<hbm>> -> memref<64xi32, #tpu.memory_space<hbm>>
        %dma_wait3A_1280 = tpu.memref_slice %arg4[%mul3A_1083] : memref<327680xi32, #tpu.memory_space<hbm>> -> memref<64xi32, #tpu.memory_space<hbm>>
        tpu.wait_dma2 semaphore(%run_scoped3A : memref<!tpu.dma_semaphore, #tpu.memory_space<semaphore_mem>>) src(%dma_wait3A_1280 : memref<64xi32, #tpu.memory_space<hbm>>) dst(%arg9 : memref<64xi32, #tpu.memory_space<vmem>>)
        tpu.yield
      }) : () -> ()
      %dma_start3A = arith.constant 0 : i32
      %dma_start3A_1084 = arith.constant 0 : i32
      %dma_start3A_1085 = tpu.memref_slice %arg2[%dma_start3A, %dma_start3A_1084] : memref<10000x128xf32, #tpu.memory_space<hbm>> -> memref<10000x128xf32, #tpu.memory_space<hbm>>
      tpu.enqueue_indirect_dma source(%dma_start3A_1085 : memref<10000x128xf32, #tpu.memory_space<hbm>>) target(%arg14 : memref<64x128xf32, #tpu.memory_space<vmem>>) offsets(%arg8 : memref<64xi32, #tpu.memory_space<vmem>>) semaphore(%arg16 : memref<!tpu.dma_semaphore, #tpu.memory_space<semaphore_mem>>)
      %add3A_1086 = arith.constant 64 : i32
      %add3A_1087 = arith.addi %mul3A_1083, %add3A_1086 : i32
      "tpu.region"() ({
        %run_scoped3A = tpu.sem_alloc : memref<!tpu.dma_semaphore, #tpu.memory_space<semaphore_mem>>
        %dma_start3A_1277 = tpu.memref_slice %arg3[%add3A_1087] : memref<327680xi32, #tpu.memory_space<hbm>> -> memref<64xi32, #tpu.memory_space<hbm>>
        %dma_start3A_1278 = tpu.memref_slice %arg3[%add3A_1087] : memref<327680xi32, #tpu.memory_space<hbm>> -> memref<64xi32, #tpu.memory_space<hbm>>
        tpu.enqueue_dma source(%dma_start3A_1278 : memref<64xi32, #tpu.memory_space<hbm>>) target(%arg10 : memref<64xi32, #tpu.memory_space<vmem>>) target_semaphore(%run_scoped3A : memref<!tpu.dma_semaphore, #tpu.memory_space<semaphore_mem>>)
        %dma_wait3A_1279 = tpu.memref_slice %arg3[%add3A_1087] : memref<327680xi32, #tpu.memory_space<hbm>> -> memref<64xi32, #tpu.memory_space<hbm>>
        %dma_wait3A_1280 = tpu.memref_slice %arg3[%add3A_1087] : memref<327680xi32, #tpu.memory_space<hbm>> -> memref<64xi32, #tpu.memory_space<hbm>>
        tpu.wait_dma2 semaphore(%run_scoped3A : memref<!tpu.dma_semaphore, #tpu.memory_space<semaphore_mem>>) src(%dma_wait3A_1280 : memref<64xi32, #tpu.memory_space<hbm>>) dst(%arg10 : memref<64xi32, #tpu.memory_space<vmem>>)
        tpu.yield
      }) : () -> ()
      %add3A_1088 = arith.constant 64 : i32
      %add3A_1089 = arith.addi %mul3A_1083, %add3A_1088 : i32
      "tpu.region"() ({
        %run_scoped3A = tpu.sem_alloc : memref<!tpu.dma_semaphore, #tpu.memory_space<semaphore_mem>>
        %dma_start3A_1277 = tpu.memref_slice %arg4[%add3A_1089] : memref<327680xi32, #tpu.memory_space<hbm>> -> memref<64xi32, #tpu.memory_space<hbm>>
        %dma_start3A_1278 = tpu.memref_slice %arg4[%add3A_1089] : memref<327680xi32, #tpu.memory_space<hbm>> -> memref<64xi32, #tpu.memory_space<hbm>>
        tpu.enqueue_dma source(%dma_start3A_1278 : memref<64xi32, #tpu.memory_space<hbm>>) target(%arg11 : memref<64xi32, #tpu.memory_space<vmem>>) target_semaphore(%run_scoped3A : memref<!tpu.dma_semaphore, #tpu.memory_space<semaphore_mem>>)
        %dma_wait3A_1279 = tpu.memref_slice %arg4[%add3A_1089] : memref<327680xi32, #tpu.memory_space<hbm>> -> memref<64xi32, #tpu.memory_space<hbm>>
        %dma_wait3A_1280 = tpu.memref_slice %arg4[%add3A_1089] : memref<327680xi32, #tpu.memory_space<hbm>> -> memref<64xi32, #tpu.memory_space<hbm>>
        tpu.wait_dma2 semaphore(%run_scoped3A : memref<!tpu.dma_semaphore, #tpu.memory_space<semaphore_mem>>) src(%dma_wait3A_1280 : memref<64xi32, #tpu.memory_space<hbm>>) dst(%arg11 : memref<64xi32, #tpu.memory_space<vmem>>)
        tpu.yield
      }) : () -> ()
      %dma_start3A_1090 = arith.constant 0 : i32
      %dma_start3A_1091 = arith.constant 0 : i32
      %dma_start3A_1092 = tpu.memref_slice %arg2[%dma_start3A_1090, %dma_start3A_1091] : memref<10000x128xf32, #tpu.memory_space<hbm>> -> memref<10000x128xf32, #tpu.memory_space<hbm>>
      tpu.enqueue_indirect_dma source(%dma_start3A_1092 : memref<10000x128xf32, #tpu.memory_space<hbm>>) target(%arg15 : memref<64x128xf32, #tpu.memory_space<vmem>>) offsets(%arg10 : memref<64xi32, #tpu.memory_space<vmem>>) semaphore(%arg17 : memref<!tpu.dma_semaphore, #tpu.memory_space<semaphore_mem>>)
      %dma_wait3A = arith.constant 0 : i32
      %dma_wait3A_1093 = arith.constant 0 : i32
      %dma_wait3A_1094 = tpu.memref_slice %arg2[%dma_wait3A, %dma_wait3A_1093] : memref<10000x128xf32, #tpu.memory_space<hbm>> -> memref<10000x128xf32, #tpu.memory_space<hbm>>
      tpu.wait_indirect_dma semaphore(%arg16 : memref<!tpu.dma_semaphore, #tpu.memory_space<semaphore_mem>>) src(%dma_wait3A_1094 : memref<10000x128xf32, #tpu.memory_space<hbm>>) dst(%arg14 : memref<64x128xf32, #tpu.memory_space<vmem>>)
      "tpu.region"() ({
        %run_scoped3A = tpu.sem_alloc : memref<!tpu.dma_semaphore, #tpu.memory_space<semaphore_mem>>
        %dma_start3A_1277 = arith.constant 0 : i32
        %dma_start3A_1278 = arith.constant 0 : i32
        %dma_start3A_1279 = tpu.memref_slice %arg7[%dma_start3A_1277, %dma_start3A_1278] : memref<10240x128xf32, #tpu.memory_space<vmem_shared>> -> memref<10240x128xf32, #tpu.memory_space<vmem_shared>>
        tpu.enqueue_indirect_dma source(%arg14 : memref<64x128xf32, #tpu.memory_space<vmem>>) target(%dma_start3A_1279 : memref<10240x128xf32, #tpu.memory_space<vmem_shared>>) offsets(%arg9 : memref<64xi32, #tpu.memory_space<vmem>>) semaphore(%run_scoped3A : memref<!tpu.dma_semaphore, #tpu.memory_space<semaphore_mem>>) {add = true}
        %dma_wait3A_1280 = arith.constant 0 : i32
        %dma_wait3A_1281 = arith.constant 0 : i32
        %dma_wait3A_1282 = tpu.memref_slice %arg7[%dma_wait3A_1280, %dma_wait3A_1281] : memref<10240x128xf32, #tpu.memory_space<vmem_shared>> -> memref<10240x128xf32, #tpu.memory_space<vmem_shared>>
        tpu.wait_indirect_dma semaphore(%run_scoped3A : memref<!tpu.dma_semaphore, #tpu.memory_space<semaphore_mem>>) src(%arg14 : memref<64x128xf32, #tpu.memory_space<vmem>>) dst(%dma_wait3A_1282 : memref<10240x128xf32, #tpu.memory_space<vmem_shared>>)
        tpu.yield
      }) : () -> ()
      %get3A = arith.constant 0 : index
      %get3A_1095 = tpu.vector_load %arg9[%get3A] {strides = array<i32>} : memref<64xi32, #tpu.memory_space<vmem>>, vector<16xi32>,
      %get3A_1096 = vector.shape_cast %get3A_1095 : vector<16xi32> to vector<16xi32>
      %shift_right_logical3A = arith.constant 3 : i32
      %shift_right_logical3A_1097 = vector.broadcast %shift_right_logical3A : i32 to vector<16xi32>
      %shift_right_logical3A_1098 = arith.shrui %get3A_1096, %shift_right_logical3A_1097 : vector<16xi32>
      %swap3A_1099 = arith.constant 0 : index
      %swap3A_1100 = tpu.vector_load %arg22[%swap3A_1099] {strides = array<i32>} : memref<64xi32, #tpu.memory_space<vmem>>, vector<16xi32>,
      %swap3A_1101 = vector.shape_cast %swap3A_1100 : vector<16xi32> to vector<16xi32>
      %swap3A_1102 = vector.shape_cast %shift_right_logical3A_1098 : vector<16xi32> to vector<16xi32>
      tpu.vector_store %arg22[%swap3A_1099], %swap3A_1102 {strides = array<i32>} : memref<64xi32, #tpu.memory_space<vmem>>, vector<16xi32>,
      %and3A_1103 = arith.constant 7 : i32
      %and3A_1104 = vector.broadcast %and3A_1103 : i32 to vector<16xi32>
      %and3A_1105 = arith.andi %get3A_1096, %and3A_1104 : vector<16xi32>
      %mul3A_1106 = arith.constant 8 : i32
      %mul3A_1107 = arith.muli %arg1, %mul3A_1106 : i32
      %add3A_1108 = vector.broadcast %mul3A_1107 : i32 to vector<16xi32>
      %add3A_1109 = arith.addi %and3A_1105, %add3A_1108 : vector<16xi32>
      %swap3A_1110 = arith.constant 0 : index
      %swap3A_1111 = tpu.vector_load %arg21[%swap3A_1110] {strides = array<i32>} : memref<64xi32, #tpu.memory_space<vmem>>, vector<16xi32>,
      %swap3A_1112 = vector.shape_cast %swap3A_1111 : vector<16xi32> to vector<16xi32>
      %swap3A_1113 = vector.shape_cast %add3A_1109 : vector<16xi32> to vector<16xi32>
      tpu.vector_store %arg21[%swap3A_1110], %swap3A_1113 {strides = array<i32>} : memref<64xi32, #tpu.memory_space<vmem>>, vector<16xi32>,
      %get3A_1114 = arith.constant 16 : index
      %get3A_1115 = tpu.vector_load %arg9[%get3A_1114] {strides = array<i32>} : memref<64xi32, #tpu.memory_space<vmem>>, vector<16xi32>,
      %get3A_1116 = vector.shape_cast %get3A_1115 : vector<16xi32> to vector<16xi32>
      %shift_right_logical3A_1117 = arith.constant 3 : i32
      %shift_right_logical3A_1118 = vector.broadcast %shift_right_logical3A_1117 : i32 to vector<16xi32>
      %shift_right_logical3A_1119 = arith.shrui %get3A_1116, %shift_right_logical3A_1118 : vector<16xi32>
      %swap3A_1120 = arith.constant 16 : index
      %swap3A_1121 = tpu.vector_load %arg22[%swap3A_1120] {strides = array<i32>} : memref<64xi32, #tpu.memory_space<vmem>>, vector<16xi32>,
      %swap3A_1122 = vector.shape_cast %swap3A_1121 : vector<16xi32> to vector<16xi32>
      %swap3A_1123 = vector.shape_cast %shift_right_logical3A_1119 : vector<16xi32> to vector<16xi32>
      tpu.vector_store %arg22[%swap3A_1120], %swap3A_1123 {strides = array<i32>} : memref<64xi32, #tpu.memory_space<vmem>>, vector<16xi32>,
      %and3A_1124 = arith.constant 7 : i32
      %and3A_1125 = vector.broadcast %and3A_1124 : i32 to vector<16xi32>
      %and3A_1126 = arith.andi %get3A_1116, %and3A_1125 : vector<16xi32>
      %mul3A_1127 = arith.constant 8 : i32
      %mul3A_1128 = arith.muli %arg1, %mul3A_1127 : i32
      %add3A_1129 = vector.broadcast %mul3A_1128 : i32 to vector<16xi32>
      %add3A_1130 = arith.addi %and3A_1126, %add3A_1129 : vector<16xi32>
      %swap3A_1131 = arith.constant 16 : index
      %swap3A_1132 = tpu.vector_load %arg21[%swap3A_1131] {strides = array<i32>} : memref<64xi32, #tpu.memory_space<vmem>>, vector<16xi32>,
      %swap3A_1133 = vector.shape_cast %swap3A_1132 : vector<16xi32> to vector<16xi32>
      %swap3A_1134 = vector.shape_cast %add3A_1130 : vector<16xi32> to vector<16xi32>
      tpu.vector_store %arg21[%swap3A_1131], %swap3A_1134 {strides = array<i32>} : memref<64xi32, #tpu.memory_space<vmem>>, vector<16xi32>,
      %get3A_1135 = arith.constant 32 : index
      %get3A_1136 = tpu.vector_load %arg9[%get3A_1135] {strides = array<i32>} : memref<64xi32, #tpu.memory_space<vmem>>, vector<16xi32>,
      %get3A_1137 = vector.shape_cast %get3A_1136 : vector<16xi32> to vector<16xi32>
      %shift_right_logical3A_1138 = arith.constant 3 : i32
      %shift_right_logical3A_1139 = vector.broadcast %shift_right_logical3A_1138 : i32 to vector<16xi32>
      %shift_right_logical3A_1140 = arith.shrui %get3A_1137, %shift_right_logical3A_1139 : vector<16xi32>
      %swap3A_1141 = arith.constant 32 : index
      %swap3A_1142 = tpu.vector_load %arg22[%swap3A_1141] {strides = array<i32>} : memref<64xi32, #tpu.memory_space<vmem>>, vector<16xi32>,
      %swap3A_1143 = vector.shape_cast %swap3A_1142 : vector<16xi32> to vector<16xi32>
      %swap3A_1144 = vector.shape_cast %shift_right_logical3A_1140 : vector<16xi32> to vector<16xi32>
      tpu.vector_store %arg22[%swap3A_1141], %swap3A_1144 {strides = array<i32>} : memref<64xi32, #tpu.memory_space<vmem>>, vector<16xi32>,
      %and3A_1145 = arith.constant 7 : i32
      %and3A_1146 = vector.broadcast %and3A_1145 : i32 to vector<16xi32>
      %and3A_1147 = arith.andi %get3A_1137, %and3A_1146 : vector<16xi32>
      %mul3A_1148 = arith.constant 8 : i32
      %mul3A_1149 = arith.muli %arg1, %mul3A_1148 : i32
      %add3A_1150 = vector.broadcast %mul3A_1149 : i32 to vector<16xi32>
      %add3A_1151 = arith.addi %and3A_1147, %add3A_1150 : vector<16xi32>
      %swap3A_1152 = arith.constant 32 : index
      %swap3A_1153 = tpu.vector_load %arg21[%swap3A_1152] {strides = array<i32>} : memref<64xi32, #tpu.memory_space<vmem>>, vector<16xi32>,
      %swap3A_1154 = vector.shape_cast %swap3A_1153 : vector<16xi32> to vector<16xi32>
      %swap3A_1155 = vector.shape_cast %add3A_1151 : vector<16xi32> to vector<16xi32>
      tpu.vector_store %arg21[%swap3A_1152], %swap3A_1155 {strides = array<i32>} : memref<64xi32, #tpu.memory_space<vmem>>, vector<16xi32>,
      %get3A_1156 = arith.constant 48 : index
      %get3A_1157 = tpu.vector_load %arg9[%get3A_1156] {strides = array<i32>} : memref<64xi32, #tpu.memory_space<vmem>>, vector<16xi32>,
      %get3A_1158 = vector.shape_cast %get3A_1157 : vector<16xi32> to vector<16xi32>
      %shift_right_logical3A_1159 = arith.constant 3 : i32
      %shift_right_logical3A_1160 = vector.broadcast %shift_right_logical3A_1159 : i32 to vector<16xi32>
      %shift_right_logical3A_1161 = arith.shrui %get3A_1158, %shift_right_logical3A_1160 : vector<16xi32>
      %swap3A_1162 = arith.constant 48 : index
      %swap3A_1163 = tpu.vector_load %arg22[%swap3A_1162] {strides = array<i32>} : memref<64xi32, #tpu.memory_space<vmem>>, vector<16xi32>,
      %swap3A_1164 = vector.shape_cast %swap3A_1163 : vector<16xi32> to vector<16xi32>
      %swap3A_1165 = vector.shape_cast %shift_right_logical3A_1161 : vector<16xi32> to vector<16xi32>
      tpu.vector_store %arg22[%swap3A_1162], %swap3A_1165 {strides = array<i32>} : memref<64xi32, #tpu.memory_space<vmem>>, vector<16xi32>,
      %and3A_1166 = arith.constant 7 : i32
      %and3A_1167 = vector.broadcast %and3A_1166 : i32 to vector<16xi32>
      %and3A_1168 = arith.andi %get3A_1158, %and3A_1167 : vector<16xi32>
      %mul3A_1169 = arith.constant 8 : i32
      %mul3A_1170 = arith.muli %arg1, %mul3A_1169 : i32
      %add3A_1171 = vector.broadcast %mul3A_1170 : i32 to vector<16xi32>
      %add3A_1172 = arith.addi %and3A_1168, %add3A_1171 : vector<16xi32>
      %swap3A_1173 = arith.constant 48 : index
      %swap3A_1174 = tpu.vector_load %arg21[%swap3A_1173] {strides = array<i32>} : memref<64xi32, #tpu.memory_space<vmem>>, vector<16xi32>,
      %swap3A_1175 = vector.shape_cast %swap3A_1174 : vector<16xi32> to vector<16xi32>
      %swap3A_1176 = vector.shape_cast %add3A_1172 : vector<16xi32> to vector<16xi32>
      tpu.vector_store %arg21[%swap3A_1173], %swap3A_1176 {strides = array<i32>} : memref<64xi32, #tpu.memory_space<vmem>>, vector<16xi32>,
      %dma_start3A_1177 = arith.constant 0 : i32
      %dma_start3A_1178 = arith.constant 0 : i32
      %dma_start3A_1179 = tpu.memref_slice %arg19[%dma_start3A_1177, %dma_start3A_1178] : memref<128x128xf32, #tpu.memory_space<vmem_shared>> -> memref<128x128xf32, #tpu.memory_space<vmem_shared>>
      tpu.enqueue_indirect_dma source(%dma_start3A_1179 : memref<128x128xf32, #tpu.memory_space<vmem_shared>>) target(%arg14 : memref<64x128xf32, #tpu.memory_space<vmem>>) offsets(%arg21 : memref<64xi32, #tpu.memory_space<vmem>>) semaphore(%arg16 : memref<!tpu.dma_semaphore, #tpu.memory_space<semaphore_mem>>)
      %dma_wait3A_1180 = arith.constant 0 : i32
      %dma_wait3A_1181 = arith.constant 0 : i32
      %dma_wait3A_1182 = tpu.memref_slice %arg19[%dma_wait3A_1180, %dma_wait3A_1181] : memref<128x128xf32, #tpu.memory_space<vmem_shared>> -> memref<128x128xf32, #tpu.memory_space<vmem_shared>>
      tpu.wait_indirect_dma semaphore(%arg16 : memref<!tpu.dma_semaphore, #tpu.memory_space<semaphore_mem>>) src(%dma_wait3A_1182 : memref<128x128xf32, #tpu.memory_space<vmem_shared>>) dst(%arg14 : memref<64x128xf32, #tpu.memory_space<vmem>>)
      "tpu.region"() ({
        %run_scoped3A = tpu.sem_alloc : memref<!tpu.dma_semaphore, #tpu.memory_space<semaphore_mem>>
        %dma_start3A_1277 = arith.constant 0 : i32
        %dma_start3A_1278 = arith.constant 0 : i32
        %dma_start3A_1279 = tpu.memref_slice %arg18[%dma_start3A_1277, %dma_start3A_1278] : memref<1280x128xf32, #tpu.memory_space<vmem_shared>> -> memref<1280x128xf32, #tpu.memory_space<vmem_shared>>
        tpu.enqueue_indirect_dma source(%arg14 : memref<64x128xf32, #tpu.memory_space<vmem>>) target(%dma_start3A_1279 : memref<1280x128xf32, #tpu.memory_space<vmem_shared>>) offsets(%arg22 : memref<64xi32, #tpu.memory_space<vmem>>) semaphore(%run_scoped3A : memref<!tpu.dma_semaphore, #tpu.memory_space<semaphore_mem>>) {add = true}
        %dma_wait3A_1280 = arith.constant 0 : i32
        %dma_wait3A_1281 = arith.constant 0 : i32
        %dma_wait3A_1282 = tpu.memref_slice %arg18[%dma_wait3A_1280, %dma_wait3A_1281] : memref<1280x128xf32, #tpu.memory_space<vmem_shared>> -> memref<1280x128xf32, #tpu.memory_space<vmem_shared>>
        tpu.wait_indirect_dma semaphore(%run_scoped3A : memref<!tpu.dma_semaphore, #tpu.memory_space<semaphore_mem>>) src(%arg14 : memref<64x128xf32, #tpu.memory_space<vmem>>) dst(%dma_wait3A_1282 : memref<1280x128xf32, #tpu.memory_space<vmem_shared>>)
        tpu.yield
      }) : () -> ()
      %dma_wait3A_1183 = arith.constant 0 : i32
      %dma_wait3A_1184 = arith.constant 0 : i32
      %dma_wait3A_1185 = tpu.memref_slice %arg2[%dma_wait3A_1183, %dma_wait3A_1184] : memref<10000x128xf32, #tpu.memory_space<hbm>> -> memref<10000x128xf32, #tpu.memory_space<hbm>>
      tpu.wait_indirect_dma semaphore(%arg17 : memref<!tpu.dma_semaphore, #tpu.memory_space<semaphore_mem>>) src(%dma_wait3A_1185 : memref<10000x128xf32, #tpu.memory_space<hbm>>) dst(%arg15 : memref<64x128xf32, #tpu.memory_space<vmem>>)
      "tpu.region"() ({
        %run_scoped3A = tpu.sem_alloc : memref<!tpu.dma_semaphore, #tpu.memory_space<semaphore_mem>>
        %dma_start3A_1277 = arith.constant 0 : i32
        %dma_start3A_1278 = arith.constant 0 : i32
        %dma_start3A_1279 = tpu.memref_slice %arg7[%dma_start3A_1277, %dma_start3A_1278] : memref<10240x128xf32, #tpu.memory_space<vmem_shared>> -> memref<10240x128xf32, #tpu.memory_space<vmem_shared>>
        tpu.enqueue_indirect_dma source(%arg15 : memref<64x128xf32, #tpu.memory_space<vmem>>) target(%dma_start3A_1279 : memref<10240x128xf32, #tpu.memory_space<vmem_shared>>) offsets(%arg11 : memref<64xi32, #tpu.memory_space<vmem>>) semaphore(%run_scoped3A : memref<!tpu.dma_semaphore, #tpu.memory_space<semaphore_mem>>) {add = true}
        %dma_wait3A_1280 = arith.constant 0 : i32
        %dma_wait3A_1281 = arith.constant 0 : i32
        %dma_wait3A_1282 = tpu.memref_slice %arg7[%dma_wait3A_1280, %dma_wait3A_1281] : memref<10240x128xf32, #tpu.memory_space<vmem_shared>> -> memref<10240x128xf32, #tpu.memory_space<vmem_shared>>
        tpu.wait_indirect_dma semaphore(%run_scoped3A : memref<!tpu.dma_semaphore, #tpu.memory_space<semaphore_mem>>) src(%arg15 : memref<64x128xf32, #tpu.memory_space<vmem>>) dst(%dma_wait3A_1282 : memref<10240x128xf32, #tpu.memory_space<vmem_shared>>)
        tpu.yield
      }) : () -> ()
      %get3A_1186 = arith.constant 0 : index
      %get3A_1187 = tpu.vector_load %arg11[%get3A_1186] {strides = array<i32>} : memref<64xi32, #tpu.memory_space<vmem>>, vector<16xi32>,
      %get3A_1188 = vector.shape_cast %get3A_1187 : vector<16xi32> to vector<16xi32>
      %shift_right_logical3A_1189 = arith.constant 3 : i32
      %shift_right_logical3A_1190 = vector.broadcast %shift_right_logical3A_1189 : i32 to vector<16xi32>
      %shift_right_logical3A_1191 = arith.shrui %get3A_1188, %shift_right_logical3A_1190 : vector<16xi32>
      %swap3A_1192 = arith.constant 0 : index
      %swap3A_1193 = tpu.vector_load %arg22[%swap3A_1192] {strides = array<i32>} : memref<64xi32, #tpu.memory_space<vmem>>, vector<16xi32>,
      %swap3A_1194 = vector.shape_cast %swap3A_1193 : vector<16xi32> to vector<16xi32>
      %swap3A_1195 = vector.shape_cast %shift_right_logical3A_1191 : vector<16xi32> to vector<16xi32>
      tpu.vector_store %arg22[%swap3A_1192], %swap3A_1195 {strides = array<i32>} : memref<64xi32, #tpu.memory_space<vmem>>, vector<16xi32>,
      %and3A_1196 = arith.constant 7 : i32
      %and3A_1197 = vector.broadcast %and3A_1196 : i32 to vector<16xi32>
      %and3A_1198 = arith.andi %get3A_1188, %and3A_1197 : vector<16xi32>
      %mul3A_1199 = arith.constant 8 : i32
      %mul3A_1200 = arith.muli %arg1, %mul3A_1199 : i32
      %add3A_1201 = vector.broadcast %mul3A_1200 : i32 to vector<16xi32>
      %add3A_1202 = arith.addi %and3A_1198, %add3A_1201 : vector<16xi32>
      %swap3A_1203 = arith.constant 0 : index
      %swap3A_1204 = tpu.vector_load %arg21[%swap3A_1203] {strides = array<i32>} : memref<64xi32, #tpu.memory_space<vmem>>, vector<16xi32>,
      %swap3A_1205 = vector.shape_cast %swap3A_1204 : vector<16xi32> to vector<16xi32>
      %swap3A_1206 = vector.shape_cast %add3A_1202 : vector<16xi32> to vector<16xi32>
      tpu.vector_store %arg21[%swap3A_1203], %swap3A_1206 {strides = array<i32>} : memref<64xi32, #tpu.memory_space<vmem>>, vector<16xi32>,
      %get3A_1207 = arith.constant 16 : index
      %get3A_1208 = tpu.vector_load %arg11[%get3A_1207] {strides = array<i32>} : memref<64xi32, #tpu.memory_space<vmem>>, vector<16xi32>,
      %get3A_1209 = vector.shape_cast %get3A_1208 : vector<16xi32> to vector<16xi32>
      %shift_right_logical3A_1210 = arith.constant 3 : i32
      %shift_right_logical3A_1211 = vector.broadcast %shift_right_logical3A_1210 : i32 to vector<16xi32>
      %shift_right_logical3A_1212 = arith.shrui %get3A_1209, %shift_right_logical3A_1211 : vector<16xi32>
      %swap3A_1213 = arith.constant 16 : index
      %swap3A_1214 = tpu.vector_load %arg22[%swap3A_1213] {strides = array<i32>} : memref<64xi32, #tpu.memory_space<vmem>>, vector<16xi32>,
      %swap3A_1215 = vector.shape_cast %swap3A_1214 : vector<16xi32> to vector<16xi32>
      %swap3A_1216 = vector.shape_cast %shift_right_logical3A_1212 : vector<16xi32> to vector<16xi32>
      tpu.vector_store %arg22[%swap3A_1213], %swap3A_1216 {strides = array<i32>} : memref<64xi32, #tpu.memory_space<vmem>>, vector<16xi32>,
      %and3A_1217 = arith.constant 7 : i32
      %and3A_1218 = vector.broadcast %and3A_1217 : i32 to vector<16xi32>
      %and3A_1219 = arith.andi %get3A_1209, %and3A_1218 : vector<16xi32>
      %mul3A_1220 = arith.constant 8 : i32
      %mul3A_1221 = arith.muli %arg1, %mul3A_1220 : i32
      %add3A_1222 = vector.broadcast %mul3A_1221 : i32 to vector<16xi32>
      %add3A_1223 = arith.addi %and3A_1219, %add3A_1222 : vector<16xi32>
      %swap3A_1224 = arith.constant 16 : index
      %swap3A_1225 = tpu.vector_load %arg21[%swap3A_1224] {strides = array<i32>} : memref<64xi32, #tpu.memory_space<vmem>>, vector<16xi32>,
      %swap3A_1226 = vector.shape_cast %swap3A_1225 : vector<16xi32> to vector<16xi32>
      %swap3A_1227 = vector.shape_cast %add3A_1223 : vector<16xi32> to vector<16xi32>
      tpu.vector_store %arg21[%swap3A_1224], %swap3A_1227 {strides = array<i32>} : memref<64xi32, #tpu.memory_space<vmem>>, vector<16xi32>,
      %get3A_1228 = arith.constant 32 : index
      %get3A_1229 = tpu.vector_load %arg11[%get3A_1228] {strides = array<i32>} : memref<64xi32, #tpu.memory_space<vmem>>, vector<16xi32>,
      %get3A_1230 = vector.shape_cast %get3A_1229 : vector<16xi32> to vector<16xi32>
      %shift_right_logical3A_1231 = arith.constant 3 : i32
      %shift_right_logical3A_1232 = vector.broadcast %shift_right_logical3A_1231 : i32 to vector<16xi32>
      %shift_right_logical3A_1233 = arith.shrui %get3A_1230, %shift_right_logical3A_1232 : vector<16xi32>
      %swap3A_1234 = arith.constant 32 : index
      %swap3A_1235 = tpu.vector_load %arg22[%swap3A_1234] {strides = array<i32>} : memref<64xi32, #tpu.memory_space<vmem>>, vector<16xi32>,
      %swap3A_1236 = vector.shape_cast %swap3A_1235 : vector<16xi32> to vector<16xi32>
      %swap3A_1237 = vector.shape_cast %shift_right_logical3A_1233 : vector<16xi32> to vector<16xi32>
      tpu.vector_store %arg22[%swap3A_1234], %swap3A_1237 {strides = array<i32>} : memref<64xi32, #tpu.memory_space<vmem>>, vector<16xi32>,
      %and3A_1238 = arith.constant 7 : i32
      %and3A_1239 = vector.broadcast %and3A_1238 : i32 to vector<16xi32>
      %and3A_1240 = arith.andi %get3A_1230, %and3A_1239 : vector<16xi32>
      %mul3A_1241 = arith.constant 8 : i32
      %mul3A_1242 = arith.muli %arg1, %mul3A_1241 : i32
      %add3A_1243 = vector.broadcast %mul3A_1242 : i32 to vector<16xi32>
      %add3A_1244 = arith.addi %and3A_1240, %add3A_1243 : vector<16xi32>
      %swap3A_1245 = arith.constant 32 : index
      %swap3A_1246 = tpu.vector_load %arg21[%swap3A_1245] {strides = array<i32>} : memref<64xi32, #tpu.memory_space<vmem>>, vector<16xi32>,
      %swap3A_1247 = vector.shape_cast %swap3A_1246 : vector<16xi32> to vector<16xi32>
      %swap3A_1248 = vector.shape_cast %add3A_1244 : vector<16xi32> to vector<16xi32>
      tpu.vector_store %arg21[%swap3A_1245], %swap3A_1248 {strides = array<i32>} : memref<64xi32, #tpu.memory_space<vmem>>, vector<16xi32>,
      %get3A_1249 = arith.constant 48 : index
      %get3A_1250 = tpu.vector_load %arg11[%get3A_1249] {strides = array<i32>} : memref<64xi32, #tpu.memory_space<vmem>>, vector<16xi32>,
      %get3A_1251 = vector.shape_cast %get3A_1250 : vector<16xi32> to vector<16xi32>
      %shift_right_logical3A_1252 = arith.constant 3 : i32
      %shift_right_logical3A_1253 = vector.broadcast %shift_right_logical3A_1252 : i32 to vector<16xi32>
      %shift_right_logical3A_1254 = arith.shrui %get3A_1251, %shift_right_logical3A_1253 : vector<16xi32>
      %swap3A_1255 = arith.constant 48 : index
      %swap3A_1256 = tpu.vector_load %arg22[%swap3A_1255] {strides = array<i32>} : memref<64xi32, #tpu.memory_space<vmem>>, vector<16xi32>,
      %swap3A_1257 = vector.shape_cast %swap3A_1256 : vector<16xi32> to vector<16xi32>
      %swap3A_1258 = vector.shape_cast %shift_right_logical3A_1254 : vector<16xi32> to vector<16xi32>
      tpu.vector_store %arg22[%swap3A_1255], %swap3A_1258 {strides = array<i32>} : memref<64xi32, #tpu.memory_space<vmem>>, vector<16xi32>,
      %and3A_1259 = arith.constant 7 : i32
      %and3A_1260 = vector.broadcast %and3A_1259 : i32 to vector<16xi32>
      %and3A_1261 = arith.andi %get3A_1251, %and3A_1260 : vector<16xi32>
      %mul3A_1262 = arith.constant 8 : i32
      %mul3A_1263 = arith.muli %arg1, %mul3A_1262 : i32
      %add3A_1264 = vector.broadcast %mul3A_1263 : i32 to vector<16xi32>
      %add3A_1265 = arith.addi %and3A_1261, %add3A_1264 : vector<16xi32>
      %swap3A_1266 = arith.constant 48 : index
      %swap3A_1267 = tpu.vector_load %arg21[%swap3A_1266] {strides = array<i32>} : memref<64xi32, #tpu.memory_space<vmem>>, vector<16xi32>,
      %swap3A_1268 = vector.shape_cast %swap3A_1267 : vector<16xi32> to vector<16xi32>
      %swap3A_1269 = vector.shape_cast %add3A_1265 : vector<16xi32> to vector<16xi32>
      tpu.vector_store %arg21[%swap3A_1266], %swap3A_1269 {strides = array<i32>} : memref<64xi32, #tpu.memory_space<vmem>>, vector<16xi32>,
      %dma_start3A_1270 = arith.constant 0 : i32
      %dma_start3A_1271 = arith.constant 0 : i32
      %dma_start3A_1272 = tpu.memref_slice %arg19[%dma_start3A_1270, %dma_start3A_1271] : memref<128x128xf32, #tpu.memory_space<vmem_shared>> -> memref<128x128xf32, #tpu.memory_space<vmem_shared>>
      tpu.enqueue_indirect_dma source(%dma_start3A_1272 : memref<128x128xf32, #tpu.memory_space<vmem_shared>>) target(%arg15 : memref<64x128xf32, #tpu.memory_space<vmem>>) offsets(%arg21 : memref<64xi32, #tpu.memory_space<vmem>>) semaphore(%arg17 : memref<!tpu.dma_semaphore, #tpu.memory_space<semaphore_mem>>)
      %dma_wait3A_1273 = arith.constant 0 : i32
      %dma_wait3A_1274 = arith.constant 0 : i32
      %dma_wait3A_1275 = tpu.memref_slice %arg19[%dma_wait3A_1273, %dma_wait3A_1274] : memref<128x128xf32, #tpu.memory_space<vmem_shared>> -> memref<128x128xf32, #tpu.memory_space<vmem_shared>>
      tpu.wait_indirect_dma semaphore(%arg17 : memref<!tpu.dma_semaphore, #tpu.memory_space<semaphore_mem>>) src(%dma_wait3A_1275 : memref<128x128xf32, #tpu.memory_space<vmem_shared>>) dst(%arg15 : memref<64x128xf32, #tpu.memory_space<vmem>>)
      "tpu.region"() ({
        %run_scoped3A = tpu.sem_alloc : memref<!tpu.dma_semaphore, #tpu.memory_space<semaphore_mem>>
        %dma_start3A_1277 = arith.constant 0 : i32
        %dma_start3A_1278 = arith.constant 0 : i32
        %dma_start3A_1279 = tpu.memref_slice %arg18[%dma_start3A_1277, %dma_start3A_1278] : memref<1280x128xf32, #tpu.memory_space<vmem_shared>> -> memref<1280x128xf32, #tpu.memory_space<vmem_shared>>
        tpu.enqueue_indirect_dma source(%arg15 : memref<64x128xf32, #tpu.memory_space<vmem>>) target(%dma_start3A_1279 : memref<1280x128xf32, #tpu.memory_space<vmem_shared>>) offsets(%arg22 : memref<64xi32, #tpu.memory_space<vmem>>) semaphore(%run_scoped3A : memref<!tpu.dma_semaphore, #tpu.memory_space<semaphore_mem>>) {add = true}
        %dma_wait3A_1280 = arith.constant 0 : i32
        %dma_wait3A_1281 = arith.constant 0 : i32
        %dma_wait3A_1282 = tpu.memref_slice %arg18[%dma_wait3A_1280, %dma_wait3A_1281] : memref<1280x128xf32, #tpu.memory_space<vmem_shared>> -> memref<1280x128xf32, #tpu.memory_space<vmem_shared>>
        tpu.wait_indirect_dma semaphore(%run_scoped3A : memref<!tpu.dma_semaphore, #tpu.memory_space<semaphore_mem>>) src(%arg15 : memref<64x128xf32, #tpu.memory_space<vmem>>) dst(%dma_wait3A_1282 : memref<1280x128xf32, #tpu.memory_space<vmem_shared>>)
        tpu.yield
      }) : () -> ()
      %scan3A_1276 = arith.constant 0 : i32
      scf.yield %scan3A_1276 : i32
    }
    %scan3A_1059 = arith.constant 80 : i32
    %barrier3A_1060 = arith.constant 0 : index
    tpu.barrier barrier_id(%barrier3A_1060)
    %scan3A_1061 = arith.constant 0 : i32
    %scan3A_1062 = arith.constant 0 : i32
    %scan3A_1063 = arith.constant 10 : i32
    %scan3A_1064 = arith.addi %scan3A_1062, %scan3A_1063 : i32
    %scan3A_1065 = arith.constant 1 : i32
    %scan3A_1066 = scf.for %scan3A_1075 = %scan3A_1062 to %scan3A_1064 step %scan3A_1065 iter_args(%scan3A_1076 = %scan3A_1061) -> (i32)  : i32 {
      %mul3A_1077 = arith.constant 640 : i32
      %mul3A_1078 = arith.muli %arg1, %mul3A_1077 : i32
      %mul3A_1079 = arith.constant 64 : i32
      %mul3A_1080 = arith.muli %scan3A_1075, %mul3A_1079 : i32
      %add3A_1081 = arith.addi %mul3A_1078, %mul3A_1080 : i32
      %add3A_1082 = arith.constant 0 : i32
      %add3A_1083 = arith.addi %add3A_1081, %add3A_1082 : i32
      %add3A_1084 = vector.broadcast %add3A_1083 : i32 to vector<16xi32>
      %add3A_1085 = arith.addi %add3A_1084, %iota3A : vector<16xi32>
      %swap3A_1086 = arith.constant 0 : index
      %swap3A_1087 = tpu.vector_load %arg12[%swap3A_1086] {strides = array<i32>} : memref<64xi32, #tpu.memory_space<vmem>>, vector<16xi32>,
      %swap3A_1088 = vector.shape_cast %swap3A_1087 : vector<16xi32> to vector<16xi32>
      %swap3A_1089 = vector.shape_cast %add3A_1085 : vector<16xi32> to vector<16xi32>
      tpu.vector_store %arg12[%swap3A_1086], %swap3A_1089 {strides = array<i32>} : memref<64xi32, #tpu.memory_space<vmem>>, vector<16xi32>,
      %mul3A_1090 = arith.constant 10240 : i32
      %mul3A_1091 = arith.muli %arg0, %mul3A_1090 : i32
      %add3A_1092 = vector.broadcast %mul3A_1091 : i32 to vector<16xi32>
      %add3A_1093 = arith.addi %add3A_1092, %add3A_1085 : vector<16xi32>
      %swap3A_1094 = arith.constant 0 : index
      %swap3A_1095 = tpu.vector_load %arg13[%swap3A_1094] {strides = array<i32>} : memref<64xi32, #tpu.memory_space<vmem>>, vector<16xi32>,
      %swap3A_1096 = vector.shape_cast %swap3A_1095 : vector<16xi32> to vector<16xi32>
      %swap3A_1097 = vector.shape_cast %add3A_1093 : vector<16xi32> to vector<16xi32>
      tpu.vector_store %arg13[%swap3A_1094], %swap3A_1097 {strides = array<i32>} : memref<64xi32, #tpu.memory_space<vmem>>, vector<16xi32>,
      %add3A_1098 = arith.constant 16 : i32
      %add3A_1099 = arith.addi %add3A_1081, %add3A_1098 : i32
      %add3A_1100 = vector.broadcast %add3A_1099 : i32 to vector<16xi32>
      %add3A_1101 = arith.addi %add3A_1100, %iota3A : vector<16xi32>
      %swap3A_1102 = arith.constant 16 : index
      %swap3A_1103 = tpu.vector_load %arg12[%swap3A_1102] {strides = array<i32>} : memref<64xi32, #tpu.memory_space<vmem>>, vector<16xi32>,
      %swap3A_1104 = vector.shape_cast %swap3A_1103 : vector<16xi32> to vector<16xi32>
      %swap3A_1105 = vector.shape_cast %add3A_1101 : vector<16xi32> to vector<16xi32>
      tpu.vector_store %arg12[%swap3A_1102], %swap3A_1105 {strides = array<i32>} : memref<64xi32, #tpu.memory_space<vmem>>, vector<16xi32>,
      %mul3A_1106 = arith.constant 10240 : i32
      %mul3A_1107 = arith.muli %arg0, %mul3A_1106 : i32
      %add3A_1108 = vector.broadcast %mul3A_1107 : i32 to vector<16xi32>
      %add3A_1109 = arith.addi %add3A_1108, %add3A_1101 : vector<16xi32>
      %swap3A_1110 = arith.constant 16 : index
      %swap3A_1111 = tpu.vector_load %arg13[%swap3A_1110] {strides = array<i32>} : memref<64xi32, #tpu.memory_space<vmem>>, vector<16xi32>,
      %swap3A_1112 = vector.shape_cast %swap3A_1111 : vector<16xi32> to vector<16xi32>
      %swap3A_1113 = vector.shape_cast %add3A_1109 : vector<16xi32> to vector<16xi32>
      tpu.vector_store %arg13[%swap3A_1110], %swap3A_1113 {strides = array<i32>} : memref<64xi32, #tpu.memory_space<vmem>>, vector<16xi32>,
      %add3A_1114 = arith.constant 32 : i32
      %add3A_1115 = arith.addi %add3A_1081, %add3A_1114 : i32
      %add3A_1116 = vector.broadcast %add3A_1115 : i32 to vector<16xi32>
      %add3A_1117 = arith.addi %add3A_1116, %iota3A : vector<16xi32>
      %swap3A_1118 = arith.constant 32 : index
      %swap3A_1119 = tpu.vector_load %arg12[%swap3A_1118] {strides = array<i32>} : memref<64xi32, #tpu.memory_space<vmem>>, vector<16xi32>,
      %swap3A_1120 = vector.shape_cast %swap3A_1119 : vector<16xi32> to vector<16xi32>
      %swap3A_1121 = vector.shape_cast %add3A_1117 : vector<16xi32> to vector<16xi32>
      tpu.vector_store %arg12[%swap3A_1118], %swap3A_1121 {strides = array<i32>} : memref<64xi32, #tpu.memory_space<vmem>>, vector<16xi32>,
      %mul3A_1122 = arith.constant 10240 : i32
      %mul3A_1123 = arith.muli %arg0, %mul3A_1122 : i32
      %add3A_1124 = vector.broadcast %mul3A_1123 : i32 to vector<16xi32>
      %add3A_1125 = arith.addi %add3A_1124, %add3A_1117 : vector<16xi32>
      %swap3A_1126 = arith.constant 32 : index
      %swap3A_1127 = tpu.vector_load %arg13[%swap3A_1126] {strides = array<i32>} : memref<64xi32, #tpu.memory_space<vmem>>, vector<16xi32>,
      %swap3A_1128 = vector.shape_cast %swap3A_1127 : vector<16xi32> to vector<16xi32>
      %swap3A_1129 = vector.shape_cast %add3A_1125 : vector<16xi32> to vector<16xi32>
      tpu.vector_store %arg13[%swap3A_1126], %swap3A_1129 {strides = array<i32>} : memref<64xi32, #tpu.memory_space<vmem>>, vector<16xi32>,
      %add3A_1130 = arith.constant 48 : i32
      %add3A_1131 = arith.addi %add3A_1081, %add3A_1130 : i32
      %add3A_1132 = vector.broadcast %add3A_1131 : i32 to vector<16xi32>
      %add3A_1133 = arith.addi %add3A_1132, %iota3A : vector<16xi32>
      %swap3A_1134 = arith.constant 48 : index
      %swap3A_1135 = tpu.vector_load %arg12[%swap3A_1134] {strides = array<i32>} : memref<64xi32, #tpu.memory_space<vmem>>, vector<16xi32>,
      %swap3A_1136 = vector.shape_cast %swap3A_1135 : vector<16xi32> to vector<16xi32>
      %swap3A_1137 = vector.shape_cast %add3A_1133 : vector<16xi32> to vector<16xi32>
      tpu.vector_store %arg12[%swap3A_1134], %swap3A_1137 {strides = array<i32>} : memref<64xi32, #tpu.memory_space<vmem>>, vector<16xi32>,
      %mul3A_1138 = arith.constant 10240 : i32
      %mul3A_1139 = arith.muli %arg0, %mul3A_1138 : i32
      %add3A_1140 = vector.broadcast %mul3A_1139 : i32 to vector<16xi32>
      %add3A_1141 = arith.addi %add3A_1140, %add3A_1133 : vector<16xi32>
      %swap3A_1142 = arith.constant 48 : index
      %swap3A_1143 = tpu.vector_load %arg13[%swap3A_1142] {strides = array<i32>} : memref<64xi32, #tpu.memory_space<vmem>>, vector<16xi32>,
      %swap3A_1144 = vector.shape_cast %swap3A_1143 : vector<16xi32> to vector<16xi32>
      %swap3A_1145 = vector.shape_cast %add3A_1141 : vector<16xi32> to vector<16xi32>
      tpu.vector_store %arg13[%swap3A_1142], %swap3A_1145 {strides = array<i32>} : memref<64xi32, #tpu.memory_space<vmem>>, vector<16xi32>,
      %dma_start3A = arith.constant 0 : i32
      %dma_start3A_1146 = arith.constant 0 : i32
      %dma_start3A_1147 = tpu.memref_slice %arg7[%dma_start3A, %dma_start3A_1146] : memref<10240x128xf32, #tpu.memory_space<vmem_shared>> -> memref<10240x128xf32, #tpu.memory_space<vmem_shared>>
      tpu.enqueue_indirect_dma source(%dma_start3A_1147 : memref<10240x128xf32, #tpu.memory_space<vmem_shared>>) target(%arg14 : memref<64x128xf32, #tpu.memory_space<vmem>>) offsets(%arg12 : memref<64xi32, #tpu.memory_space<vmem>>) semaphore(%arg16 : memref<!tpu.dma_semaphore, #tpu.memory_space<semaphore_mem>>)
      %dma_wait3A = arith.constant 0 : i32
      %dma_wait3A_1148 = arith.constant 0 : i32
      %dma_wait3A_1149 = tpu.memref_slice %arg7[%dma_wait3A, %dma_wait3A_1148] : memref<10240x128xf32, #tpu.memory_space<vmem_shared>> -> memref<10240x128xf32, #tpu.memory_space<vmem_shared>>
      tpu.wait_indirect_dma semaphore(%arg16 : memref<!tpu.dma_semaphore, #tpu.memory_space<semaphore_mem>>) src(%dma_wait3A_1149 : memref<10240x128xf32, #tpu.memory_space<vmem_shared>>) dst(%arg14 : memref<64x128xf32, #tpu.memory_space<vmem>>)
      "tpu.region"() ({
        %run_scoped3A = tpu.sem_alloc : memref<!tpu.dma_semaphore, #tpu.memory_space<semaphore_mem>>
        %dma_start3A_1151 = arith.constant 0 : i32
        %dma_start3A_1152 = arith.constant 0 : i32
        %dma_start3A_1153 = tpu.memref_slice %arg5[%dma_start3A_1151, %dma_start3A_1152] : memref<20480x128xf32, #tpu.memory_space<hbm>> -> memref<20480x128xf32, #tpu.memory_space<hbm>>
        tpu.enqueue_indirect_dma source(%arg14 : memref<64x128xf32, #tpu.memory_space<vmem>>) target(%dma_start3A_1153 : memref<20480x128xf32, #tpu.memory_space<hbm>>) offsets(%arg13 : memref<64xi32, #tpu.memory_space<vmem>>) semaphore(%run_scoped3A : memref<!tpu.dma_semaphore, #tpu.memory_space<semaphore_mem>>)
        %dma_wait3A_1154 = arith.constant 0 : i32
        %dma_wait3A_1155 = arith.constant 0 : i32
        %dma_wait3A_1156 = tpu.memref_slice %arg5[%dma_wait3A_1154, %dma_wait3A_1155] : memref<20480x128xf32, #tpu.memory_space<hbm>> -> memref<20480x128xf32, #tpu.memory_space<hbm>>
        tpu.wait_indirect_dma semaphore(%run_scoped3A : memref<!tpu.dma_semaphore, #tpu.memory_space<semaphore_mem>>) src(%arg14 : memref<64x128xf32, #tpu.memory_space<vmem>>) dst(%dma_wait3A_1156 : memref<20480x128xf32, #tpu.memory_space<hbm>>)
        tpu.yield
      }) : () -> ()
      %scan3A_1150 = arith.constant 0 : i32
      scf.yield %scan3A_1150 : i32
    }
    %scan3A_1067 = arith.constant 10 : i32
    %scan3A_1068 = arith.constant 0 : i32
    %scan3A_1069 = arith.constant 0 : i32
    %scan3A_1070 = arith.constant 5 : i32
    %scan3A_1071 = arith.addi %scan3A_1069, %scan3A_1070 : i32
    %scan3A_1072 = arith.constant 1 : i32
    %scan3A_1073 = scf.for %scan3A_1075 = %scan3A_1069 to %scan3A_1071 step %scan3A_1072 iter_args(%scan3A_1076 = %scan3A_1068) -> (i32)  : i32 {
      %mul3A_1077 = arith.constant 80 : i32
      %mul3A_1078 = arith.muli %arg1, %mul3A_1077 : i32
      %mul3A_1079 = arith.constant 16 : i32
      %mul3A_1080 = arith.muli %scan3A_1075, %mul3A_1079 : i32
      %add3A_1081 = arith.addi %mul3A_1078, %mul3A_1080 : i32
      %add3A_1082 = vector.broadcast %add3A_1081 : i32 to vector<16xi32>
      %add3A_1083 = arith.addi %add3A_1082, %iota3A : vector<16xi32>
      %swap3A_1084 = arith.constant 0 : index
      %swap3A_1085 = tpu.vector_load %arg23[%swap3A_1084] {strides = array<i32>} : memref<16xi32, #tpu.memory_space<vmem>>, vector<16xi32>,
      %swap3A_1086 = vector.shape_cast %swap3A_1085 : vector<16xi32> to vector<16xi32>
      %swap3A_1087 = vector.shape_cast %add3A_1083 : vector<16xi32> to vector<16xi32>
      tpu.vector_store %arg23[%swap3A_1084], %swap3A_1087 {strides = array<i32>} : memref<16xi32, #tpu.memory_space<vmem>>, vector<16xi32>,
      %mul3A_1088 = arith.constant 1280 : i32
      %mul3A_1089 = arith.muli %arg0, %mul3A_1088 : i32
      %add3A_1090 = vector.broadcast %mul3A_1089 : i32 to vector<16xi32>
      %add3A_1091 = arith.addi %add3A_1090, %add3A_1083 : vector<16xi32>
      %swap3A_1092 = arith.constant 0 : index
      %swap3A_1093 = tpu.vector_load %arg24[%swap3A_1092] {strides = array<i32>} : memref<16xi32, #tpu.memory_space<vmem>>, vector<16xi32>,
      %swap3A_1094 = vector.shape_cast %swap3A_1093 : vector<16xi32> to vector<16xi32>
      %swap3A_1095 = vector.shape_cast %add3A_1091 : vector<16xi32> to vector<16xi32>
      tpu.vector_store %arg24[%swap3A_1092], %swap3A_1095 {strides = array<i32>} : memref<16xi32, #tpu.memory_space<vmem>>, vector<16xi32>,
      %dma_start3A = arith.constant 0 : i32
      %dma_start3A_1096 = arith.constant 0 : i32
      %dma_start3A_1097 = tpu.memref_slice %arg14[%dma_start3A, %dma_start3A_1096] : memref<64x128xf32, #tpu.memory_space<vmem>> -> memref<16x128xf32, #tpu.memory_space<vmem>>
      %dma_start3A_1098 = arith.constant 0 : i32
      %dma_start3A_1099 = arith.constant 0 : i32
      %dma_start3A_1100 = tpu.memref_slice %arg18[%dma_start3A_1098, %dma_start3A_1099] : memref<1280x128xf32, #tpu.memory_space<vmem_shared>> -> memref<1280x128xf32, #tpu.memory_space<vmem_shared>>
      tpu.enqueue_indirect_dma source(%dma_start3A_1100 : memref<1280x128xf32, #tpu.memory_space<vmem_shared>>) target(%dma_start3A_1097 : memref<16x128xf32, #tpu.memory_space<vmem>>) offsets(%arg23 : memref<16xi32, #tpu.memory_space<vmem>>) semaphore(%arg16 : memref<!tpu.dma_semaphore, #tpu.memory_space<semaphore_mem>>)
      %dma_wait3A = arith.constant 0 : i32
      %dma_wait3A_1101 = arith.constant 0 : i32
      %dma_wait3A_1102 = tpu.memref_slice %arg14[%dma_wait3A, %dma_wait3A_1101] : memref<64x128xf32, #tpu.memory_space<vmem>> -> memref<16x128xf32, #tpu.memory_space<vmem>>
      %dma_wait3A_1103 = arith.constant 0 : i32
      %dma_wait3A_1104 = arith.constant 0 : i32
      %dma_wait3A_1105 = tpu.memref_slice %arg18[%dma_wait3A_1103, %dma_wait3A_1104] : memref<1280x128xf32, #tpu.memory_space<vmem_shared>> -> memref<1280x128xf32, #tpu.memory_space<vmem_shared>>
      tpu.wait_indirect_dma semaphore(%arg16 : memref<!tpu.dma_semaphore, #tpu.memory_space<semaphore_mem>>) src(%dma_wait3A_1105 : memref<1280x128xf32, #tpu.memory_space<vmem_shared>>) dst(%dma_wait3A_1102 : memref<16x128xf32, #tpu.memory_space<vmem>>)
      "tpu.region"() ({
        %run_scoped3A = tpu.sem_alloc : memref<!tpu.dma_semaphore, #tpu.memory_space<semaphore_mem>>
        %dma_start3A_1107 = arith.constant 0 : i32
        %dma_start3A_1108 = arith.constant 0 : i32
        %dma_start3A_1109 = tpu.memref_slice %arg14[%dma_start3A_1107, %dma_start3A_1108] : memref<64x128xf32, #tpu.memory_space<vmem>> -> memref<16x128xf32, #tpu.memory_space<vmem>>
        %dma_start3A_1110 = arith.constant 0 : i32
        %dma_start3A_1111 = arith.constant 0 : i32
        %dma_start3A_1112 = tpu.memref_slice %arg6[%dma_start3A_1110, %dma_start3A_1111] : memref<2560x128xf32, #tpu.memory_space<hbm>> -> memref<2560x128xf32, #tpu.memory_space<hbm>>
        tpu.enqueue_indirect_dma source(%dma_start3A_1109 : memref<16x128xf32, #tpu.memory_space<vmem>>) target(%dma_start3A_1112 : memref<2560x128xf32, #tpu.memory_space<hbm>>) offsets(%arg24 : memref<16xi32, #tpu.memory_space<vmem>>) semaphore(%run_scoped3A : memref<!tpu.dma_semaphore, #tpu.memory_space<semaphore_mem>>)
        %dma_wait3A_1113 = arith.constant 0 : i32
        %dma_wait3A_1114 = arith.constant 0 : i32
        %dma_wait3A_1115 = tpu.memref_slice %arg14[%dma_wait3A_1113, %dma_wait3A_1114] : memref<64x128xf32, #tpu.memory_space<vmem>> -> memref<16x128xf32, #tpu.memory_space<vmem>>
        %dma_wait3A_1116 = arith.constant 0 : i32
        %dma_wait3A_1117 = arith.constant 0 : i32
        %dma_wait3A_1118 = tpu.memref_slice %arg6[%dma_wait3A_1116, %dma_wait3A_1117] : memref<2560x128xf32, #tpu.memory_space<hbm>> -> memref<2560x128xf32, #tpu.memory_space<hbm>>
        tpu.wait_indirect_dma semaphore(%run_scoped3A : memref<!tpu.dma_semaphore, #tpu.memory_space<semaphore_mem>>) src(%dma_wait3A_1115 : memref<16x128xf32, #tpu.memory_space<vmem>>) dst(%dma_wait3A_1118 : memref<2560x128xf32, #tpu.memory_space<hbm>>)
        tpu.yield
      }) : () -> ()
      %scan3A_1106 = arith.constant 0 : i32
      scf.yield %scan3A_1106 : i32
    }
    %scan3A_1074 = arith.constant 5 : i32
    return
  }
}

module attributes {stable_mosaic.version = 14 : i64} {
  func.func @_tc_a_body(%arg0: i32, %arg1: memref<1000x128xf32, #tpu.memory_space<vmem>>, %arg2: memref<128x128xf32, #tpu.memory_space<vmem>>, %arg3: memref<1x128xf32, #tpu.memory_space<vmem>>, %arg4: memref<128x128xf32, #tpu.memory_space<vmem>>, %arg5: memref<1000x128xf32, #tpu.memory_space<vmem>>, %arg6: memref<1000x128xf32, #tpu.memory_space<vmem>>) attributes {dimension_semantics = [#tpu.dimension_semantics<arbitrary>], iteration_bounds = array<i64: 10>, scalar_prefetch = 0 : i64, scratch_operands = 0 : i64, tpu.core_type = #tpu.core_type<tc>, window_params = [{transform_indices = @transform_0, window_bounds = array<i64: 1000, 128>}, {pipeline_mode = #tpu.pipeline_mode<synchronous>, transform_indices = @transform_1, window_bounds = array<i64: 128, 128>}, {pipeline_mode = #tpu.pipeline_mode<synchronous>, transform_indices = @transform_2, window_bounds = array<i64: 1, 128>}, {pipeline_mode = #tpu.pipeline_mode<synchronous>, transform_indices = @transform_3, window_bounds = array<i64: 128, 128>}, {transform_indices = @transform_4, window_bounds = array<i64: 1000, 128>}, {transform_indices = @transform_5, window_bounds = array<i64: 1000, 128>}]} {
    %get3A = arith.constant 0 : index
    %get3A_0 = arith.constant 0 : index
    %get3A_1 = vector.load %arg1[%get3A, %get3A_0] : memref<1000x128xf32, #tpu.memory_space<vmem>>, vector<1000x128xf32>
    %get3A_2 = arith.constant 0 : index
    %get3A_3 = arith.constant 0 : index
    %get3A_4 = vector.load %arg2[%get3A_2, %get3A_3] : memref<128x128xf32, #tpu.memory_space<vmem>>, vector<128x128xf32>
    %dot_general3A = arith.constant dense<0.000000e+00> : vector<1000x128xf32>
    %dot_general3A_5 = tpu.matmul %get3A_1, %get3A_4, %dot_general3A {dimension_numbers = #tpu.dot_dimension_numbers<[1], [0], [0], [1], [0, 0, 1, 1], [], []>, transpose_lhs_hint = false} : vector<1000x128xf32>, vector<128x128xf32>, vector<1000x128xf32> -> vector<1000x128xf32>
    %get3A_6 = arith.constant 0 : index
    %get3A_7 = arith.constant 0 : index
    %get3A_8 = vector.load %arg3[%get3A_6, %get3A_7] : memref<1x128xf32, #tpu.memory_space<vmem>>, vector<1x128xf32>
    %add3A = vector.broadcast %get3A_8 : vector<1x128xf32> to vector<1000x128xf32>
    %add3A_9 = arith.addf %dot_general3A_5, %add3A : vector<1000x128xf32>
    %max3A = arith.constant 0.000000e+00 : f32
    %max3A_10 = vector.broadcast %max3A : f32 to vector<1000x128xf32>
    %max3A_11 = arith.maximumf %add3A_9, %max3A_10 : vector<1000x128xf32>
    %swap3A = arith.constant 0 : index
    %swap3A_12 = arith.constant 0 : index
    %swap3A_13 = vector.load %arg5[%swap3A, %swap3A_12] : memref<1000x128xf32, #tpu.memory_space<vmem>>, vector<1000x128xf32>
    tpu.vector_store %arg5[%swap3A, %swap3A_12], %max3A_11 {strides = array<i32>} : memref<1000x128xf32, #tpu.memory_space<vmem>>, vector<1000x128xf32>,
    %get3A_14 = arith.constant 0 : index
    %get3A_15 = arith.constant 0 : index
    %get3A_16 = vector.load %arg4[%get3A_14, %get3A_15] : memref<128x128xf32, #tpu.memory_space<vmem>>, vector<128x128xf32>
    %dot_general3A_17 = arith.constant dense<0.000000e+00> : vector<1000x128xf32>
    %dot_general3A_18 = tpu.matmul %get3A_1, %get3A_16, %dot_general3A_17 {dimension_numbers = #tpu.dot_dimension_numbers<[1], [0], [0], [1], [0, 0, 1, 1], [], []>, transpose_lhs_hint = false} : vector<1000x128xf32>, vector<128x128xf32>, vector<1000x128xf32> -> vector<1000x128xf32>
    %swap3A_19 = arith.constant 0 : index
    %swap3A_20 = arith.constant 0 : index
    %swap3A_21 = vector.load %arg6[%swap3A_19, %swap3A_20] : memref<1000x128xf32, #tpu.memory_space<vmem>>, vector<1000x128xf32>
    tpu.vector_store %arg6[%swap3A_19, %swap3A_20], %dot_general3A_18 {strides = array<i32>} : memref<1000x128xf32, #tpu.memory_space<vmem>>, vector<1000x128xf32>,
    return
  }
  func.func @transform_0(%arg0: i32) -> (i32, i32) {
    %c0_i32 = arith.constant 0 : i32
    %c0_i32_0 = arith.constant 0 : i32
    return %arg0, %c0_i32 : i32, i32
  }
  func.func @transform_1(%arg0: i32) -> (i32, i32) {
    %c0_i32 = arith.constant 0 : i32
    %c0_i32_0 = arith.constant 0 : i32
    %c0_i32_1 = arith.constant 0 : i32
    return %c0_i32, %c0_i32_0 : i32, i32
  }
  func.func @transform_2(%arg0: i32) -> (i32, i32) {
    %c0_i32 = arith.constant 0 : i32
    %c0_i32_0 = arith.constant 0 : i32
    %c0_i32_1 = arith.constant 0 : i32
    return %c0_i32, %c0_i32_0 : i32, i32
  }
  func.func @transform_3(%arg0: i32) -> (i32, i32) {
    %c0_i32 = arith.constant 0 : i32
    %c0_i32_0 = arith.constant 0 : i32
    %c0_i32_1 = arith.constant 0 : i32
    return %c0_i32, %c0_i32_0 : i32, i32
  }
  func.func @transform_4(%arg0: i32) -> (i32, i32) {
    %c0_i32 = arith.constant 0 : i32
    %c0_i32_0 = arith.constant 0 : i32
    return %arg0, %c0_i32 : i32, i32
  }
  func.func @transform_5(%arg0: i32) -> (i32, i32) {
    %c0_i32 = arith.constant 0 : i32
    %c0_i32_0 = arith.constant 0 : i32
    return %arg0, %c0_i32 : i32, i32
  }
}

module attributes {stable_mosaic.version = 14 : i64} {
  func.func @_tc_b_body(%arg0: i32, %arg1: memref<1000x128xf32, #tpu.memory_space<vmem>>, %arg2: memref<1000x128xf32, #tpu.memory_space<vmem>>, %arg3: memref<1000x128xf32, #tpu.memory_space<vmem>>, %arg4: memref<1000x16xf32, #tpu.memory_space<vmem>>, %arg5: memref<1000x16xf32, #tpu.memory_space<vmem>>, %arg6: memref<1x128xf32, #tpu.memory_space<vmem>>, %arg7: memref<256x128xf32, #tpu.memory_space<vmem>>, %arg8: memref<1x128xf32, #tpu.memory_space<vmem>>, %arg9: memref<256x128xf32, #tpu.memory_space<vmem>>, %arg10: memref<1000x128xf32, #tpu.memory_space<vmem>>, %arg11: memref<1000x128xf32, #tpu.memory_space<vmem>>) attributes {dimension_semantics = [#tpu.dimension_semantics<arbitrary>], iteration_bounds = array<i64: 10>, scalar_prefetch = 0 : i64, scratch_operands = 0 : i64, tpu.core_type = #tpu.core_type<tc>, window_params = [{transform_indices = @transform_0, window_bounds = array<i64: 1000, 128>}, {transform_indices = @transform_1, window_bounds = array<i64: 1000, 128>}, {transform_indices = @transform_2, window_bounds = array<i64: 1000, 128>}, {transform_indices = @transform_3, window_bounds = array<i64: 1000, 16>}, {transform_indices = @transform_4, window_bounds = array<i64: 1000, 16>}, {pipeline_mode = #tpu.pipeline_mode<synchronous>, transform_indices = @transform_5, window_bounds = array<i64: 1, 128>}, {pipeline_mode = #tpu.pipeline_mode<synchronous>, transform_indices = @transform_6, window_bounds = array<i64: 256, 128>}, {pipeline_mode = #tpu.pipeline_mode<synchronous>, transform_indices = @transform_7, window_bounds = array<i64: 1, 128>}, {pipeline_mode = #tpu.pipeline_mode<synchronous>, transform_indices = @transform_8, window_bounds = array<i64: 256, 128>}, {transform_indices = @transform_9, window_bounds = array<i64: 1000, 128>}, {transform_indices = @transform_10, window_bounds = array<i64: 1000, 128>}]} {
    %get3A = arith.constant 0 : index
    %get3A_0 = arith.constant 0 : index
    %get3A_1 = vector.load %arg4[%get3A, %get3A_0] : memref<1000x16xf32, #tpu.memory_space<vmem>>, vector<1000x1xf32>
    %get3A_2 = arith.constant 0 : index
    %get3A_3 = arith.constant 0 : index
    %get3A_4 = vector.load %arg5[%get3A_2, %get3A_3] : memref<1000x16xf32, #tpu.memory_space<vmem>>, vector<1000x1xf32>
    %add3A = arith.addf %get3A_1, %get3A_4 : vector<1000x1xf32>
    %max3A = arith.constant 1.000000e+00 : f32
    %max3A_5 = vector.broadcast %max3A : f32 to vector<1000x1xf32>
    %max3A_6 = arith.maximumf %add3A, %max3A_5 : vector<1000x1xf32>
    %get3A_7 = arith.constant 0 : index
    %get3A_8 = arith.constant 0 : index
    %get3A_9 = vector.load %arg2[%get3A_7, %get3A_8] : memref<1000x128xf32, #tpu.memory_space<vmem>>, vector<1000x128xf32>
    %get3A_10 = arith.constant 0 : index
    %get3A_11 = arith.constant 0 : index
    %get3A_12 = vector.load %arg3[%get3A_10, %get3A_11] : memref<1000x128xf32, #tpu.memory_space<vmem>>, vector<1000x128xf32>
    %add3A_13 = arith.addf %get3A_9, %get3A_12 : vector<1000x128xf32>
    %div3A = vector.broadcast %max3A_6 : vector<1000x1xf32> to vector<1000x128xf32>
    %div3A_14 = arith.divf %add3A_13, %div3A : vector<1000x128xf32>
    %get3A_15 = arith.constant 0 : index
    %get3A_16 = arith.constant 0 : index
    %get3A_17 = vector.load %arg6[%get3A_15, %get3A_16] : memref<1x128xf32, #tpu.memory_space<vmem>>, vector<1x128xf32>
    %add3A_18 = vector.broadcast %get3A_17 : vector<1x128xf32> to vector<1000x128xf32>
    %add3A_19 = arith.addf %div3A_14, %add3A_18 : vector<1000x128xf32>
    %max3A_20 = arith.constant 0.000000e+00 : f32
    %max3A_21 = vector.broadcast %max3A_20 : f32 to vector<1000x128xf32>
    %max3A_22 = arith.maximumf %add3A_19, %max3A_21 : vector<1000x128xf32>
    %get3A_23 = arith.constant 0 : index
    %get3A_24 = arith.constant 0 : index
    %get3A_25 = vector.load %arg1[%get3A_23, %get3A_24] : memref<1000x128xf32, #tpu.memory_space<vmem>>, vector<1000x128xf32>
    %concatenate3A = tpu.concatenate %get3A_25, %max3A_22 in 1 : vector<1000x128xf32>, vector<1000x128xf32> -> vector<1000x256xf32>
    %get3A_26 = arith.constant 0 : index
    %get3A_27 = arith.constant 0 : index
    %get3A_28 = vector.load %arg7[%get3A_26, %get3A_27] : memref<256x128xf32, #tpu.memory_space<vmem>>, vector<256x128xf32>
    %dot_general3A = arith.constant dense<0.000000e+00> : vector<1000x128xf32>
    %dot_general3A_29 = tpu.matmul %concatenate3A, %get3A_28, %dot_general3A {dimension_numbers = #tpu.dot_dimension_numbers<[1], [0], [0], [1], [0, 0, 1, 1], [], []>, transpose_lhs_hint = false} : vector<1000x256xf32>, vector<256x128xf32>, vector<1000x128xf32> -> vector<1000x128xf32>
    %get3A_30 = arith.constant 0 : index
    %get3A_31 = arith.constant 0 : index
    %get3A_32 = vector.load %arg8[%get3A_30, %get3A_31] : memref<1x128xf32, #tpu.memory_space<vmem>>, vector<1x128xf32>
    %add3A_33 = vector.broadcast %get3A_32 : vector<1x128xf32> to vector<1000x128xf32>
    %add3A_34 = arith.addf %dot_general3A_29, %add3A_33 : vector<1000x128xf32>
    %max3A_35 = arith.constant 0.000000e+00 : f32
    %max3A_36 = vector.broadcast %max3A_35 : f32 to vector<1000x128xf32>
    %max3A_37 = arith.maximumf %add3A_34, %max3A_36 : vector<1000x128xf32>
    %swap3A = arith.constant 0 : index
    %swap3A_38 = arith.constant 0 : index
    %swap3A_39 = vector.load %arg10[%swap3A, %swap3A_38] : memref<1000x128xf32, #tpu.memory_space<vmem>>, vector<1000x128xf32>
    tpu.vector_store %arg10[%swap3A, %swap3A_38], %max3A_37 {strides = array<i32>} : memref<1000x128xf32, #tpu.memory_space<vmem>>, vector<1000x128xf32>,
    %get3A_40 = arith.constant 0 : index
    %get3A_41 = arith.constant 0 : index
    %get3A_42 = vector.load %arg9[%get3A_40, %get3A_41] : memref<256x128xf32, #tpu.memory_space<vmem>>, vector<256x128xf32>
    %dot_general3A_43 = arith.constant dense<0.000000e+00> : vector<1000x128xf32>
    %dot_general3A_44 = tpu.matmul %concatenate3A, %get3A_42, %dot_general3A_43 {dimension_numbers = #tpu.dot_dimension_numbers<[1], [0], [0], [1], [0, 0, 1, 1], [], []>, transpose_lhs_hint = false} : vector<1000x256xf32>, vector<256x128xf32>, vector<1000x128xf32> -> vector<1000x128xf32>
    %swap3A_45 = arith.constant 0 : index
    %swap3A_46 = arith.constant 0 : index
    %swap3A_47 = vector.load %arg11[%swap3A_45, %swap3A_46] : memref<1000x128xf32, #tpu.memory_space<vmem>>, vector<1000x128xf32>
    tpu.vector_store %arg11[%swap3A_45, %swap3A_46], %dot_general3A_44 {strides = array<i32>} : memref<1000x128xf32, #tpu.memory_space<vmem>>, vector<1000x128xf32>,
    return
  }
  func.func @transform_0(%arg0: i32) -> (i32, i32) {
    %c0_i32 = arith.constant 0 : i32
    %c0_i32_0 = arith.constant 0 : i32
    return %arg0, %c0_i32 : i32, i32
  }
  func.func @transform_1(%arg0: i32) -> (i32, i32) {
    %c0_i32 = arith.constant 0 : i32
    %c0_i32_0 = arith.constant 0 : i32
    return %arg0, %c0_i32 : i32, i32
  }
  func.func @transform_2(%arg0: i32) -> (i32, i32) {
    %c0_i32 = arith.constant 0 : i32
    %c0_i32_0 = arith.constant 0 : i32
    return %arg0, %c0_i32 : i32, i32
  }
  func.func @transform_3(%arg0: i32) -> (i32, i32) {
    %c0_i32 = arith.constant 0 : i32
    %c0_i32_0 = arith.constant 0 : i32
    return %arg0, %c0_i32 : i32, i32
  }
  func.func @transform_4(%arg0: i32) -> (i32, i32) {
    %c0_i32 = arith.constant 0 : i32
    %c0_i32_0 = arith.constant 0 : i32
    return %arg0, %c0_i32 : i32, i32
  }
  func.func @transform_5(%arg0: i32) -> (i32, i32) {
    %c0_i32 = arith.constant 0 : i32
    %c0_i32_0 = arith.constant 0 : i32
    %c0_i32_1 = arith.constant 0 : i32
    return %c0_i32, %c0_i32_0 : i32, i32
  }
  func.func @transform_6(%arg0: i32) -> (i32, i32) {
    %c0_i32 = arith.constant 0 : i32
    %c0_i32_0 = arith.constant 0 : i32
    %c0_i32_1 = arith.constant 0 : i32
    return %c0_i32, %c0_i32_0 : i32, i32
  }
  func.func @transform_7(%arg0: i32) -> (i32, i32) {
    %c0_i32 = arith.constant 0 : i32
    %c0_i32_0 = arith.constant 0 : i32
    %c0_i32_1 = arith.constant 0 : i32
    return %c0_i32, %c0_i32_0 : i32, i32
  }
  func.func @transform_8(%arg0: i32) -> (i32, i32) {
    %c0_i32 = arith.constant 0 : i32
    %c0_i32_0 = arith.constant 0 : i32
    %c0_i32_1 = arith.constant 0 : i32
    return %c0_i32, %c0_i32_0 : i32, i32
  }
  func.func @transform_9(%arg0: i32) -> (i32, i32) {
    %c0_i32 = arith.constant 0 : i32
    %c0_i32_0 = arith.constant 0 : i32
    return %arg0, %c0_i32 : i32, i32
  }
  func.func @transform_10(%arg0: i32) -> (i32, i32) {
    %c0_i32 = arith.constant 0 : i32
    %c0_i32_0 = arith.constant 0 : i32
    return %arg0, %c0_i32 : i32, i32
  }
}

module attributes {stable_mosaic.version = 14 : i64} {
  func.func @_tc_c_body(%arg0: i32, %arg1: memref<1000x128xf32, #tpu.memory_space<vmem>>, %arg2: memref<1000x128xf32, #tpu.memory_space<vmem>>, %arg3: memref<1000x128xf32, #tpu.memory_space<vmem>>, %arg4: memref<1000x16xf32, #tpu.memory_space<vmem>>, %arg5: memref<1000x16xf32, #tpu.memory_space<vmem>>, %arg6: memref<1x128xf32, #tpu.memory_space<vmem>>, %arg7: memref<256x41xf32, #tpu.memory_space<vmem>>, %arg8: memref<1x41xf32, #tpu.memory_space<vmem>>, %arg9: memref<1000x41xf32, #tpu.memory_space<vmem>>) attributes {dimension_semantics = [#tpu.dimension_semantics<arbitrary>], iteration_bounds = array<i64: 10>, scalar_prefetch = 0 : i64, scratch_operands = 0 : i64, tpu.core_type = #tpu.core_type<tc>, window_params = [{transform_indices = @transform_0, window_bounds = array<i64: 1000, 128>}, {transform_indices = @transform_1, window_bounds = array<i64: 1000, 128>}, {transform_indices = @transform_2, window_bounds = array<i64: 1000, 128>}, {transform_indices = @transform_3, window_bounds = array<i64: 1000, 16>}, {transform_indices = @transform_4, window_bounds = array<i64: 1000, 16>}, {pipeline_mode = #tpu.pipeline_mode<synchronous>, transform_indices = @transform_5, window_bounds = array<i64: 1, 128>}, {pipeline_mode = #tpu.pipeline_mode<synchronous>, transform_indices = @transform_6, window_bounds = array<i64: 256, 41>}, {pipeline_mode = #tpu.pipeline_mode<synchronous>, transform_indices = @transform_7, window_bounds = array<i64: 1, 41>}, {transform_indices = @transform_8, window_bounds = array<i64: 1000, 41>}]} {
    %get3A = arith.constant 0 : index
    %get3A_0 = arith.constant 0 : index
    %get3A_1 = vector.load %arg4[%get3A, %get3A_0] : memref<1000x16xf32, #tpu.memory_space<vmem>>, vector<1000x1xf32>
    %get3A_2 = arith.constant 0 : index
    %get3A_3 = arith.constant 0 : index
    %get3A_4 = vector.load %arg5[%get3A_2, %get3A_3] : memref<1000x16xf32, #tpu.memory_space<vmem>>, vector<1000x1xf32>
    %add3A = arith.addf %get3A_1, %get3A_4 : vector<1000x1xf32>
    %max3A = arith.constant 1.000000e+00 : f32
    %max3A_5 = vector.broadcast %max3A : f32 to vector<1000x1xf32>
    %max3A_6 = arith.maximumf %add3A, %max3A_5 : vector<1000x1xf32>
    %get3A_7 = arith.constant 0 : index
    %get3A_8 = arith.constant 0 : index
    %get3A_9 = vector.load %arg2[%get3A_7, %get3A_8] : memref<1000x128xf32, #tpu.memory_space<vmem>>, vector<1000x128xf32>
    %get3A_10 = arith.constant 0 : index
    %get3A_11 = arith.constant 0 : index
    %get3A_12 = vector.load %arg3[%get3A_10, %get3A_11] : memref<1000x128xf32, #tpu.memory_space<vmem>>, vector<1000x128xf32>
    %add3A_13 = arith.addf %get3A_9, %get3A_12 : vector<1000x128xf32>
    %div3A = vector.broadcast %max3A_6 : vector<1000x1xf32> to vector<1000x128xf32>
    %div3A_14 = arith.divf %add3A_13, %div3A : vector<1000x128xf32>
    %get3A_15 = arith.constant 0 : index
    %get3A_16 = arith.constant 0 : index
    %get3A_17 = vector.load %arg6[%get3A_15, %get3A_16] : memref<1x128xf32, #tpu.memory_space<vmem>>, vector<1x128xf32>
    %add3A_18 = vector.broadcast %get3A_17 : vector<1x128xf32> to vector<1000x128xf32>
    %add3A_19 = arith.addf %div3A_14, %add3A_18 : vector<1000x128xf32>
    %max3A_20 = arith.constant 0.000000e+00 : f32
    %max3A_21 = vector.broadcast %max3A_20 : f32 to vector<1000x128xf32>
    %max3A_22 = arith.maximumf %add3A_19, %max3A_21 : vector<1000x128xf32>
    %get3A_23 = arith.constant 0 : index
    %get3A_24 = arith.constant 0 : index
    %get3A_25 = vector.load %arg1[%get3A_23, %get3A_24] : memref<1000x128xf32, #tpu.memory_space<vmem>>, vector<1000x128xf32>
    %concatenate3A = tpu.concatenate %get3A_25, %max3A_22 in 1 : vector<1000x128xf32>, vector<1000x128xf32> -> vector<1000x256xf32>
    %mul3A = arith.mulf %concatenate3A, %concatenate3A : vector<1000x256xf32>
    %reduce_sum3A = arith.constant dense<0.000000e+00> : vector<1000xf32>
    %reduce_sum3A_26 = vector.multi_reduction <add>, %mul3A, %reduce_sum3A [1] : vector<1000x256xf32> to vector<1000xf32>
    %broadcast_in_dim3A = vector.shape_cast %reduce_sum3A_26 : vector<1000xf32> to vector<1000x1xf32>
    %sqrt3A = math.sqrt %broadcast_in_dim3A : vector<1000x1xf32>
    %max3A_27 = arith.constant 9.99999996E-13 : f32
    %max3A_28 = vector.broadcast %max3A_27 : f32 to vector<1000x1xf32>
    %max3A_29 = arith.maximumf %sqrt3A, %max3A_28 : vector<1000x1xf32>
    %div3A_30 = vector.broadcast %max3A_29 : vector<1000x1xf32> to vector<1000x256xf32>
    %div3A_31 = arith.divf %concatenate3A, %div3A_30 : vector<1000x256xf32>
    %get3A_32 = arith.constant 0 : index
    %get3A_33 = arith.constant 0 : index
    %get3A_34 = vector.load %arg7[%get3A_32, %get3A_33] : memref<256x41xf32, #tpu.memory_space<vmem>>, vector<256x41xf32>
    %dot_general3A = arith.constant dense<0.000000e+00> : vector<1000x41xf32>
    %dot_general3A_35 = tpu.matmul %div3A_31, %get3A_34, %dot_general3A {dimension_numbers = #tpu.dot_dimension_numbers<[1], [0], [0], [1], [0, 0, 1, 1], [], []>, transpose_lhs_hint = false} : vector<1000x256xf32>, vector<256x41xf32>, vector<1000x41xf32> -> vector<1000x41xf32>
    %get3A_36 = arith.constant 0 : index
    %get3A_37 = arith.constant 0 : index
    %get3A_38 = vector.load %arg8[%get3A_36, %get3A_37] : memref<1x41xf32, #tpu.memory_space<vmem>>, vector<1x41xf32>
    %add3A_39 = vector.broadcast %get3A_38 : vector<1x41xf32> to vector<1000x41xf32>
    %add3A_40 = arith.addf %dot_general3A_35, %add3A_39 : vector<1000x41xf32>
    %swap3A = arith.constant 0 : index
    %swap3A_41 = arith.constant 0 : index
    %swap3A_42 = vector.load %arg9[%swap3A, %swap3A_41] : memref<1000x41xf32, #tpu.memory_space<vmem>>, vector<1000x41xf32>
    tpu.vector_store %arg9[%swap3A, %swap3A_41], %add3A_40 {strides = array<i32>} : memref<1000x41xf32, #tpu.memory_space<vmem>>, vector<1000x41xf32>,
    return
  }
  func.func @transform_0(%arg0: i32) -> (i32, i32) {
    %c0_i32 = arith.constant 0 : i32
    %c0_i32_0 = arith.constant 0 : i32
    return %arg0, %c0_i32 : i32, i32
  }
  func.func @transform_1(%arg0: i32) -> (i32, i32) {
    %c0_i32 = arith.constant 0 : i32
    %c0_i32_0 = arith.constant 0 : i32
    return %arg0, %c0_i32 : i32, i32
  }
  func.func @transform_2(%arg0: i32) -> (i32, i32) {
    %c0_i32 = arith.constant 0 : i32
    %c0_i32_0 = arith.constant 0 : i32
    return %arg0, %c0_i32 : i32, i32
  }
  func.func @transform_3(%arg0: i32) -> (i32, i32) {
    %c0_i32 = arith.constant 0 : i32
    %c0_i32_0 = arith.constant 0 : i32
    return %arg0, %c0_i32 : i32, i32
  }
  func.func @transform_4(%arg0: i32) -> (i32, i32) {
    %c0_i32 = arith.constant 0 : i32
    %c0_i32_0 = arith.constant 0 : i32
    return %arg0, %c0_i32 : i32, i32
  }
  func.func @transform_5(%arg0: i32) -> (i32, i32) {
    %c0_i32 = arith.constant 0 : i32
    %c0_i32_0 = arith.constant 0 : i32
    %c0_i32_1 = arith.constant 0 : i32
    return %c0_i32, %c0_i32_0 : i32, i32
  }
  func.func @transform_6(%arg0: i32) -> (i32, i32) {
    %c0_i32 = arith.constant 0 : i32
    %c0_i32_0 = arith.constant 0 : i32
    %c0_i32_1 = arith.constant 0 : i32
    return %c0_i32, %c0_i32_0 : i32, i32
  }
  func.func @transform_7(%arg0: i32) -> (i32, i32) {
    %c0_i32 = arith.constant 0 : i32
    %c0_i32_0 = arith.constant 0 : i32
    %c0_i32_1 = arith.constant 0 : i32
    return %c0_i32, %c0_i32_0 : i32, i32
  }
  func.func @transform_8(%arg0: i32) -> (i32, i32) {
    %c0_i32 = arith.constant 0 : i32
    %c0_i32_0 = arith.constant 0 : i32
    return %arg0, %c0_i32 : i32, i32
  }
}

</mosaic_0001>

<sc_bundles>
// kernel: kernel.10.cloned.1.call-start
scs
__scs_entry_jumppad:
0x0: {  	(pc) =	sbr.rel $0x88, $3  }
0x1: {  	(tag) =	ssettag $0x0;
	lr =	simm.s32 $0x1  }
0x2: {  	[smem:$0x3F95] =	sst lr;
	_ =	strace $0xD0000000  }
0x3: {  	_ = 	snop  }
0x4: {  	_ = 	snop  }
0x5: {  	_ = 	snop  }
0x6: {  	_ = 	snop  }
0x7: {  	_ = 	snop  }
__scs_overlays_trampoline_lowered:
0x8: {  	[smem:$0x3FA4] =	sst s0  }
0x9: {  	[smem:$0x3FA5] =	sst s1  }
0xa: {  	[smem:$0x3FA6] =	sst s2  }
0xb: {  	[smem:$0x3FA7] =	sst s3  }
0xc: {  	[smem:$0x3FA8] =	sst s4  }
0xd: {  	[smem:$0x3FA9] =	sst s5  }
0xe: {  	[smem:$0x3FAA] =	sst s6  }
0xf: {  	[smem:$0x3FAB] =	sst s7  }
0x10: {  	[smem:$0x3FAC] =	sst s8  }
0x11: {  	[smem:$0x3FAD] =	sst s9;
	s0 =	simm.s32 @!p0 $0x0  }
0x12: {  	s1 =	sld [smem:$0x3F93];
	s0 =	simm.s32 @p0 $0x1  }
0x13: {  	[smem:$0x3FAE] =	sst s0;
	s0 =	simm.s32 @!p1 $0x0  }
0x14: {  	s2 =	sld [smem:$0x3F92];
	s0 =	simm.s32 @p1 $0x1  }
0x15: {  	[smem:$0x3FAF] =	sst s0;
	s0 =	simm.s32 @!p2 $0x0  }
0x16: {  	s3 =	sld [smem:$0x3FDB];
	s0 =	simm.s32 @p2 $0x1  }
0x17: {  	s4 =	simm.s32 $0x1BF5;
	[smem:$0x3FB1] =	sst s0  }
0x18: {  	s0 =	sld [smem:$0x3F94];
	_ =	swait.ge [sflag:s4], $0x0  }
0x19: {  	s7 =	sld [smem:$0x3F95]  }
0x1a: {  	s8 =	sadd.s32 $0xFFFFE003, lr  }
0x1b: {  	s9 =	sadd.s32 $0xFFFFFEF7, lr;
	s5 =	simm.s32 $0xFFFFFFFF;
	p2 =	slt.u32 s8, $0xFFFFF086  }
0x1c: {  	p1 =	slt.u32 s9, $0xF7A;
	s5 =	simm.s32 @!p2 $0x0  }
0x1d: {  	s5 =	simm.s32 @p1 $0x1;
	p0 =	seq.s32 s7, s2  }
0x1e: {  	s7 =	smul.u32 @!p0 $0xF7A, s2;
	p2 =	seq.s32 @!p0 s5, $0x0  }
0x1f: {  	s9 =	smul.u32 $0xF7A, s1;
	s8 =	simm.s32 @!p0 $0x1BF5;
	p2 =	por !p2, p0  }
0x20: {  	[sflag:s8] =	ssyncset.s32 @!p0 $0xFFFFF086;
	s6 =	sadd.s32 @!p0 s3, s7;
	s7 =	simm.s32 @!p0 $0x108  }
0x21: {  	s3 =	sadd.s32 s3, s9;
	s6 =	sadd.s32 @!p0 $0x88, s6;
	s7 =	simm.s32 @p2 $0x1082  }
0x22: {  	[simem:s7], [sflag:s8] =	dma.local @!p0 [hbm:s6], $0xF7A  }
0x23: {  	s9 =	sor.u32 $0xD0000000, s2;
	s6 =	simm.s32 $0x108;
	_ =	swait.ge @!p0 [sflag:s8], $0x0  }
0x24: {  	s3 =	sadd.s32 $0x88, s3;
	s6 =	simm.s32 @!p1 $0x1082;
	[sflag:s4] =	ssyncset.s32 $0xFFFFF086  }
0x25: {  	[simem:s6], [sflag:s4] =	dma.local [hbm:s3], $0xF7A  }
0x26: {  	[smem:$0x3F95] =	sst s1;
	(tag) =	ssettag s2;
	_ =	strace s9  }
0x27: {  	s1 =	sld [smem:$0x3FA5]  }
0x28: {  	s2 =	sld [smem:$0x3FA6]  }
0x29: {  	s4 =	sld [smem:$0x3FA8]  }
0x2a: {  	p0 =	seq.s32 s5, $0x0;
	s5 =	sld [smem:$0x3FA9]  }
0x2b: {  	s6 =	sld [smem:$0x3FAA]  }
0x2c: {  	s7 =	sld [smem:$0x3FAB]  }
0x2d: {  	s3 =	simm.s32 $0x108;
	s8 =	sld [smem:$0x3FAC]  }
0x2e: {  	s3 =	simm.s32 @!p0 $0x1082;
	s9 =	sld [smem:$0x3FAD]  }
0x2f: {  	lr =	sadd.s32 s0, s3;
	s0 =	sld [smem:$0x3FA4]  }
0x30: {  	s3 =	sld [smem:$0x3FA7]  }
0x31: {  	[smem:$0x3FB0] =	sst s10  }
0x32: {  	s10 =	sld [smem:$0x3FAE];
	_ =	sdelay $0x3  }
0x33: {  	p0 =	seq.s32 s10, $0x1;
	s10 =	sld [smem:$0x3FB0];
	_ =	sdelay $0x3  }
0x34: {  	[smem:$0x3FB0] =	sst s10  }
0x35: {  	s10 =	sld [smem:$0x3FAF];
	_ =	sdelay $0x3  }
0x36: {  	p1 =	seq.s32 s10, $0x1;
	s10 =	sld [smem:$0x3FB0];
	_ =	sdelay $0x3  }
0x37: {  	[smem:$0x3FB0] =	sst s10  }
0x38: {  	s10 =	sld [smem:$0x3FB1]  }
0x39: {  	_ = 	snop;
	(pc) =	sbr.ind lr, $3  }
0x3a: {  	_ = 	snop  }
0x3b: {  	_ = 	snop  }
0x3c: {  	p2 =	seq.s32 s10, $0x1;
	s10 =	sld [smem:$0x3FB0]  }
0x3d: {  	_ =	shalt  }
0x3e: {  	_ =	shalt  }
0x3f: {  	_ =	shalt  }
0x40: {  	_ =	shalt  }
0x41: {  	_ =	shalt  }
0x42: {  	_ =	shalt  }
0x43: {  	_ =	shalt  }
0x44: {  	_ =	shalt  }
0x45: {  	_ =	shalt  }
0x46: {  	_ =	shalt  }
0x47: {  	_ =	shalt  }
0x48: {  	_ =	shalt  }
0x49: {  	_ =	shalt  }
0x4a: {  	_ =	shalt  }
0x4b: {  	_ =	shalt  }
0x4c: {  	_ =	shalt  }
0x4d: {  	_ =	shalt  }
0x4e: {  	_ =	shalt  }
0x4f: {  	_ =	shalt  }
0x50: {  	_ =	shalt  }
0x51: {  	_ =	shalt  }
0x52: {  	_ =	shalt  }
0x53: {  	_ =	shalt  }
0x54: {  	_ =	shalt  }
0x55: {  	_ =	shalt  }
0x56: {  	_ =	shalt  }
0x57: {  	_ =	shalt  }
0x58: {  	_ =	shalt  }
0x59: {  	_ =	shalt  }
0x5a: {  	_ =	shalt  }
0x5b: {  	_ =	shalt  }
0x5c: {  	_ =	shalt  }
0x5d: {  	_ =	shalt  }
0x5e: {  	_ =	shalt  }
0x5f: {  	_ =	shalt  }
0x60: {  	_ =	shalt  }
0x61: {  	_ =	shalt  }
0x62: {  	_ =	shalt  }
0x63: {  	_ =	shalt  }
0x64: {  	_ =	shalt  }
0x65: {  	_ =	shalt  }
0x66: {  	_ =	shalt  }
0x67: {  	_ =	shalt  }
0x68: {  	_ =	shalt  }
0x69: {  	_ =	shalt  }
0x6a: {  	_ =	shalt  }
0x6b: {  	_ =	shalt  }
0x6c: {  	_ =	shalt  }
0x6d: {  	_ =	shalt  }
0x6e: {  	_ =	shalt  }
0x6f: {  	_ =	shalt  }
0x70: {  	_ =	shalt  }
0x71: {  	_ =	shalt  }
0x72: {  	_ =	shalt  }
0x73: {  	_ =	shalt  }
0x74: {  	_ =	shalt  }
0x75: {  	_ =	shalt  }
0x76: {  	_ =	shalt  }
0x77: {  	_ =	shalt  }
0x78: {  	_ =	shalt  }
0x79: {  	_ =	shalt  }
0x7a: {  	_ =	shalt  }
0x7b: {  	_ =	shalt  }
0x7c: {  	_ =	shalt  }
0x7d: {  	_ =	shalt  }
0x7e: {  	_ =	shalt  }
0x7f: {  	_ =	shalt  }
0x80: {  	_ =	shalt  }
0x81: {  	_ =	shalt  }
0x82: {  	_ =	shalt  }
0x83: {  	_ =	shalt  }
0x84: {  	_ =	shalt  }
0x85: {  	_ =	shalt  }
0x86: {  	_ =	shalt  }
0x87: {  	_ =	shalt  }
.Lfunc_end0:
.L_simem_size_0:
called_computation.1_lowered:
.L_overlay_start_0:
0x88: {  	s2 =	sld [smem:$0x3FD9]  }
0x89: {  	s3 =	sld [smem:$0x3FFE];
	_ =	sdelay $0x1  }
0x8a: {  	s1 =	srdreg.scid  }
0x8b: {  	s0 =	sand.u32 $0x1, s1  }
0x8c: {  	s17 =	sshll.u32 s0, $0xA;
	s2 =	sadd.s32 s3, s2  }
0x8d: {  	s2 =	sadd.s32 s2, s17  }
0x8e: {  	[smem:$0x3FBC] =	sst s2  }
0x8f: {  	_ = 	snop  }
0x90: {  	s2 =	sld [smem:$0x3FD0];
	(tm) =	ssettm $0x1  }
0x91: {  	s18 =	sld [smem:$0x3FFB];
	_ =	sdelay $0x3  }
0x92: {  	_ =	strace s18  }
0x93: {  	s3 =	sld [smem:$0x3FFC];
	_ =	sdelay $0x3  }
0x94: {  	_ =	strace s3  }
0x95: {  	s3 =	sld [smem:$0x3FFD];
	_ =	sdelay $0x3  }
0x96: {  	_ =	strace s3  }
0x97: {  	_ =	strace $0x8FFFFFFF  }
0x98: {  	s19 =	sld [smem:$0x3FDB];
	_ =	sdelay $0x1  }
0x99: {  	s4 =	simm.s32 $_scs_section_size  }
0x9a: {  	s5 =	simm.s32 $_size__tile_overlayer_lowered;
	s6 =	simm.s32 $_tile_overlayer_lowered  }
0x9b: {  	s22 =	simm.s32 $0x1BFF;
	s21 =	sshll.u32 s6, $0x1;
	s3 =	sadd.s32 s4, s19  }
0x9c: {  	s7 =	simm.s32 $0x0;
	s20 =	sshll.u32 s5, $0x1;
	s5 =	sadd.s32 s21, s3  }
0x9d: {  	[timem:s7], [sflag:s22] =	dma.local [hbm:s5], s20  }
0x9e: {  	_ =	swait.ge [sflag:s22], s20  }
0x9f: {  	s4 =	ssub.s32 $0x0, s20;
	[sflag:s22] =	ssyncset.done $0x0  }
0xa0: {  	[sflag:s22] =	ssyncadd.s32 s4;
	_ =	sdelay $0x1  }
0xa1: {  	s23 =	simm.s32 $0x1B8B  }
0xa2: {  	_ =	swait.ge [sflag:s23], $0x1  }
0xa3: {  	[sflag:s23] =	ssyncset.done $0x0  }
0xa4: {  	s25 =	simm.s32 $0x1B8E;
	s24 =	sld [smem:$0x3FFE];
	[sflag:s23] =	ssyncadd.s32 $0xFFFFFFFF  }
0xa5: {  	s26 =	simm.s32 $execute0_lowered;
	[smem:$0x3FD2] =	sst s25  }
0xa6: {  	s5 =	sshll.u32 s26, $0x1;
	_ =	strace $0x80000049;
	[dreg:$0x1] =	wrdreg $0xFFFFFFFF  }
0xa7: {  	s28 =	simm.s32 $_size_execute0_lowered;
	s3 =	sadd.s32 s3, s5;
	[dreg:$0x0] =	wrdreg $0x0  }
0xa8: {  	s5 =	sshll.u32 s28, $0x1;
	[dreg:$0x2] =	wrdreg s3  }
0xa9: {  	[dreg:$0x3] =	wrdreg s5  }
0xaa: {  	[dreg:$0x4] =	wrdreg $0xC0  }
0xab: {  	_ =	task [dreg:s7], $0x5FFFF  }
0xac: {  	[dreg:$0x1] =	wrdreg $0xFFFFFFFF  }
0xad: {  	[dreg:$0x0] =	wrdreg $0x60  }
0xae: {  	[dreg:$0x2] =	wrdreg s24  }
0xaf: {  	[dreg:$0x3] =	wrdreg s2  }
0xb0: {  	[dreg:$0x4] =	wrdreg $0x0  }
0xb1: {  	[dreg:$0x5] =	wrdreg $0x9  }
0xb2: {  	_ =	task.clear_ibuf [dreg:s7], $0x6FFFF;
	_ =	strace $0x90000049  }
0xb3: {  	s29 =	simm.s32 $0x9;
	_ =	strace $0x8000004B  }
0xb4: {  	_ =	swait.ge [sflag:s29], $0x1  }
0xb5: {  	[sflag:s29] =	ssyncadd.s32 $0xFFFFFFFF  }
0xb6: {  	_ =	strace $0x9000004B  }
0xb7: {  	_ =	sfence  }
0xb8: {  	s30 =	sld [smem:$0x0];
	_ =	sdelay $0x2  }
0xb9: {  	s31 =	sshll.u32 s1, $0xD;
	s1 =	sshrl.u32 s1, $0x2  }
0xba: {  	s3 =	sand.u32 $0x4000, s31;
	s1 =	sadd.s32 s1, s30  }
0xbb: {  	s0 =	sor.u32 s3, s0;
	s1 =	sshll.u32 s1, $0x11  }
0xbc: {  	s0 =	sor.u32 s1, s0  }
0xbd: {  	s0 =	sadd.s32 $0x8F2B, s0  }
0xbe: {  	[sflag:s0] =	ssyncadd.remote.s32 $0x1  }
0xbf: {  	_ =	sfence.sel $0xFFFF  }
0xc0: {  	[dreg:$0x0] =	wrdreg $0xFFFFFFFF;
	(pc) =	sbr.abs _section_cstart, $3  }
0xc1: {  	[dreg:$0x1] =	wrdreg $0xFFFFFFFF  }
0xc2: {  	_ =	task.clear_ibuf [dreg:s7], $0x2FFFF;
	_ =	strace $0x9FFFFFFF  }
0xc3: {  	(tm) =	ssettm $0x7FFFFFFF  }
tec
execute0_lowered:
.L_overlay_start_1:
0x0: {  	(tag) =	ssettag $0x1  }
0x1: {  	s6 =	rddreg [dreg:$0x0]  }
0x2: {  	s8 =	rddreg [dreg:$0x1];
	s0 =	srdreg.scid  }
0x3: {  	s2 =	rddreg [dreg:$0x2];
	s1 =	stileid.u32  }
0x4: {  	s3 =	simm.s32 $0x0;
	s12 =	simm.s32 $0x14300;
	s13 =	simm.s32 $0x3  }
0x5: {  	s14 =	simm.s32 $0x14000;
	s15 =	simm.s32 $0x14080;
	s16 =	simm.s32 $0x14100  }
0x6: {  	s17 =	simm.s32 $0x14180;
	s18 =	simm.s32 $0x16300;
	s19 =	simm.s32 $0x1  }
0x7: {  	s21 =	simm.s32 $0x14280;
	s7 =	sand.u32 $0x1, s0;
	s5 =	smul.u32 $0x2800, s1  }
0x8: {  	s22 =	simm.s32 $0x0;
	s0 =	rddreg [dreg:$0x3];
	s4 =	smul.u32 $0x28000, s7  }
0x9: {  	[smem:$0x7FF] =	sst s3;
	s9 =	ssub.s32 $0x2, s7;
	s20 =	smul.u32 $0x2800, s7  }
0xa: {  	_ =	strace $0x8000004A;
	s31 =	sshrl.u32 s9, $0x1;
	s5 =	sadd.s32 s5, s4  }
0xb: {  	s4 =	sadd.s32 $0xC400, s6;
	s9 =	ssub.s32 s9, s31;
	v0 =	vmov s20;
	s20 =	simm.s32 $0x2  }
0xc: {  	s10 =	sshrl.u32 s5, $0x3;
	s5 =	smul.u32 $0x280, s1;
	s7 =	smax.u32 s9, $0x1  }
0xd: {  	s11 =	sadd.s32 s10, s6;
	s6 =	sadd.s32 $0x84400, s6;
	s8 =	sadd.s32 s10, s8  }
0xe: {  	v1 =	vimm.f32 $0.0e+00;
	v2 =	vlaneseq.u32;
	s10 =	simm.s32 $0x40;
	s9 =	sadd.s32 $0x2400, s11;
	s11 =	simm.s32 $0x14200  }
.LBB2_1:
0xf: {  	s23 =	simm.s32 $0x0;
	s24 =	simm.s32 $0x200  }
.LBB2_2:
0x10: {  	p0 =	sne.s32 s24, $0x7E00;
	[tilespmem:s23+$0x14370] =	vst v1  }
0x11: {  	[tilespmem:s23+$0x14300] =	vst v1  }
0x12: {  	[tilespmem:s23+$0x14310] =	vst v1  }
.Ltmp0:
0x13: {  	[tilespmem:s23+$0x14320] =	vst v1;
	(pc) =	sbr.rel @p0 .LBB2_2-.Ltmp0, $4  }
0x14: {  	[tilespmem:s23+$0x14330] =	vst v1  }
0x15: {  	[tilespmem:s23+$0x14340] =	vst v1  }
0x16: {  	[tilespmem:s23+$0x14350] =	vst v1  }
0x17: {  	[tilespmem:s23+$0x14360] =	vst v1;
	s23 =	sshra.s32 s24, $0x2;
	s24 =	sadd.s32 $0x200, s24  }
0x18: {  	[tilespmem:s23+$0x14370] =	vst v1  }
0x19: {  	[tilespmem:s23+$0x14300] =	vst v1  }
0x1a: {  	[tilespmem:s23+$0x14310] =	vst v1  }
0x1b: {  	[tilespmem:s23+$0x14320] =	vst v1  }
0x1c: {  	[tilespmem:s23+$0x14330] =	vst v1  }
0x1d: {  	[tilespmem:s23+$0x14340] =	vst v1  }
0x1e: {  	[tilespmem:s23+$0x14350] =	vst v1;
	s24 =	sadd.s32 $0x0, s5  }
0x1f: {  	[tilespmem:s23+$0x14360] =	vst v1;
	v3 =	vor.u32 s24, v2;
	s31 =	sadd.s32 $0x30, s24  }
0x20: {  	s25 =	sadd.s32 $0x20, s24;
	[tilespmem:$0x14200] =	vst v3;
	v4 =	vor.u32 s31, v2  }
0x21: {  	s23 =	simm.s32 $0x40;
	s24 =	sadd.s32 $0x10, s24;
	v3 =	vor.u32 s25, v2;
	[tilespmem:$0x14230] =	vst v4  }
.LBB2_4:
0x22: {  	p0 =	sne.s32 s23, $0x240;
	v4 =	vor.u32 s24, v2;
	[tilespmem:$0x14220] =	vst v3  }
0x23: {  	[tilespmem:$0x14210] =	vst v4;
	[spmem:s2] =	stream.indirect.scatter [tilespmem:s12], [sflag:$0x3], $0x80, s11, s10, $0xb8  }
.Ltmp1:
0x24: {  	_ =	swait.ge [sflag:s13], $0x2000;
	(pc) =	sbr.rel @p0 .LBB2_4-.Ltmp1, $4  }
0x25: {  	s24 =	sadd.s32 s23, s5;
	[sflag:s13] =	ssyncset.done $0x0  }
0x26: {  	v3 =	vor.u32 s24, v2;
	s25 =	sadd.s32 $0x30, s24;
	[sflag:s13] =	ssyncadd.s32 $0xFFFFE000  }
0x27: {  	s26 =	sadd.s32 $0x20, s24;
	v4 =	vor.u32 s25, v2;
	[tilespmem:$0x14200] =	vst v3  }
0x28: {  	s23 =	sadd.s32 $0x40, s23;
	s24 =	sadd.s32 $0x10, s24;
	v3 =	vor.u32 s26, v2;
	[tilespmem:$0x14230] =	vst v4  }
0x29: {  	v4 =	vor.u32 s24, v2;
	[tilespmem:$0x14220] =	vst v3  }
0x2a: {  	[tilespmem:$0x14210] =	vst v4  }
0x2b: {  	[spmem:s2] =	stream.indirect.scatter [tilespmem:s12], [sflag:$0x3], $0x80, s11, s10, $0xb8;
	[tilespmem:$0x18300] =	vst v63  }
0x2c: {  	_ =	swait.ge [sflag:s13], $0x2000  }
0x2d: {  	[sflag:s13] =	ssyncset.done $0x0  }
0x2e: {  	[sflag:s13] =	ssyncadd.s32 $0xFFFFE000  }
0x2f: {  	s23 =	sadd.s32 $0x0, s8;
	[bflag:$0x0] =	sbarrier.arrive $0xFFFF  }
0x30: {  	[tilespmem:s14], [sflag:$0x3] =	stream.linear.gather [hbm4b:s23+s3], $0x40, $0x38;
	[tilespmem:$0x18300] =	vst v63  }
0x31: {  	_ =	swait.ge [sflag:s13], $0x40  }
0x32: {  	[sflag:s13] =	ssyncset.done $0x0  }
0x33: {  	s30 =	sadd.s32 $0x0, s9;
	[sflag:s13] =	ssyncadd.s32 $0xFFFFFFC0  }
0x34: {  	[tilespmem:s15], [sflag:$0x3] =	stream.linear.gather [hbm4b:s30+s3], $0x40, $0x38;
	[tilespmem:$0x18300] =	vst v63  }
0x35: {  	_ =	swait.ge [sflag:s13], $0x40  }
0x36: {  	[sflag:s13] =	ssyncset.done $0x0  }
0x37: {  	[sflag:s13] =	ssyncadd.s32 $0xFFFFFFC0  }
0x38: {  	[tilespmem:s12], [sflag:$0x1] =	stream.indirect.gather [hbm4b:s4+s10], $0x80, s14, s10, $0xb8;
	[tilespmem:$0x18300] =	vst v63  }
0x39: {  	s23 =	sadd.s32 $0x8, s23  }
0x3a: {  	[tilespmem:s16], [sflag:$0x3] =	stream.linear.gather [hbm4b:s23+s3], $0x40, $0x38;
	[tilespmem:$0x18300] =	vst v63  }
0x3b: {  	_ =	swait.ge [sflag:s13], $0x40  }
0x3c: {  	[sflag:s13] =	ssyncset.done $0x0  }
0x3d: {  	s31 =	sadd.s32 $0x8, s30;
	[sflag:s13] =	ssyncadd.s32 $0xFFFFFFC0  }
0x3e: {  	[tilespmem:s17], [sflag:$0x3] =	stream.linear.gather [hbm4b:s31+s3], $0x40, $0x38;
	[tilespmem:$0x18300] =	vst v63  }
0x3f: {  	_ =	swait.ge [sflag:s13], $0x40  }
0x40: {  	[sflag:s13] =	ssyncset.done $0x0  }
0x41: {  	[sflag:s13] =	ssyncadd.s32 $0xFFFFFFC0  }
0x42: {  	[tilespmem:s18], [sflag:$0x2] =	stream.indirect.gather [hbm4b:s4+s10], $0x80, s16, s10, $0xb8;
	[tilespmem:$0x18300] =	vst v63  }
0x43: {  	_ =	swait.ge [sflag:s19], $0x2000  }
0x44: {  	[sflag:s19] =	ssyncset.done $0x0  }
0x45: {  	[sflag:s19] =	ssyncadd.s32 $0xFFFFE000  }
0x46: {  	[spmem:s2] =	stream.indirect.scatter.add.f32 [tilespmem:s12], [sflag:$0x3], $0x80, s15, s10, $0xb8;
	[tilespmem:$0x18300] =	vst v63  }
0x47: {  	_ =	swait.ge [sflag:s13], $0x2000  }
0x48: {  	[sflag:s13] =	ssyncset.done $0x0  }
0x49: {  	[sflag:s13] =	ssyncadd.s32 $0xFFFFE000  }
0x4a: {  	_ =	swait.ge [sflag:s20], $0x2000  }
0x4b: {  	[sflag:s20] =	ssyncset.done $0x0  }
0x4c: {  	[sflag:s20] =	ssyncadd.s32 $0xFFFFE000  }
0x4d: {  	[spmem:s2] =	stream.indirect.scatter.add.f32 [tilespmem:s18], [sflag:$0x3], $0x80, s17, s10, $0xb8;
	[tilespmem:$0x18300] =	vst v63  }
0x4e: {  	_ =	swait.ge [sflag:s13], $0x2000  }
0x4f: {  	s25 =	simm.s32 $0x20;
	s23 =	simm.s32 $0x10;
	[sflag:s13] =	ssyncset.done $0x0  }
.LBB2_6:
0x50: {  	s26 =	sadd.s32 s23, s8  }
0x51: {  	[sflag:s13] =	ssyncadd.s32 $0xFFFFE000;
	s28 =	smov.u32 s25;
	s24 =	sadd.s32 $0x10, s25  }
0x52: {  	[tilespmem:s14], [sflag:$0x3] =	stream.linear.gather [hbm4b:s26+s3], $0x40, $0x38;
	[tilespmem:$0x18300] =	vst v63  }
0x53: {  	p0 =	sne.s32 s25, $0x4F0;
	_ =	swait.ge [sflag:s13], $0x40  }
0x54: {  	[sflag:s13] =	ssyncset.done $0x0  }
0x55: {  	s25 =	sadd.s32 s23, s9;
	s23 =	smov.u32 s28;
	[sflag:s13] =	ssyncadd.s32 $0xFFFFFFC0  }
0x56: {  	[tilespmem:s15], [sflag:$0x3] =	stream.linear.gather [hbm4b:s25+s3], $0x40, $0x38;
	[tilespmem:$0x18300] =	vst v63  }
0x57: {  	_ =	swait.ge [sflag:s13], $0x40  }
0x58: {  	[sflag:s13] =	ssyncset.done $0x0  }
0x59: {  	[sflag:s13] =	ssyncadd.s32 $0xFFFFFFC0  }
0x5a: {  	[tilespmem:s12], [sflag:$0x1] =	stream.indirect.gather [hbm4b:s4+s10], $0x80, s14, s10, $0xb8;
	[tilespmem:$0x18300] =	vst v63  }
0x5b: {  	s26 =	sadd.s32 $0x8, s26  }
0x5c: {  	[tilespmem:s16], [sflag:$0x3] =	stream.linear.gather [hbm4b:s26+s3], $0x40, $0x38;
	[tilespmem:$0x18300] =	vst v63  }
0x5d: {  	_ =	swait.ge [sflag:s13], $0x40  }
0x5e: {  	[sflag:s13] =	ssyncset.done $0x0  }
0x5f: {  	s25 =	sadd.s32 $0x8, s25;
	[sflag:s13] =	ssyncadd.s32 $0xFFFFFFC0  }
0x60: {  	[tilespmem:s17], [sflag:$0x3] =	stream.linear.gather [hbm4b:s25+s3], $0x40, $0x38;
	[tilespmem:$0x18300] =	vst v63  }
0x61: {  	_ =	swait.ge [sflag:s13], $0x40  }
0x62: {  	[sflag:s13] =	ssyncset.done $0x0  }
0x63: {  	[sflag:s13] =	ssyncadd.s32 $0xFFFFFFC0  }
0x64: {  	[tilespmem:s18], [sflag:$0x2] =	stream.indirect.gather [hbm4b:s4+s10], $0x80, s16, s10, $0xb8;
	[tilespmem:$0x18300] =	vst v63  }
0x65: {  	_ =	swait.ge [sflag:s19], $0x2000  }
0x66: {  	[sflag:s19] =	ssyncset.done $0x0  }
0x67: {  	[sflag:s19] =	ssyncadd.s32 $0xFFFFE000  }
0x68: {  	[spmem:s2] =	stream.indirect.scatter.add.f32 [tilespmem:s12], [sflag:$0x3], $0x80, s15, s10, $0xb8;
	[tilespmem:$0x18300] =	vst v63  }
0x69: {  	_ =	swait.ge [sflag:s13], $0x2000  }
0x6a: {  	[sflag:s13] =	ssyncset.done $0x0  }
0x6b: {  	[sflag:s13] =	ssyncadd.s32 $0xFFFFE000  }
0x6c: {  	_ =	swait.ge [sflag:s20], $0x2000  }
.Ltmp2:
0x6d: {  	[sflag:s20] =	ssyncset.done $0x0;
	(pc) =	sbr.rel @p0 .LBB2_6-.Ltmp2, $4  }
0x6e: {  	[sflag:s20] =	ssyncadd.s32 $0xFFFFE000  }
0x6f: {  	[spmem:s2] =	stream.indirect.scatter.add.f32 [tilespmem:s18], [sflag:$0x3], $0x80, s17, s10, $0xb8;
	[tilespmem:$0x18300] =	vst v63  }
0x70: {  	_ =	swait.ge [sflag:s13], $0x2000  }
0x71: {  	s25 =	smov.u32 s24;
	[sflag:s13] =	ssyncset.done $0x0  }
0x72: {  	s24 =	sadd.s32 s23, s8;
	[sflag:s13] =	ssyncadd.s32 $0xFFFFE000  }
0x73: {  	[tilespmem:s14], [sflag:$0x3] =	stream.linear.gather [hbm4b:s24+s3], $0x40, $0x38;
	[tilespmem:$0x18300] =	vst v63  }
0x74: {  	_ =	swait.ge [sflag:s13], $0x40  }
0x75: {  	[sflag:s13] =	ssyncset.done $0x0  }
0x76: {  	s29 =	sadd.s32 s23, s9;
	[sflag:s13] =	ssyncadd.s32 $0xFFFFFFC0  }
0x77: {  	[tilespmem:s15], [sflag:$0x3] =	stream.linear.gather [hbm4b:s29+s3], $0x40, $0x38;
	[tilespmem:$0x18300] =	vst v63  }
0x78: {  	_ =	swait.ge [sflag:s13], $0x40  }
0x79: {  	[sflag:s13] =	ssyncset.done $0x0  }
0x7a: {  	[sflag:s13] =	ssyncadd.s32 $0xFFFFFFC0  }
0x7b: {  	[tilespmem:s12], [sflag:$0x1] =	stream.indirect.gather [hbm4b:s4+s10], $0x80, s14, s10, $0xb8;
	[tilespmem:$0x18300] =	vst v63  }
0x7c: {  	s24 =	sadd.s32 $0x8, s24  }
0x7d: {  	[tilespmem:s16], [sflag:$0x3] =	stream.linear.gather [hbm4b:s24+s3], $0x40, $0x38;
	[tilespmem:$0x18300] =	vst v63  }
0x7e: {  	_ =	swait.ge [sflag:s13], $0x40  }
0x7f: {  	[sflag:s13] =	ssyncset.done $0x0  }
0x80: {  	s23 =	sadd.s32 $0x8, s29;
	[sflag:s13] =	ssyncadd.s32 $0xFFFFFFC0  }
0x81: {  	[tilespmem:s17], [sflag:$0x3] =	stream.linear.gather [hbm4b:s23+s3], $0x40, $0x38;
	[tilespmem:$0x18300] =	vst v63  }
0x82: {  	_ =	swait.ge [sflag:s13], $0x40  }
0x83: {  	[sflag:s13] =	ssyncset.done $0x0  }
0x84: {  	[sflag:s13] =	ssyncadd.s32 $0xFFFFFFC0  }
0x85: {  	[tilespmem:s18], [sflag:$0x2] =	stream.indirect.gather [hbm4b:s4+s10], $0x80, s16, s10, $0xb8;
	[tilespmem:$0x18300] =	vst v63  }
0x86: {  	_ =	swait.ge [sflag:s19], $0x2000  }
0x87: {  	[sflag:s19] =	ssyncset.done $0x0  }
0x88: {  	[sflag:s19] =	ssyncadd.s32 $0xFFFFE000  }
0x89: {  	[spmem:s2] =	stream.indirect.scatter.add.f32 [tilespmem:s12], [sflag:$0x3], $0x80, s15, s10, $0xb8;
	[tilespmem:$0x18300] =	vst v63  }
0x8a: {  	_ =	swait.ge [sflag:s13], $0x2000  }
0x8b: {  	[sflag:s13] =	ssyncset.done $0x0  }
0x8c: {  	[sflag:s13] =	ssyncadd.s32 $0xFFFFE000  }
0x8d: {  	_ =	swait.ge [sflag:s20], $0x2000  }
0x8e: {  	[sflag:s20] =	ssyncset.done $0x0  }
0x8f: {  	[sflag:s20] =	ssyncadd.s32 $0xFFFFE000  }
0x90: {  	[spmem:s2] =	stream.indirect.scatter.add.f32 [tilespmem:s18], [sflag:$0x3], $0x80, s17, s10, $0xb8;
	[tilespmem:$0x18300] =	vst v63  }
0x91: {  	_ =	swait.ge [sflag:s13], $0x2000  }
0x92: {  	[sflag:s13] =	ssyncset.done $0x0  }
0x93: {  	s30 =	sadd.s32 $0x0, s5;
	[sflag:s13] =	ssyncadd.s32 $0xFFFFE000  }
0x94: {  	v3 =	vor.u32 s30, v2;
	s31 =	sadd.s32 $0x30, s30;
	[bflag:$0x0] =	sbarrier.arrive $0xFFFF  }
0x95: {  	s25 =	sadd.s32 $0x20, s30;
	v4 =	vor.u32 s31, v2;
	[tilespmem:$0x14200] =	vst v3  }
0x96: {  	v5 =	vor.u32 s25, v2;
	s23 =	sadd.s32 $0x10, s30;
	[tilespmem:$0x14230] =	vst v4  }
0x97: {  	v6 =	vor.u32 s23, v2;
	[tilespmem:$0x14220] =	vst v5  }
0x98: {  	v63 =	vadd.s32 v0, v6;
	[tilespmem:$0x14210] =	vst v6  }
0x99: {  	v4 =	vadd.s32 v0, v4;
	[tilespmem:$0x14290] =	vst v63  }
0x9a: {  	v3 =	vadd.s32 v0, v3;
	[tilespmem:$0x142B0] =	vst v4  }
0x9b: {  	[tilespmem:$0x14280] =	vst v3;
	v3 =	vadd.s32 v0, v5  }
0x9c: {  	s23 =	simm.s32 $0x40;
	[tilespmem:$0x142A0] =	vst v3  }
0x9d: {  	[tilespmem:s12], [sflag:$0x1] =	stream.indirect.gather [spmem:s2], $0x80, s11, s10, $0xb8;
	[tilespmem:$0x18300] =	vst v63  }
.LBB2_8:
0x9e: {  	p0 =	sne.s32 s23, $0x240  }
0x9f: {  	_ =	swait.ge [sflag:s19], $0x2000;
	s24 =	smov.u32 s23;
	s23 =	sadd.s32 $0x40, s23  }
0xa0: {  	[sflag:s19] =	ssyncset.done $0x0  }
0xa1: {  	[sflag:s19] =	ssyncadd.s32 $0xFFFFE000  }
0xa2: {  	[hbm4b:s6+s10] =	stream.indirect.scatter [tilespmem:s12], [sflag:$0x3], $0x80, s21, s10, $0xb8;
	[tilespmem:$0x18300] =	vst v63  }
0xa3: {  	s24 =	sadd.s32 s24, s5;
	_ =	swait.ge [sflag:s13], $0x2000  }
0xa4: {  	v3 =	vor.u32 s24, v2;
	s25 =	sadd.s32 $0x10, s24;
	s26 =	sadd.s32 $0x20, s24;
	[sflag:s13] =	ssyncset.done $0x0  }
0xa5: {  	s24 =	sadd.s32 $0x30, s24;
	v4 =	vor.u32 s25, v2;
	v5 =	vor.u32 s26, v2;
	[sflag:s13] =	ssyncadd.s32 $0xFFFFE000  }
0xa6: {  	v8 =	vor.u32 s24, v2;
	v6 =	vadd.s32 v0, v4;
	v7 =	vadd.s32 v0, v5;
	[tilespmem:$0x14200] =	vst v3  }
0xa7: {  	v3 =	vadd.s32 v0, v3;
	[tilespmem:$0x14230] =	vst v8;
	v8 =	vadd.s32 v0, v8  }
0xa8: {  	[tilespmem:$0x14220] =	vst v5  }
0xa9: {  	[tilespmem:$0x14210] =	vst v4  }
.Ltmp3:
0xaa: {  	[tilespmem:$0x142B0] =	vst v8;
	(pc) =	sbr.rel @p0 .LBB2_8-.Ltmp3, $4  }
0xab: {  	[tilespmem:$0x14280] =	vst v3  }
0xac: {  	[tilespmem:$0x14290] =	vst v6  }
0xad: {  	[tilespmem:$0x142A0] =	vst v7  }
0xae: {  	[tilespmem:s12], [sflag:$0x1] =	stream.indirect.gather [spmem:s2], $0x80, s11, s10, $0xb8;
	[tilespmem:$0x18300] =	vst v63  }
0xaf: {  	_ =	swait.ge [sflag:s19], $0x2000;
	s22 =	sadd.s32 $0x1, s22  }
0xb0: {  	[sflag:s19] =	ssyncset.done $0x0;
	p0 =	sne.s32 s22, s7  }
.Ltmp4:
0xb1: {  	[sflag:s19] =	ssyncadd.s32 $0xFFFFE000;
	(pc) =	sbr.rel @p0 .LBB2_1-.Ltmp4, $4  }
0xb2: {  	[hbm4b:s6+s10] =	stream.indirect.scatter [tilespmem:s12], [sflag:$0x3], $0x80, s21, s10, $0xb8;
	[tilespmem:$0x18300] =	vst v63  }
0xb3: {  	_ =	swait.ge [sflag:s13], $0x2000  }
0xb4: {  	[sflag:s13] =	ssyncset.done $0x0  }
0xb5: {  	[sflag:s13] =	ssyncadd.s32 $0xFFFFE000  }
0xb6: {  	_ =	sfence.sel $0x180000  }
0xb7: {  	[bflag:$0x0] =	sbarrier.arrive $0xFFFF  }
0xb8: {  	p0 =	sne.s32 s1, $0x0;
	_ =	strace $0x9000004A  }
0xb9: {  	s0 =	sadd.s32 @!p0 $0x100000, s0;
	[bflag:$0x2] =	sbarrier.arrive $0xFFFF  }
0xba: {  	[sflag:s0] =	ssyncadd.tile.s32 @!p0 $0x1;
	_ =	shalt  }
.Lfunc_end2:
_tile_overlayer_lowered:
.L_overlay_start_2:
0xbb: {  	(tag) =	ssettag $0x2  }
0xbc: {  	s0 =	rddreg [dreg:$0x0];
	s2 =	stileid.u32  }
0xbd: {  	s1 =	rddreg [dreg:$0x1];
	p0 =	sne.s32 s2, $0x0  }
0xbe: {  	s3 =	rddreg [dreg:$0x2];
	[bflag:$0x3] =	sbarrier.arrive $0xFFFF;
	s2 =	simm.s32 @!p0 $0x1C03  }
0xbf: {  	[timem:s3], [sflag:s2] =	dma.local @!p0 [hbm:s0], s1  }
0xc0: {  	s0 =	simm.s32 @!p0 $0x3  }
0xc1: {  	_ =	swait.ge @!p0 [sflag:s0], s1  }
0xc2: {  	s1 =	ssub.s32 @!p0 $0x0, s1;
	[sflag:s0] =	ssyncset.done @!p0 $0x0  }
0xc3: {  	[sflag:s0] =	ssyncadd.s32 @!p0 s1  }
0xc4: {  	[bflag:$0x3] =	sbarrier.arrive $0xFFFF  }
0xc5: {  	_ =	shalt  }

// kernel: kernel.7.cloned.1.call-start
scs
__scs_entry_jumppad:
0x0: {  	(pc) =	sbr.rel $0x88, $3  }
0x1: {  	(tag) =	ssettag $0x0;
	lr =	simm.s32 $0x1  }
0x2: {  	[smem:$0x3F95] =	sst lr;
	_ =	strace $0xD0000000  }
0x3: {  	_ = 	snop  }
0x4: {  	_ = 	snop  }
0x5: {  	_ = 	snop  }
0x6: {  	_ = 	snop  }
0x7: {  	_ = 	snop  }
__scs_overlays_trampoline_lowered:
0x8: {  	[smem:$0x3FA4] =	sst s0  }
0x9: {  	[smem:$0x3FA5] =	sst s1  }
0xa: {  	[smem:$0x3FA6] =	sst s2  }
0xb: {  	[smem:$0x3FA7] =	sst s3  }
0xc: {  	[smem:$0x3FA8] =	sst s4  }
0xd: {  	[smem:$0x3FA9] =	sst s5  }
0xe: {  	[smem:$0x3FAA] =	sst s6  }
0xf: {  	[smem:$0x3FAB] =	sst s7  }
0x10: {  	[smem:$0x3FAC] =	sst s8  }
0x11: {  	[smem:$0x3FAD] =	sst s9;
	s0 =	simm.s32 @!p0 $0x0  }
0x12: {  	s1 =	sld [smem:$0x3F93];
	s0 =	simm.s32 @p0 $0x1  }
0x13: {  	[smem:$0x3FAE] =	sst s0;
	s0 =	simm.s32 @!p1 $0x0  }
0x14: {  	s2 =	sld [smem:$0x3F92];
	s0 =	simm.s32 @p1 $0x1  }
0x15: {  	[smem:$0x3FAF] =	sst s0;
	s0 =	simm.s32 @!p2 $0x0  }
0x16: {  	s3 =	sld [smem:$0x3FDB];
	s0 =	simm.s32 @p2 $0x1  }
0x17: {  	s4 =	simm.s32 $0x1BF5;
	[smem:$0x3FB1] =	sst s0  }
0x18: {  	s0 =	sld [smem:$0x3F94];
	_ =	swait.ge [sflag:s4], $0x0  }
0x19: {  	s7 =	sld [smem:$0x3F95]  }
0x1a: {  	s8 =	sadd.s32 $0xFFFFE003, lr  }
0x1b: {  	s9 =	sadd.s32 $0xFFFFFEF7, lr;
	s5 =	simm.s32 $0xFFFFFFFF;
	p2 =	slt.u32 s8, $0xFFFFF086  }
0x1c: {  	p1 =	slt.u32 s9, $0xF7A;
	s5 =	simm.s32 @!p2 $0x0  }
0x1d: {  	s5 =	simm.s32 @p1 $0x1;
	p0 =	seq.s32 s7, s2  }
0x1e: {  	s7 =	smul.u32 @!p0 $0xF7A, s2;
	p2 =	seq.s32 @!p0 s5, $0x0  }
0x1f: {  	s9 =	smul.u32 $0xF7A, s1;
	s8 =	simm.s32 @!p0 $0x1BF5;
	p2 =	por !p2, p0  }
0x20: {  	[sflag:s8] =	ssyncset.s32 @!p0 $0xFFFFF086;
	s6 =	sadd.s32 @!p0 s3, s7;
	s7 =	simm.s32 @!p0 $0x108  }
0x21: {  	s3 =	sadd.s32 s3, s9;
	s6 =	sadd.s32 @!p0 $0x88, s6;
	s7 =	simm.s32 @p2 $0x1082  }
0x22: {  	[simem:s7], [sflag:s8] =	dma.local @!p0 [hbm:s6], $0xF7A  }
0x23: {  	s9 =	sor.u32 $0xD0000000, s2;
	s6 =	simm.s32 $0x108;
	_ =	swait.ge @!p0 [sflag:s8], $0x0  }
0x24: {  	s3 =	sadd.s32 $0x88, s3;
	s6 =	simm.s32 @!p1 $0x1082;
	[sflag:s4] =	ssyncset.s32 $0xFFFFF086  }
0x25: {  	[simem:s6], [sflag:s4] =	dma.local [hbm:s3], $0xF7A  }
0x26: {  	[smem:$0x3F95] =	sst s1;
	(tag) =	ssettag s2;
	_ =	strace s9  }
0x27: {  	s1 =	sld [smem:$0x3FA5]  }
0x28: {  	s2 =	sld [smem:$0x3FA6]  }
0x29: {  	s4 =	sld [smem:$0x3FA8]  }
0x2a: {  	p0 =	seq.s32 s5, $0x0;
	s5 =	sld [smem:$0x3FA9]  }
0x2b: {  	s6 =	sld [smem:$0x3FAA]  }
0x2c: {  	s7 =	sld [smem:$0x3FAB]  }
0x2d: {  	s3 =	simm.s32 $0x108;
	s8 =	sld [smem:$0x3FAC]  }
0x2e: {  	s3 =	simm.s32 @!p0 $0x1082;
	s9 =	sld [smem:$0x3FAD]  }
0x2f: {  	lr =	sadd.s32 s0, s3;
	s0 =	sld [smem:$0x3FA4]  }
0x30: {  	s3 =	sld [smem:$0x3FA7]  }
0x31: {  	[smem:$0x3FB0] =	sst s10  }
0x32: {  	s10 =	sld [smem:$0x3FAE];
	_ =	sdelay $0x3  }
0x33: {  	p0 =	seq.s32 s10, $0x1;
	s10 =	sld [smem:$0x3FB0];
	_ =	sdelay $0x3  }
0x34: {  	[smem:$0x3FB0] =	sst s10  }
0x35: {  	s10 =	sld [smem:$0x3FAF];
	_ =	sdelay $0x3  }
0x36: {  	p1 =	seq.s32 s10, $0x1;
	s10 =	sld [smem:$0x3FB0];
	_ =	sdelay $0x3  }
0x37: {  	[smem:$0x3FB0] =	sst s10  }
0x38: {  	s10 =	sld [smem:$0x3FB1]  }
0x39: {  	_ = 	snop;
	(pc) =	sbr.ind lr, $3  }
0x3a: {  	_ = 	snop  }
0x3b: {  	_ = 	snop  }
0x3c: {  	p2 =	seq.s32 s10, $0x1;
	s10 =	sld [smem:$0x3FB0]  }
0x3d: {  	_ =	shalt  }
0x3e: {  	_ =	shalt  }
0x3f: {  	_ =	shalt  }
0x40: {  	_ =	shalt  }
0x41: {  	_ =	shalt  }
0x42: {  	_ =	shalt  }
0x43: {  	_ =	shalt  }
0x44: {  	_ =	shalt  }
0x45: {  	_ =	shalt  }
0x46: {  	_ =	shalt  }
0x47: {  	_ =	shalt  }
0x48: {  	_ =	shalt  }
0x49: {  	_ =	shalt  }
0x4a: {  	_ =	shalt  }
0x4b: {  	_ =	shalt  }
0x4c: {  	_ =	shalt  }
0x4d: {  	_ =	shalt  }
0x4e: {  	_ =	shalt  }
0x4f: {  	_ =	shalt  }
0x50: {  	_ =	shalt  }
0x51: {  	_ =	shalt  }
0x52: {  	_ =	shalt  }
0x53: {  	_ =	shalt  }
0x54: {  	_ =	shalt  }
0x55: {  	_ =	shalt  }
0x56: {  	_ =	shalt  }
0x57: {  	_ =	shalt  }
0x58: {  	_ =	shalt  }
0x59: {  	_ =	shalt  }
0x5a: {  	_ =	shalt  }
0x5b: {  	_ =	shalt  }
0x5c: {  	_ =	shalt  }
0x5d: {  	_ =	shalt  }
0x5e: {  	_ =	shalt  }
0x5f: {  	_ =	shalt  }
0x60: {  	_ =	shalt  }
0x61: {  	_ =	shalt  }
0x62: {  	_ =	shalt  }
0x63: {  	_ =	shalt  }
0x64: {  	_ =	shalt  }
0x65: {  	_ =	shalt  }
0x66: {  	_ =	shalt  }
0x67: {  	_ =	shalt  }
0x68: {  	_ =	shalt  }
0x69: {  	_ =	shalt  }
0x6a: {  	_ =	shalt  }
0x6b: {  	_ =	shalt  }
0x6c: {  	_ =	shalt  }
0x6d: {  	_ =	shalt  }
0x6e: {  	_ =	shalt  }
0x6f: {  	_ =	shalt  }
0x70: {  	_ =	shalt  }
0x71: {  	_ =	shalt  }
0x72: {  	_ =	shalt  }
0x73: {  	_ =	shalt  }
0x74: {  	_ =	shalt  }
0x75: {  	_ =	shalt  }
0x76: {  	_ =	shalt  }
0x77: {  	_ =	shalt  }
0x78: {  	_ =	shalt  }
0x79: {  	_ =	shalt  }
0x7a: {  	_ =	shalt  }
0x7b: {  	_ =	shalt  }
0x7c: {  	_ =	shalt  }
0x7d: {  	_ =	shalt  }
0x7e: {  	_ =	shalt  }
0x7f: {  	_ =	shalt  }
0x80: {  	_ =	shalt  }
0x81: {  	_ =	shalt  }
0x82: {  	_ =	shalt  }
0x83: {  	_ =	shalt  }
0x84: {  	_ =	shalt  }
0x85: {  	_ =	shalt  }
0x86: {  	_ =	shalt  }
0x87: {  	_ =	shalt  }
.Lfunc_end0:
.L_simem_size_0:
called_computation_lowered:
.L_overlay_start_0:
0x88: {  	s2 =	sld [smem:$0x3FD9]  }
0x89: {  	s3 =	sld [smem:$0x3FFE];
	_ =	sdelay $0x1  }
0x8a: {  	s1 =	srdreg.scid  }
0x8b: {  	s0 =	sand.u32 $0x1, s1  }
0x8c: {  	s17 =	sshll.u32 s0, $0xA;
	s2 =	sadd.s32 s3, s2  }
0x8d: {  	s2 =	sadd.s32 s2, s17  }
0x8e: {  	[smem:$0x3FBC] =	sst s2  }
0x8f: {  	_ = 	snop  }
0x90: {  	s2 =	sld [smem:$0x3FD0];
	(tm) =	ssettm $0x1  }
0x91: {  	s18 =	sld [smem:$0x3FFB];
	_ =	sdelay $0x3  }
0x92: {  	_ =	strace s18  }
0x93: {  	s3 =	sld [smem:$0x3FFC];
	_ =	sdelay $0x3  }
0x94: {  	_ =	strace s3  }
0x95: {  	s3 =	sld [smem:$0x3FFD];
	_ =	sdelay $0x3  }
0x96: {  	_ =	strace s3  }
0x97: {  	_ =	strace $0x8FFFFFFF  }
0x98: {  	s19 =	sld [smem:$0x3FDB];
	_ =	sdelay $0x1  }
0x99: {  	s4 =	simm.s32 $_scs_section_size  }
0x9a: {  	s5 =	simm.s32 $_size__tile_overlayer_lowered;
	s6 =	simm.s32 $_tile_overlayer_lowered  }
0x9b: {  	s22 =	simm.s32 $0x1BFF;
	s21 =	sshll.u32 s6, $0x1;
	s3 =	sadd.s32 s4, s19  }
0x9c: {  	s7 =	simm.s32 $0x0;
	s20 =	sshll.u32 s5, $0x1;
	s5 =	sadd.s32 s21, s3  }
0x9d: {  	[timem:s7], [sflag:s22] =	dma.local [hbm:s5], s20  }
0x9e: {  	_ =	swait.ge [sflag:s22], s20  }
0x9f: {  	s4 =	ssub.s32 $0x0, s20;
	[sflag:s22] =	ssyncset.done $0x0  }
0xa0: {  	[sflag:s22] =	ssyncadd.s32 s4;
	_ =	sdelay $0x1  }
0xa1: {  	s23 =	simm.s32 $0x1B8B  }
0xa2: {  	_ =	swait.ge [sflag:s23], $0x1  }
0xa3: {  	[sflag:s23] =	ssyncset.done $0x0  }
0xa4: {  	s25 =	simm.s32 $0x1B8E;
	s24 =	sld [smem:$0x3FFE];
	[sflag:s23] =	ssyncadd.s32 $0xFFFFFFFF  }
0xa5: {  	s26 =	simm.s32 $execute0_lowered;
	[smem:$0x3FD2] =	sst s25  }
0xa6: {  	s5 =	sshll.u32 s26, $0x1;
	_ =	strace $0x80000046;
	[dreg:$0x1] =	wrdreg $0xFFFFFFFF  }
0xa7: {  	s28 =	simm.s32 $_size_execute0_lowered;
	s3 =	sadd.s32 s3, s5;
	[dreg:$0x0] =	wrdreg $0x0  }
0xa8: {  	s5 =	sshll.u32 s28, $0x1;
	[dreg:$0x2] =	wrdreg s3  }
0xa9: {  	[dreg:$0x3] =	wrdreg s5  }
0xaa: {  	[dreg:$0x4] =	wrdreg $0xC0  }
0xab: {  	_ =	task [dreg:s7], $0x5FFFF  }
0xac: {  	[dreg:$0x1] =	wrdreg $0xFFFFFFFF  }
0xad: {  	[dreg:$0x0] =	wrdreg $0x60  }
0xae: {  	[dreg:$0x2] =	wrdreg s24  }
0xaf: {  	[dreg:$0x3] =	wrdreg s2  }
0xb0: {  	[dreg:$0x4] =	wrdreg $0x0  }
0xb1: {  	[dreg:$0x5] =	wrdreg $0x183000  }
0xb2: {  	[dreg:$0x6] =	wrdreg $0x1AB000  }
0xb3: {  	[dreg:$0x7] =	wrdreg $0x9  }
0xb4: {  	_ =	task.clear_ibuf [dreg:s7], $0x8FFFF;
	_ =	strace $0x90000046  }
0xb5: {  	s29 =	simm.s32 $0x9;
	_ =	strace $0x80000048  }
0xb6: {  	_ =	swait.ge [sflag:s29], $0x1  }
0xb7: {  	[sflag:s29] =	ssyncadd.s32 $0xFFFFFFFF  }
0xb8: {  	_ =	strace $0x90000048  }
0xb9: {  	_ =	sfence  }
0xba: {  	s30 =	sld [smem:$0x0];
	_ =	sdelay $0x2  }
0xbb: {  	s31 =	sshll.u32 s1, $0xD;
	s1 =	sshrl.u32 s1, $0x2  }
0xbc: {  	s3 =	sand.u32 $0x4000, s31;
	s1 =	sadd.s32 s1, s30  }
0xbd: {  	s0 =	sor.u32 s3, s0;
	s1 =	sshll.u32 s1, $0x11  }
0xbe: {  	s0 =	sor.u32 s1, s0  }
0xbf: {  	s0 =	sadd.s32 $0x8F2B, s0  }
0xc0: {  	[sflag:s0] =	ssyncadd.remote.s32 $0x1  }
0xc1: {  	_ =	sfence.sel $0xFFFF  }
0xc2: {  	[dreg:$0x0] =	wrdreg $0xFFFFFFFF;
	(pc) =	sbr.abs _section_cstart, $3  }
0xc3: {  	[dreg:$0x1] =	wrdreg $0xFFFFFFFF  }
0xc4: {  	_ =	task.clear_ibuf [dreg:s7], $0x2FFFF;
	_ =	strace $0x9FFFFFFF  }
0xc5: {  	(tm) =	ssettm $0x7FFFFFFF  }
tec
execute0_lowered:
.L_overlay_start_1:
0x0: {  	(tag) =	ssettag $0x1  }
0x1: {  	s0 =	rddreg [dreg:$0x0]  }
0x2: {  	s2 =	rddreg [dreg:$0x1]  }
0x3: {  	s3 =	srdreg.scid;
	s1 =	rddreg [dreg:$0x2]  }
0x4: {  	s14 =	stileid.u32;
	s4 =	rddreg [dreg:$0x4];
	s5 =	simm.s32 $0x0  }
0x5: {  	s16 =	simm.s32 $0x3;
	s19 =	simm.s32 $0x14300;
	s21 =	simm.s32 $0x14080  }
0x6: {  	s22 =	simm.s32 $0x14100;
	s25 =	simm.s32 $0x1;
	s7 =	smul.u32 $0x2800, s14  }
0x7: {  	s28 =	simm.s32 $0x1B780;
	s29 =	simm.s32 $0x2;
	s8 =	smul.u32 $0x280, s14  }
0x8: {  	s10 =	sand.u32 $0x1, s3;
	s3 =	rddreg [dreg:$0x3];
	s15 =	smul.u32 $0x50, s14  }
0x9: {  	[smem:$0x7FF] =	sst s5;
	s9 =	sadd.s32 $0x33600, s0;
	s6 =	smul.u32 $0x28000, s10  }
0xa: {  	v0 =	vlaneseq.u32;
	s17 =	sshll.u32 s14, $0x3;
	s14 =	simm.s32 $0x1B800;
	s18 =	smul.u32 $0x2800, s10  }
0xb: {  	v2 =	vand.u32 $0x7, v0;
	_ =	strace $0x80000047;
	s13 =	ssub.s32 $0x2, s10;
	s30 =	smul.u32 $0x500, s10  }
0xc: {  	v1 =	vmov s17;
	v2 =	vor.u32 s17, v2;
	s17 =	simm.s32 $0x40;
	s26 =	sshrl.u32 s13, $0x1;
	s31 =	sadd.s32 $0x10, s15  }
0xd: {  	s20 =	sadd.s32 $0x20, s15;
	s23 =	sadd.s32 $0x30, s15;
	s24 =	sadd.s32 $0x40, s15;
	v4 =	vor.u32 s15, v0;
	v3 =	vmov s18  }
0xe: {  	s6 =	sadd.s32 s7, s6;
	s7 =	sadd.s32 $0x3D600, s0;
	s18 =	simm.s32 $0x14200;
	v5 =	vor.u32 s31, v0;
	v6 =	vor.u32 s20, v0;
	v7 =	vor.u32 s23, v0  }
0xf: {  	s20 =	simm.s32 $0x14000;
	v8 =	vor.u32 s24, v0;
	v9 =	vadd.s32 s30, v4;
	s23 =	simm.s32 $0x14180;
	s24 =	simm.s32 $0x16300;
	v10 =	vadd.s32 s30, v5  }
0x10: {  	s11 =	sshrl.u32 s6, $0x3;
	s6 =	sadd.s32 $0xC400, s0;
	v11 =	vadd.s32 s30, v6;
	v12 =	vadd.s32 s30, v7;
	v13 =	vadd.s32 s30, v8;
	s30 =	simm.s32 $0x14280  }
0x11: {  	s12 =	sadd.s32 s11, s0;
	s0 =	ssub.s32 s13, s26;
	s11 =	sadd.s32 s11, s2  }
0x12: {  	s13 =	simm.s32 $0x10;
	s26 =	simm.s32 $0x1B700;
	s0 =	smax.u32 s0, $0x1  }
0x13: {  	v14 =	vimm.f32 $0.0e+00;
	v15 =	vimm.f32 $1.000000000e+00;
	s2 =	simm.s32 $0x0;
	s12 =	sadd.s32 $0x2400, s12;
	[dreg:$0x6] =	wrdreg s0  }
.LBB2_1:
0x14: {  	s0 =	simm.s32 $0x0;
	s15 =	simm.s32 $0x200  }
.LBB2_2:
0x15: {  	p0 =	sne.s32 s15, $0x7E00;
	[tilespmem:s0+$0x14370] =	vst v14  }
0x16: {  	[tilespmem:s0+$0x14300] =	vst v14  }
0x17: {  	[tilespmem:s0+$0x14310] =	vst v14  }
.Ltmp0:
0x18: {  	[tilespmem:s0+$0x14320] =	vst v14;
	(pc) =	sbr.rel @p0 .LBB2_2-.Ltmp0, $4  }
0x19: {  	[tilespmem:s0+$0x14330] =	vst v14  }
0x1a: {  	[tilespmem:s0+$0x14340] =	vst v14  }
0x1b: {  	[tilespmem:s0+$0x14350] =	vst v14  }
0x1c: {  	[tilespmem:s0+$0x14360] =	vst v14;
	s0 =	sshra.s32 s15, $0x2;
	s15 =	sadd.s32 $0x200, s15  }
0x1d: {  	[tilespmem:s0+$0x14370] =	vst v14  }
0x1e: {  	[tilespmem:s0+$0x14300] =	vst v14  }
0x1f: {  	[tilespmem:s0+$0x14310] =	vst v14  }
0x20: {  	[tilespmem:s0+$0x14320] =	vst v14  }
0x21: {  	[tilespmem:s0+$0x14330] =	vst v14  }
0x22: {  	[tilespmem:s0+$0x14340] =	vst v14  }
0x23: {  	[tilespmem:s0+$0x14350] =	vst v14  }
0x24: {  	[tilespmem:s0+$0x14360] =	vst v14  }
0x25: {  	[tilespmem:$0x1AF00] =	vst v15  }
0x26: {  	[tilespmem:$0x1AF10] =	vst v14  }
0x27: {  	[tilespmem:$0x1AF20] =	vst v14  }
0x28: {  	[tilespmem:$0x1AF30] =	vst v14  }
0x29: {  	[tilespmem:$0x1AF40] =	vst v14  }
0x2a: {  	[tilespmem:$0x1AF50] =	vst v14  }
0x2b: {  	[tilespmem:$0x1AF60] =	vst v14  }
0x2c: {  	[tilespmem:$0x1AF70] =	vst v14  }
0x2d: {  	[tilespmem:$0x1AF80] =	vst v14  }
0x2e: {  	[tilespmem:$0x1AF90] =	vst v15  }
0x2f: {  	[tilespmem:$0x1AFA0] =	vst v14  }
0x30: {  	[tilespmem:$0x1AFB0] =	vst v14  }
0x31: {  	[tilespmem:$0x1AFC0] =	vst v14  }
0x32: {  	[tilespmem:$0x1AFD0] =	vst v14  }
0x33: {  	[tilespmem:$0x1AFE0] =	vst v14  }
0x34: {  	[tilespmem:$0x1AFF0] =	vst v14  }
0x35: {  	[tilespmem:$0x1B000] =	vst v14  }
0x36: {  	[tilespmem:$0x1B010] =	vst v14  }
0x37: {  	[tilespmem:$0x1B020] =	vst v15  }
0x38: {  	[tilespmem:$0x1B030] =	vst v14  }
0x39: {  	[tilespmem:$0x1B040] =	vst v14  }
0x3a: {  	[tilespmem:$0x1B050] =	vst v14  }
0x3b: {  	[tilespmem:$0x1B060] =	vst v14  }
0x3c: {  	[tilespmem:$0x1B070] =	vst v14  }
0x3d: {  	[tilespmem:$0x1B080] =	vst v14  }
0x3e: {  	[tilespmem:$0x1B090] =	vst v14  }
0x3f: {  	[tilespmem:$0x1B0A0] =	vst v14  }
0x40: {  	[tilespmem:$0x1B0B0] =	vst v15  }
0x41: {  	[tilespmem:$0x1B0C0] =	vst v14  }
0x42: {  	[tilespmem:$0x1B0D0] =	vst v14  }
0x43: {  	[tilespmem:$0x1B0E0] =	vst v14  }
0x44: {  	[tilespmem:$0x1B0F0] =	vst v14  }
0x45: {  	[tilespmem:$0x1B100] =	vst v14  }
0x46: {  	[tilespmem:$0x1B110] =	vst v14  }
0x47: {  	[tilespmem:$0x1B120] =	vst v14  }
0x48: {  	[tilespmem:$0x1B130] =	vst v14  }
0x49: {  	[tilespmem:$0x1B140] =	vst v15  }
0x4a: {  	[tilespmem:$0x1B150] =	vst v14  }
0x4b: {  	[tilespmem:$0x1B160] =	vst v14  }
0x4c: {  	[tilespmem:$0x1B170] =	vst v14  }
0x4d: {  	[tilespmem:$0x1B180] =	vst v14  }
0x4e: {  	[tilespmem:$0x1B190] =	vst v14  }
0x4f: {  	[tilespmem:$0x1B1A0] =	vst v14  }
0x50: {  	[tilespmem:$0x1B1B0] =	vst v14  }
0x51: {  	[tilespmem:$0x1B1C0] =	vst v14  }
0x52: {  	[tilespmem:$0x1B1D0] =	vst v15  }
0x53: {  	[tilespmem:$0x1B1E0] =	vst v14  }
0x54: {  	[tilespmem:$0x1B1F0] =	vst v14  }
0x55: {  	[tilespmem:$0x1B200] =	vst v14  }
0x56: {  	[tilespmem:$0x1B210] =	vst v14  }
0x57: {  	[tilespmem:$0x1B220] =	vst v14  }
0x58: {  	[tilespmem:$0x1B230] =	vst v14  }
0x59: {  	[tilespmem:$0x1B240] =	vst v14  }
0x5a: {  	[tilespmem:$0x1B250] =	vst v14  }
0x5b: {  	[tilespmem:$0x1B260] =	vst v15  }
0x5c: {  	[tilespmem:$0x1B270] =	vst v14  }
0x5d: {  	[tilespmem:$0x1B280] =	vst v14  }
0x5e: {  	[tilespmem:$0x1B290] =	vst v14  }
0x5f: {  	[tilespmem:$0x1B2A0] =	vst v14  }
0x60: {  	[tilespmem:$0x1B2B0] =	vst v14  }
0x61: {  	[tilespmem:$0x1B2C0] =	vst v14  }
0x62: {  	[tilespmem:$0x1B2D0] =	vst v14  }
0x63: {  	[tilespmem:$0x1B2E0] =	vst v14  }
0x64: {  	[tilespmem:$0x1B2F0] =	vst v15  }
0x65: {  	[tilespmem:$0x1B300] =	vst v15  }
0x66: {  	[tilespmem:$0x1B310] =	vst v14  }
0x67: {  	[tilespmem:$0x1B320] =	vst v14  }
0x68: {  	[tilespmem:$0x1B330] =	vst v14  }
0x69: {  	[tilespmem:$0x1B340] =	vst v14  }
0x6a: {  	[tilespmem:$0x1B350] =	vst v14  }
0x6b: {  	[tilespmem:$0x1B360] =	vst v14  }
0x6c: {  	[tilespmem:$0x1B370] =	vst v14  }
0x6d: {  	[tilespmem:$0x1B380] =	vst v14  }
0x6e: {  	[tilespmem:$0x1B390] =	vst v15  }
0x6f: {  	[tilespmem:$0x1B3A0] =	vst v14  }
0x70: {  	[tilespmem:$0x1B3B0] =	vst v14  }
0x71: {  	[tilespmem:$0x1B3C0] =	vst v14  }
0x72: {  	[tilespmem:$0x1B3D0] =	vst v14  }
0x73: {  	[tilespmem:$0x1B3E0] =	vst v14  }
0x74: {  	[tilespmem:$0x1B3F0] =	vst v14  }
0x75: {  	[tilespmem:$0x1B400] =	vst v14  }
0x76: {  	[tilespmem:$0x1B410] =	vst v14  }
0x77: {  	[tilespmem:$0x1B420] =	vst v15  }
0x78: {  	[tilespmem:$0x1B430] =	vst v14  }
0x79: {  	[tilespmem:$0x1B440] =	vst v14  }
0x7a: {  	[tilespmem:$0x1B450] =	vst v14  }
0x7b: {  	[tilespmem:$0x1B460] =	vst v14  }
0x7c: {  	[tilespmem:$0x1B470] =	vst v14  }
0x7d: {  	[tilespmem:$0x1B480] =	vst v14  }
0x7e: {  	[tilespmem:$0x1B490] =	vst v14  }
0x7f: {  	[tilespmem:$0x1B4A0] =	vst v14  }
0x80: {  	[tilespmem:$0x1B4B0] =	vst v15  }
0x81: {  	[tilespmem:$0x1B4C0] =	vst v14  }
0x82: {  	[tilespmem:$0x1B4D0] =	vst v14  }
0x83: {  	[tilespmem:$0x1B4E0] =	vst v14  }
0x84: {  	[tilespmem:$0x1B4F0] =	vst v14  }
0x85: {  	[tilespmem:$0x1B500] =	vst v14  }
0x86: {  	[tilespmem:$0x1B510] =	vst v14  }
0x87: {  	[tilespmem:$0x1B520] =	vst v14  }
0x88: {  	[tilespmem:$0x1B530] =	vst v14  }
0x89: {  	[tilespmem:$0x1B540] =	vst v15  }
0x8a: {  	[tilespmem:$0x1B550] =	vst v14  }
0x8b: {  	[tilespmem:$0x1B560] =	vst v14  }
0x8c: {  	[tilespmem:$0x1B570] =	vst v14  }
0x8d: {  	[tilespmem:$0x1B580] =	vst v14  }
0x8e: {  	[tilespmem:$0x1B590] =	vst v14  }
0x8f: {  	[tilespmem:$0x1B5A0] =	vst v14  }
0x90: {  	[tilespmem:$0x1B5B0] =	vst v14  }
0x91: {  	[tilespmem:$0x1B5C0] =	vst v14  }
0x92: {  	[tilespmem:$0x1B5D0] =	vst v15  }
0x93: {  	[tilespmem:$0x1B5E0] =	vst v14  }
0x94: {  	[tilespmem:$0x1B5F0] =	vst v14  }
0x95: {  	[tilespmem:$0x1B600] =	vst v14  }
0x96: {  	[tilespmem:$0x1B610] =	vst v14  }
0x97: {  	[tilespmem:$0x1B620] =	vst v14  }
0x98: {  	[tilespmem:$0x1B630] =	vst v14  }
0x99: {  	[tilespmem:$0x1B640] =	vst v14  }
0x9a: {  	[tilespmem:$0x1B650] =	vst v14  }
0x9b: {  	[tilespmem:$0x1B660] =	vst v15  }
0x9c: {  	[tilespmem:$0x1B670] =	vst v14  }
0x9d: {  	[tilespmem:$0x1B680] =	vst v14  }
0x9e: {  	[tilespmem:$0x1B690] =	vst v14  }
0x9f: {  	[tilespmem:$0x1B6A0] =	vst v14  }
0xa0: {  	[tilespmem:$0x1B6B0] =	vst v14  }
0xa1: {  	[tilespmem:$0x1B6C0] =	vst v14  }
0xa2: {  	[tilespmem:$0x1B6D0] =	vst v14  }
0xa3: {  	[tilespmem:$0x1B6E0] =	vst v14  }
0xa4: {  	[tilespmem:$0x1B6F0] =	vst v15  }
0xa5: {  	s15 =	simm.s32 $0x1AF00;
	[tilespmem:$0x1B800] =	vst v2  }
0xa6: {  	[spmem:s4] =	stream.indirect.scatter [tilespmem:s15], [sflag:$0x3], $0x80, s14, s13, $0xb8;
	[tilespmem:$0x1B900] =	vst v63  }
0xa7: {  	_ =	swait.ge [sflag:s16], $0x800  }
0xa8: {  	s31 =	sadd.s32 $0x0, s8;
	[sflag:s16] =	ssyncset.done $0x0  }
0xa9: {  	v16 =	vor.u32 s31, v0;
	s15 =	sadd.s32 $0x30, s31;
	[sflag:s16] =	ssyncadd.s32 $0xFFFFF800  }
0xaa: {  	s10 =	sadd.s32 $0x20, s31;
	v17 =	vor.u32 s15, v0;
	[tilespmem:$0x14200] =	vst v16  }
0xab: {  	s0 =	simm.s32 $0x40;
	s15 =	sadd.s32 $0x10, s31;
	v16 =	vor.u32 s10, v0;
	[tilespmem:$0x14230] =	vst v17  }
.LBB2_4:
0xac: {  	p0 =	sne.s32 s0, $0x240;
	v17 =	vor.u32 s15, v0;
	[tilespmem:$0x14220] =	vst v16  }
0xad: {  	[tilespmem:$0x14210] =	vst v17;
	[spmem:s1] =	stream.indirect.scatter [tilespmem:s19], [sflag:$0x3], $0x80, s18, s17, $0xb8  }
.Ltmp1:
0xae: {  	_ =	swait.ge [sflag:s16], $0x2000;
	(pc) =	sbr.rel @p0 .LBB2_4-.Ltmp1, $4  }
0xaf: {  	s10 =	sadd.s32 s0, s8;
	[sflag:s16] =	ssyncset.done $0x0  }
0xb0: {  	v16 =	vor.u32 s10, v0;
	s15 =	sadd.s32 $0x30, s10;
	[sflag:s16] =	ssyncadd.s32 $0xFFFFE000  }
0xb1: {  	s31 =	sadd.s32 $0x20, s10;
	v17 =	vor.u32 s15, v0;
	[tilespmem:$0x14200] =	vst v16  }
0xb2: {  	s0 =	sadd.s32 $0x40, s0;
	s15 =	sadd.s32 $0x10, s10;
	v16 =	vor.u32 s31, v0;
	[tilespmem:$0x14230] =	vst v17  }
0xb3: {  	v17 =	vor.u32 s15, v0;
	[tilespmem:$0x14220] =	vst v16  }
0xb4: {  	[tilespmem:$0x14210] =	vst v17  }
0xb5: {  	[spmem:s1] =	stream.indirect.scatter [tilespmem:s19], [sflag:$0x3], $0x80, s18, s17, $0xb8;
	[tilespmem:$0x1B900] =	vst v63  }
0xb6: {  	_ =	swait.ge [sflag:s16], $0x2000  }
0xb7: {  	[sflag:s16] =	ssyncset.done $0x0  }
0xb8: {  	[sflag:s16] =	ssyncadd.s32 $0xFFFFE000  }
0xb9: {  	[tilespmem:$0x1B800] =	vst v4  }
0xba: {  	[spmem:s3] =	stream.indirect.scatter [tilespmem:s19], [sflag:$0x3], $0x80, s14, s13, $0xb8;
	[tilespmem:$0x1B900] =	vst v63  }
0xbb: {  	_ =	swait.ge [sflag:s16], $0x800  }
0xbc: {  	[sflag:s16] =	ssyncset.done $0x0  }
0xbd: {  	[sflag:s16] =	ssyncadd.s32 $0xFFFFF800  }
0xbe: {  	[tilespmem:$0x1B800] =	vst v5  }
0xbf: {  	[spmem:s3] =	stream.indirect.scatter [tilespmem:s19], [sflag:$0x3], $0x80, s14, s13, $0xb8;
	[tilespmem:$0x1B900] =	vst v63  }
0xc0: {  	_ =	swait.ge [sflag:s16], $0x800  }
0xc1: {  	[sflag:s16] =	ssyncset.done $0x0  }
0xc2: {  	[sflag:s16] =	ssyncadd.s32 $0xFFFFF800  }
0xc3: {  	[tilespmem:$0x1B800] =	vst v6  }
0xc4: {  	[spmem:s3] =	stream.indirect.scatter [tilespmem:s19], [sflag:$0x3], $0x80, s14, s13, $0xb8;
	[tilespmem:$0x1B900] =	vst v63  }
0xc5: {  	_ =	swait.ge [sflag:s16], $0x800  }
0xc6: {  	[sflag:s16] =	ssyncset.done $0x0  }
0xc7: {  	[sflag:s16] =	ssyncadd.s32 $0xFFFFF800  }
0xc8: {  	[tilespmem:$0x1B800] =	vst v7  }
0xc9: {  	[spmem:s3] =	stream.indirect.scatter [tilespmem:s19], [sflag:$0x3], $0x80, s14, s13, $0xb8;
	[tilespmem:$0x1B900] =	vst v63  }
0xca: {  	_ =	swait.ge [sflag:s16], $0x800  }
0xcb: {  	[sflag:s16] =	ssyncset.done $0x0  }
0xcc: {  	[sflag:s16] =	ssyncadd.s32 $0xFFFFF800  }
0xcd: {  	[tilespmem:$0x1B800] =	vst v8  }
0xce: {  	[spmem:s3] =	stream.indirect.scatter [tilespmem:s19], [sflag:$0x3], $0x80, s14, s13, $0xb8;
	[tilespmem:$0x1B900] =	vst v63  }
0xcf: {  	_ =	swait.ge [sflag:s16], $0x800  }
0xd0: {  	[sflag:s16] =	ssyncset.done $0x0  }
0xd1: {  	[sflag:s16] =	ssyncadd.s32 $0xFFFFF800  }
0xd2: {  	s0 =	sadd.s32 $0x0, s11;
	[bflag:$0x0] =	sbarrier.arrive $0xFFFF  }
0xd3: {  	[tilespmem:s20], [sflag:$0x3] =	stream.linear.gather [hbm4b:s0+s5], $0x40, $0x38;
	[tilespmem:$0x1B900] =	vst v63  }
0xd4: {  	_ =	swait.ge [sflag:s16], $0x40  }
0xd5: {  	[sflag:s16] =	ssyncset.done $0x0  }
0xd6: {  	s10 =	sadd.s32 $0x0, s12;
	[sflag:s16] =	ssyncadd.s32 $0xFFFFFFC0  }
0xd7: {  	[tilespmem:s21], [sflag:$0x3] =	stream.linear.gather [hbm4b:s10+s5], $0x40, $0x38;
	[tilespmem:$0x1B900] =	vst v63  }
0xd8: {  	_ =	swait.ge [sflag:s16], $0x40  }
0xd9: {  	[sflag:s16] =	ssyncset.done $0x0  }
0xda: {  	[sflag:s16] =	ssyncadd.s32 $0xFFFFFFC0  }
0xdb: {  	[tilespmem:s19], [sflag:$0x1] =	stream.indirect.gather [hbm4b:s6+s17], $0x80, s20, s17, $0xb8;
	[tilespmem:$0x1B900] =	vst v63  }
0xdc: {  	s0 =	sadd.s32 $0x8, s0  }
0xdd: {  	[tilespmem:s22], [sflag:$0x3] =	stream.linear.gather [hbm4b:s0+s5], $0x40, $0x38;
	[tilespmem:$0x1B900] =	vst v63  }
0xde: {  	_ =	swait.ge [sflag:s16], $0x40  }
0xdf: {  	[sflag:s16] =	ssyncset.done $0x0  }
0xe0: {  	s31 =	sadd.s32 $0x8, s10;
	[sflag:s16] =	ssyncadd.s32 $0xFFFFFFC0  }
0xe1: {  	[tilespmem:s23], [sflag:$0x3] =	stream.linear.gather [hbm4b:s31+s5], $0x40, $0x38;
	[tilespmem:$0x1B900] =	vst v63  }
0xe2: {  	_ =	swait.ge [sflag:s16], $0x40  }
0xe3: {  	[sflag:s16] =	ssyncset.done $0x0  }
0xe4: {  	[sflag:s16] =	ssyncadd.s32 $0xFFFFFFC0  }
0xe5: {  	[tilespmem:s24], [sflag:$0x2] =	stream.indirect.gather [hbm4b:s6+s17], $0x80, s22, s17, $0xb8;
	[tilespmem:$0x1B900] =	vst v63  }
0xe6: {  	_ =	swait.ge [sflag:s25], $0x2000  }
0xe7: {  	[sflag:s25] =	ssyncset.done $0x0  }
0xe8: {  	[sflag:s25] =	ssyncadd.s32 $0xFFFFE000  }
0xe9: {  	[spmem:s1] =	stream.indirect.scatter.add.f32 [tilespmem:s19], [sflag:$0x3], $0x80, s21, s17, $0xb8;
	[tilespmem:$0x1B900] =	vst v63  }
0xea: {  	_ =	swait.ge [sflag:s16], $0x2000  }
0xeb: {  	[sflag:s16] =	ssyncset.done $0x0  }
0xec: {  	[sflag:s16] =	ssyncadd.s32 $0xFFFFE000  }
0xed: {  	v16 =	vld [tilespmem:$0x140B0]  }
0xee: {  	v17 =	vld [tilespmem:$0x140A0];
	_ =	sdelay $0x1  }
0xef: {  	v18 =	vld [tilespmem:$0x14090];
	_ =	sdelay $0x1  }
0xf0: {  	v19 =	vld [tilespmem:$0x14080];
	v20 =	vshrl.u32 v16, $0x3  }
0xf1: {  	v21 =	vshrl.u32 v17, $0x3;
	v17 =	vand.u32 $0x7, v17;
	[tilespmem:$0x1B7B0] =	vst v20  }
0xf2: {  	[tilespmem:$0x1B7A0] =	vst v21;
	v17 =	vor.u32 v1, v17  }
0xf3: {  	v16 =	vand.u32 $0x7, v16;
	v20 =	vand.u32 $0x7, v18;
	v18 =	vshrl.u32 v18, $0x3;
	[tilespmem:$0x1B720] =	vst v17  }
0xf4: {  	v16 =	vor.u32 v1, v16;
	[tilespmem:$0x1B790] =	vst v18  }
0xf5: {  	v17 =	vshrl.u32 v19, $0x3;
	[tilespmem:$0x1B730] =	vst v16  }
0xf6: {  	v20 =	vor.u32 v1, v20;
	[tilespmem:$0x1B780] =	vst v17;
	v17 =	vand.u32 $0x7, v19  }
0xf7: {  	[tilespmem:$0x1B710] =	vst v20;
	v17 =	vor.u32 v1, v17  }
0xf8: {  	[tilespmem:$0x1B700] =	vst v17  }
0xf9: {  	[tilespmem:s19], [sflag:$0x1] =	stream.indirect.gather [spmem:s4], $0x80, s26, s17, $0xb8;
	[tilespmem:$0x1B900] =	vst v63  }
0xfa: {  	_ =	swait.ge [sflag:s25], $0x2000  }
0xfb: {  	[sflag:s25] =	ssyncset.done $0x0  }
0xfc: {  	[sflag:s25] =	ssyncadd.s32 $0xFFFFE000  }
0xfd: {  	[spmem:s3] =	stream.indirect.scatter.add.f32 [tilespmem:s19], [sflag:$0x3], $0x80, s28, s17, $0xb8;
	[tilespmem:$0x1B900] =	vst v63  }
0xfe: {  	_ =	swait.ge [sflag:s16], $0x2000  }
0xff: {  	[sflag:s16] =	ssyncset.done $0x0  }
0x100: {  	[sflag:s16] =	ssyncadd.s32 $0xFFFFE000  }
0x101: {  	_ =	swait.ge [sflag:s29], $0x2000  }
0x102: {  	[sflag:s29] =	ssyncset.done $0x0  }
0x103: {  	[sflag:s29] =	ssyncadd.s32 $0xFFFFE000  }
0x104: {  	[spmem:s1] =	stream.indirect.scatter.add.f32 [tilespmem:s24], [sflag:$0x3], $0x80, s23, s17, $0xb8;
	[tilespmem:$0x1B900] =	vst v63  }
0x105: {  	_ =	swait.ge [sflag:s16], $0x2000  }
0x106: {  	[sflag:s16] =	ssyncset.done $0x0  }
0x107: {  	[sflag:s16] =	ssyncadd.s32 $0xFFFFE000  }
0x108: {  	v16 =	vld [tilespmem:$0x14180]  }
0x109: {  	v17 =	vld [tilespmem:$0x14190]  }
0x10a: {  	v19 =	vld [tilespmem:$0x141A0]  }
0x10b: {  	v20 =	vld [tilespmem:$0x141B0];
	_ =	sdelay $0x1  }
0x10c: {  	v18 =	vshrl.u32 v16, $0x3;
	v16 =	vand.u32 $0x7, v16  }
0x10d: {  	[tilespmem:$0x1B780] =	vst v18;
	v16 =	vor.u32 v1, v16;
	v18 =	vshrl.u32 v17, $0x3;
	v17 =	vand.u32 $0x7, v17  }
0x10e: {  	[tilespmem:$0x1B790] =	vst v18;
	v17 =	vor.u32 v1, v17;
	v18 =	vshrl.u32 v19, $0x3;
	v19 =	vand.u32 $0x7, v19  }
0x10f: {  	s0 =	simm.s32 $0x10;
	[tilespmem:$0x1B710] =	vst v17;
	v17 =	vor.u32 v1, v19;
	v19 =	vshrl.u32 v20, $0x3;
	v20 =	vand.u32 $0x7, v20  }
.LBB2_6:
0x110: {  	p0 =	sne.s32 s0, $0x4F0;
	[tilespmem:$0x1B700] =	vst v16;
	v16 =	vor.u32 v1, v20;
	s10 =	smov.u32 s0;
	s0 =	sadd.s32 $0x10, s0  }
0x111: {  	[tilespmem:$0x1B7A0] =	vst v18  }
0x112: {  	[tilespmem:$0x1B730] =	vst v16  }
0x113: {  	[tilespmem:$0x1B7B0] =	vst v19  }
0x114: {  	[tilespmem:$0x1B720] =	vst v17  }
0x115: {  	[tilespmem:s24], [sflag:$0x2] =	stream.indirect.gather [spmem:s4], $0x80, s26, s17, $0xb8;
	[tilespmem:$0x1B900] =	vst v63  }
0x116: {  	_ =	swait.ge [sflag:s29], $0x2000  }
0x117: {  	[sflag:s29] =	ssyncset.done $0x0  }
0x118: {  	[sflag:s29] =	ssyncadd.s32 $0xFFFFE000  }
0x119: {  	[spmem:s3] =	stream.indirect.scatter.add.f32 [tilespmem:s24], [sflag:$0x3], $0x80, s28, s17, $0xb8;
	[tilespmem:$0x1B900] =	vst v63  }
0x11a: {  	_ =	swait.ge [sflag:s16], $0x2000  }
0x11b: {  	[sflag:s16] =	ssyncset.done $0x0  }
0x11c: {  	s15 =	sadd.s32 s10, s11;
	[sflag:s16] =	ssyncadd.s32 $0xFFFFE000  }
0x11d: {  	[tilespmem:s20], [sflag:$0x3] =	stream.linear.gather [hbm4b:s15+s5], $0x40, $0x38;
	[tilespmem:$0x1B900] =	vst v63  }
0x11e: {  	_ =	swait.ge [sflag:s16], $0x40  }
0x11f: {  	[sflag:s16] =	ssyncset.done $0x0  }
0x120: {  	s10 =	sadd.s32 s10, s12;
	[sflag:s16] =	ssyncadd.s32 $0xFFFFFFC0  }
0x121: {  	[tilespmem:s21], [sflag:$0x3] =	stream.linear.gather [hbm4b:s10+s5], $0x40, $0x38;
	[tilespmem:$0x1B900] =	vst v63  }
0x122: {  	_ =	swait.ge [sflag:s16], $0x40  }
0x123: {  	[sflag:s16] =	ssyncset.done $0x0  }
0x124: {  	[sflag:s16] =	ssyncadd.s32 $0xFFFFFFC0  }
0x125: {  	[tilespmem:s19], [sflag:$0x1] =	stream.indirect.gather [hbm4b:s6+s17], $0x80, s20, s17, $0xb8;
	[tilespmem:$0x1B900] =	vst v63  }
0x126: {  	s15 =	sadd.s32 $0x8, s15  }
0x127: {  	[tilespmem:s22], [sflag:$0x3] =	stream.linear.gather [hbm4b:s15+s5], $0x40, $0x38;
	[tilespmem:$0x1B900] =	vst v63  }
0x128: {  	_ =	swait.ge [sflag:s16], $0x40  }
0x129: {  	[sflag:s16] =	ssyncset.done $0x0  }
0x12a: {  	s10 =	sadd.s32 $0x8, s10;
	[sflag:s16] =	ssyncadd.s32 $0xFFFFFFC0  }
0x12b: {  	[tilespmem:s23], [sflag:$0x3] =	stream.linear.gather [hbm4b:s10+s5], $0x40, $0x38;
	[tilespmem:$0x1B900] =	vst v63  }
0x12c: {  	_ =	swait.ge [sflag:s16], $0x40  }
0x12d: {  	[sflag:s16] =	ssyncset.done $0x0  }
0x12e: {  	[sflag:s16] =	ssyncadd.s32 $0xFFFFFFC0  }
0x12f: {  	[tilespmem:s24], [sflag:$0x2] =	stream.indirect.gather [hbm4b:s6+s17], $0x80, s22, s17, $0xb8;
	[tilespmem:$0x1B900] =	vst v63  }
0x130: {  	_ =	swait.ge [sflag:s25], $0x2000  }
0x131: {  	[sflag:s25] =	ssyncset.done $0x0  }
0x132: {  	[sflag:s25] =	ssyncadd.s32 $0xFFFFE000  }
0x133: {  	[spmem:s1] =	stream.indirect.scatter.add.f32 [tilespmem:s19], [sflag:$0x3], $0x80, s21, s17, $0xb8;
	[tilespmem:$0x1B900] =	vst v63  }
0x134: {  	_ =	swait.ge [sflag:s16], $0x2000  }
0x135: {  	[sflag:s16] =	ssyncset.done $0x0  }
0x136: {  	[sflag:s16] =	ssyncadd.s32 $0xFFFFE000  }
0x137: {  	v16 =	vld [tilespmem:$0x140B0]  }
0x138: {  	v17 =	vld [tilespmem:$0x140A0]  }
0x139: {  	v18 =	vld [tilespmem:$0x14090]  }
0x13a: {  	v19 =	vld [tilespmem:$0x14080];
	_ =	sdelay $0x1  }
0x13b: {  	v20 =	vshrl.u32 v16, $0x3;
	v16 =	vand.u32 $0x7, v16  }
0x13c: {  	v21 =	vshrl.u32 v17, $0x3;
	v17 =	vand.u32 $0x7, v17;
	[tilespmem:$0x1B7B0] =	vst v20  }
0x13d: {  	v16 =	vor.u32 v1, v16;
	v20 =	vand.u32 $0x7, v18;
	[tilespmem:$0x1B7A0] =	vst v21;
	v17 =	vor.u32 v1, v17  }
0x13e: {  	v18 =	vshrl.u32 v18, $0x3;
	v21 =	vand.u32 $0x7, v19;
	v20 =	vor.u32 v1, v20;
	[tilespmem:$0x1B720] =	vst v17  }
0x13f: {  	v17 =	vshrl.u32 v19, $0x3;
	v19 =	vor.u32 v1, v21;
	[tilespmem:$0x1B710] =	vst v20  }
0x140: {  	[tilespmem:$0x1B780] =	vst v17  }
0x141: {  	[tilespmem:$0x1B790] =	vst v18  }
0x142: {  	[tilespmem:$0x1B730] =	vst v16  }
0x143: {  	[tilespmem:$0x1B700] =	vst v19  }
0x144: {  	[tilespmem:s19], [sflag:$0x1] =	stream.indirect.gather [spmem:s4], $0x80, s26, s17, $0xb8;
	[tilespmem:$0x1B900] =	vst v63  }
0x145: {  	_ =	swait.ge [sflag:s25], $0x2000  }
0x146: {  	[sflag:s25] =	ssyncset.done $0x0  }
0x147: {  	[sflag:s25] =	ssyncadd.s32 $0xFFFFE000  }
0x148: {  	[spmem:s3] =	stream.indirect.scatter.add.f32 [tilespmem:s19], [sflag:$0x3], $0x80, s28, s17, $0xb8;
	[tilespmem:$0x1B900] =	vst v63  }
0x149: {  	_ =	swait.ge [sflag:s16], $0x2000  }
0x14a: {  	[sflag:s16] =	ssyncset.done $0x0  }
0x14b: {  	[sflag:s16] =	ssyncadd.s32 $0xFFFFE000  }
0x14c: {  	_ =	swait.ge [sflag:s29], $0x2000  }
0x14d: {  	[sflag:s29] =	ssyncset.done $0x0  }
0x14e: {  	[sflag:s29] =	ssyncadd.s32 $0xFFFFE000  }
0x14f: {  	[spmem:s1] =	stream.indirect.scatter.add.f32 [tilespmem:s24], [sflag:$0x3], $0x80, s23, s17, $0xb8;
	[tilespmem:$0x1B900] =	vst v63  }
0x150: {  	_ =	swait.ge [sflag:s16], $0x2000  }
0x151: {  	[sflag:s16] =	ssyncset.done $0x0  }
0x152: {  	[sflag:s16] =	ssyncadd.s32 $0xFFFFE000  }
0x153: {  	v16 =	vld [tilespmem:$0x14180]  }
0x154: {  	v17 =	vld [tilespmem:$0x14190]  }
0x155: {  	v19 =	vld [tilespmem:$0x141A0]  }
0x156: {  	v20 =	vld [tilespmem:$0x141B0]  }
.Ltmp2:
0x157: {  	(pc) =	sbr.rel @p0 .LBB2_6-.Ltmp2, $4  }
0x158: {  	v18 =	vshrl.u32 v16, $0x3;
	v16 =	vand.u32 $0x7, v16  }
0x159: {  	[tilespmem:$0x1B780] =	vst v18;
	v16 =	vor.u32 v1, v16;
	v18 =	vshrl.u32 v17, $0x3;
	v17 =	vand.u32 $0x7, v17  }
0x15a: {  	[tilespmem:$0x1B790] =	vst v18;
	v17 =	vor.u32 v1, v17;
	v18 =	vshrl.u32 v19, $0x3;
	v19 =	vand.u32 $0x7, v19  }
0x15b: {  	[tilespmem:$0x1B710] =	vst v17;
	v17 =	vor.u32 v1, v19;
	v19 =	vshrl.u32 v20, $0x3;
	v20 =	vand.u32 $0x7, v20  }
0x15c: {  	[tilespmem:$0x1B700] =	vst v16  }
0x15d: {  	[tilespmem:$0x1B7A0] =	vst v18  }
0x15e: {  	[tilespmem:$0x1B7B0] =	vst v19  }
0x15f: {  	v16 =	vor.u32 v1, v20;
	[tilespmem:$0x1B720] =	vst v17  }
0x160: {  	[tilespmem:$0x1B730] =	vst v16  }
0x161: {  	[tilespmem:s24], [sflag:$0x2] =	stream.indirect.gather [spmem:s4], $0x80, s26, s17, $0xb8;
	[tilespmem:$0x1B900] =	vst v63  }
0x162: {  	_ =	swait.ge [sflag:s29], $0x2000  }
0x163: {  	[sflag:s29] =	ssyncset.done $0x0  }
0x164: {  	[sflag:s29] =	ssyncadd.s32 $0xFFFFE000  }
0x165: {  	[spmem:s3] =	stream.indirect.scatter.add.f32 [tilespmem:s24], [sflag:$0x3], $0x80, s28, s17, $0xb8;
	[tilespmem:$0x1B900] =	vst v63  }
0x166: {  	_ =	swait.ge [sflag:s16], $0x2000  }
0x167: {  	[sflag:s16] =	ssyncset.done $0x0  }
0x168: {  	s0 =	sadd.s32 $0x0, s8;
	[sflag:s16] =	ssyncadd.s32 $0xFFFFE000  }
0x169: {  	v16 =	vor.u32 s0, v0;
	s10 =	sadd.s32 $0x30, s0;
	[bflag:$0x0] =	sbarrier.arrive $0xFFFF  }
0x16a: {  	s15 =	sadd.s32 $0x20, s0;
	v17 =	vor.u32 s10, v0;
	[tilespmem:$0x14200] =	vst v16  }
0x16b: {  	s0 =	sadd.s32 $0x10, s0;
	v62 =	vor.u32 s15, v0;
	[tilespmem:$0x14230] =	vst v17  }
0x16c: {  	v63 =	vor.u32 s0, v0;
	[tilespmem:$0x14220] =	vst v62  }
0x16d: {  	v17 =	vadd.s32 v3, v17;
	[tilespmem:$0x14210] =	vst v63  }
0x16e: {  	v16 =	vadd.s32 v3, v16;
	[tilespmem:$0x142B0] =	vst v17  }
0x16f: {  	v17 =	vadd.s32 v3, v63;
	[tilespmem:$0x14280] =	vst v16  }
0x170: {  	v16 =	vadd.s32 v3, v62;
	[tilespmem:$0x14290] =	vst v17  }
0x171: {  	s0 =	simm.s32 $0x40;
	[tilespmem:$0x142A0] =	vst v16  }
0x172: {  	[tilespmem:s19], [sflag:$0x1] =	stream.indirect.gather [spmem:s1], $0x80, s18, s17, $0xb8;
	[tilespmem:$0x1B900] =	vst v63  }
.LBB2_8:
0x173: {  	p0 =	sne.s32 s0, $0x240  }
0x174: {  	_ =	swait.ge [sflag:s25], $0x2000;
	s10 =	smov.u32 s0;
	s0 =	sadd.s32 $0x40, s0  }
0x175: {  	[sflag:s25] =	ssyncset.done $0x0  }
0x176: {  	[sflag:s25] =	ssyncadd.s32 $0xFFFFE000  }
0x177: {  	[hbm4b:s7+s17] =	stream.indirect.scatter [tilespmem:s19], [sflag:$0x3], $0x80, s30, s17, $0xb8;
	[tilespmem:$0x1B900] =	vst v63  }
0x178: {  	s10 =	sadd.s32 s10, s8;
	_ =	swait.ge [sflag:s16], $0x2000  }
0x179: {  	v16 =	vor.u32 s10, v0;
	s15 =	sadd.s32 $0x10, s10;
	s31 =	sadd.s32 $0x20, s10;
	[sflag:s16] =	ssyncset.done $0x0  }
0x17a: {  	s10 =	sadd.s32 $0x30, s10;
	v17 =	vor.u32 s15, v0;
	v18 =	vor.u32 s31, v0;
	[sflag:s16] =	ssyncadd.s32 $0xFFFFE000  }
0x17b: {  	v21 =	vor.u32 s10, v0;
	v19 =	vadd.s32 v3, v17;
	v20 =	vadd.s32 v3, v18;
	[tilespmem:$0x14200] =	vst v16  }
0x17c: {  	v16 =	vadd.s32 v3, v16;
	[tilespmem:$0x14230] =	vst v21;
	v21 =	vadd.s32 v3, v21  }
0x17d: {  	[tilespmem:$0x14220] =	vst v18  }
0x17e: {  	[tilespmem:$0x14210] =	vst v17  }
.Ltmp3:
0x17f: {  	[tilespmem:$0x142B0] =	vst v21;
	(pc) =	sbr.rel @p0 .LBB2_8-.Ltmp3, $4  }
0x180: {  	[tilespmem:$0x14280] =	vst v16  }
0x181: {  	[tilespmem:$0x14290] =	vst v19  }
0x182: {  	[tilespmem:$0x142A0] =	vst v20  }
0x183: {  	[tilespmem:s19], [sflag:$0x1] =	stream.indirect.gather [spmem:s1], $0x80, s18, s17, $0xb8;
	[tilespmem:$0x1B900] =	vst v63  }
0x184: {  	_ =	swait.ge [sflag:s25], $0x2000  }
0x185: {  	[sflag:s25] =	ssyncset.done $0x0  }
0x186: {  	[sflag:s25] =	ssyncadd.s32 $0xFFFFE000  }
0x187: {  	[hbm4b:s7+s17] =	stream.indirect.scatter [tilespmem:s19], [sflag:$0x3], $0x80, s30, s17, $0xb8;
	[tilespmem:$0x1B900] =	vst v63  }
0x188: {  	_ =	swait.ge [sflag:s16], $0x2000  }
0x189: {  	[sflag:s16] =	ssyncset.done $0x0  }
0x18a: {  	[sflag:s16] =	ssyncadd.s32 $0xFFFFE000  }
0x18b: {  	[tilespmem:$0x1B800] =	vst v4  }
0x18c: {  	[tilespmem:$0x1B880] =	vst v9  }
0x18d: {  	[tilespmem:s19], [sflag:$0x1] =	stream.indirect.gather [spmem:s3], $0x80, s14, s13, $0xb8;
	[tilespmem:$0x1B900] =	vst v63  }
0x18e: {  	_ =	swait.ge [sflag:s25], $0x800  }
0x18f: {  	[sflag:s25] =	ssyncset.done $0x0  }
0x190: {  	s0 =	simm.s32 $0x1B880;
	[sflag:s25] =	ssyncadd.s32 $0xFFFFF800  }
0x191: {  	[hbm4b:s9+s13] =	stream.indirect.scatter [tilespmem:s19], [sflag:$0x3], $0x80, s0, s13, $0xb8;
	[tilespmem:$0x1B900] =	vst v63  }
0x192: {  	_ =	swait.ge [sflag:s16], $0x800  }
0x193: {  	[sflag:s16] =	ssyncset.done $0x0  }
0x194: {  	[sflag:s16] =	ssyncadd.s32 $0xFFFFF800  }
0x195: {  	[tilespmem:$0x1B800] =	vst v5  }
0x196: {  	[tilespmem:$0x1B880] =	vst v10  }
0x197: {  	[tilespmem:s19], [sflag:$0x1] =	stream.indirect.gather [spmem:s3], $0x80, s14, s13, $0xb8;
	[tilespmem:$0x1B900] =	vst v63  }
0x198: {  	_ =	swait.ge [sflag:s25], $0x800  }
0x199: {  	[sflag:s25] =	ssyncset.done $0x0  }
0x19a: {  	[sflag:s25] =	ssyncadd.s32 $0xFFFFF800  }
0x19b: {  	[hbm4b:s9+s13] =	stream.indirect.scatter [tilespmem:s19], [sflag:$0x3], $0x80, s0, s13, $0xb8;
	[tilespmem:$0x1B900] =	vst v63  }
0x19c: {  	_ =	swait.ge [sflag:s16], $0x800  }
0x19d: {  	[sflag:s16] =	ssyncset.done $0x0  }
0x19e: {  	[sflag:s16] =	ssyncadd.s32 $0xFFFFF800  }
0x19f: {  	[tilespmem:$0x1B800] =	vst v6  }
0x1a0: {  	[tilespmem:$0x1B880] =	vst v11  }
0x1a1: {  	[tilespmem:s19], [sflag:$0x1] =	stream.indirect.gather [spmem:s3], $0x80, s14, s13, $0xb8;
	[tilespmem:$0x1B900] =	vst v63  }
0x1a2: {  	_ =	swait.ge [sflag:s25], $0x800  }
0x1a3: {  	[sflag:s25] =	ssyncset.done $0x0  }
0x1a4: {  	[sflag:s25] =	ssyncadd.s32 $0xFFFFF800  }
0x1a5: {  	[hbm4b:s9+s13] =	stream.indirect.scatter [tilespmem:s19], [sflag:$0x3], $0x80, s0, s13, $0xb8;
	[tilespmem:$0x1B900] =	vst v63  }
0x1a6: {  	_ =	swait.ge [sflag:s16], $0x800  }
0x1a7: {  	[sflag:s16] =	ssyncset.done $0x0  }
0x1a8: {  	[sflag:s16] =	ssyncadd.s32 $0xFFFFF800  }
0x1a9: {  	[tilespmem:$0x1B800] =	vst v7  }
0x1aa: {  	[tilespmem:$0x1B880] =	vst v12  }
0x1ab: {  	[tilespmem:s19], [sflag:$0x1] =	stream.indirect.gather [spmem:s3], $0x80, s14, s13, $0xb8;
	[tilespmem:$0x1B900] =	vst v63  }
0x1ac: {  	_ =	swait.ge [sflag:s25], $0x800  }
0x1ad: {  	[sflag:s25] =	ssyncset.done $0x0  }
0x1ae: {  	[sflag:s25] =	ssyncadd.s32 $0xFFFFF800  }
0x1af: {  	[hbm4b:s9+s13] =	stream.indirect.scatter [tilespmem:s19], [sflag:$0x3], $0x80, s0, s13, $0xb8;
	[tilespmem:$0x1B900] =	vst v63  }
0x1b0: {  	_ =	swait.ge [sflag:s16], $0x800  }
0x1b1: {  	[sflag:s16] =	ssyncset.done $0x0  }
0x1b2: {  	[sflag:s16] =	ssyncadd.s32 $0xFFFFF800  }
0x1b3: {  	[tilespmem:$0x1B800] =	vst v8  }
0x1b4: {  	[tilespmem:$0x1B880] =	vst v13  }
0x1b5: {  	[tilespmem:s19], [sflag:$0x1] =	stream.indirect.gather [spmem:s3], $0x80, s14, s13, $0xb8;
	[tilespmem:$0x1B900] =	vst v63  }
0x1b6: {  	_ =	swait.ge [sflag:s25], $0x800  }
0x1b7: {  	[sflag:s25] =	ssyncset.done $0x0  }
0x1b8: {  	[sflag:s25] =	ssyncadd.s32 $0xFFFFF800  }
0x1b9: {  	[hbm4b:s9+s13] =	stream.indirect.scatter [tilespmem:s19], [sflag:$0x3], $0x80, s0, s13, $0xb8;
	[tilespmem:$0x1B900] =	vst v63  }
0x1ba: {  	_ =	swait.ge [sflag:s16], $0x800  }
0x1bb: {  	s2 =	sadd.s32 $0x1, s2;
	s31 =	rddreg [dreg:$0x6]  }
0x1bc: {  	p0 =	sne.s32 s2, s31  }
.Ltmp4:
0x1bd: {  	_ = 	snop;
	(pc) =	sbr.rel @p0 .LBB2_1-.Ltmp4, $3  }
0x1be: {  	_ =	sdelay $0x1  }
0x1bf: {  	[sflag:s16] =	ssyncset.done $0x0  }
0x1c0: {  	[sflag:s16] =	ssyncadd.s32 $0xFFFFF800  }
0x1c1: {  	_ =	sfence.sel $0x180000  }
0x1c2: {  	[bflag:$0x0] =	sbarrier.arrive $0xFFFF  }
0x1c3: {  	_ =	strace $0x90000047  }
0x1c4: {  	s0 =	stileid.u32;
	[bflag:$0x2] =	sbarrier.arrive $0xFFFF  }
0x1c5: {  	p0 =	sne.s32 s0, $0x0;
	s0 =	rddreg [dreg:$0x5]  }
0x1c6: {  	s0 =	sadd.s32 @!p0 $0x100000, s0  }
0x1c7: {  	[sflag:s0] =	ssyncadd.tile.s32 @!p0 $0x1;
	_ =	shalt  }
.Lfunc_end2:
_tile_overlayer_lowered:
.L_overlay_start_2:
0x1c8: {  	(tag) =	ssettag $0x2  }
0x1c9: {  	s0 =	rddreg [dreg:$0x0];
	s2 =	stileid.u32  }
0x1ca: {  	s1 =	rddreg [dreg:$0x1];
	p0 =	sne.s32 s2, $0x0  }
0x1cb: {  	s3 =	rddreg [dreg:$0x2];
	[bflag:$0x3] =	sbarrier.arrive $0xFFFF;
	s2 =	simm.s32 @!p0 $0x1C03  }
0x1cc: {  	[timem:s3], [sflag:s2] =	dma.local @!p0 [hbm:s0], s1  }
0x1cd: {  	s0 =	simm.s32 @!p0 $0x3  }
0x1ce: {  	_ =	swait.ge @!p0 [sflag:s0], s1  }
0x1cf: {  	s1 =	ssub.s32 @!p0 $0x0, s1;
	[sflag:s0] =	ssyncset.done @!p0 $0x0  }
0x1d0: {  	[sflag:s0] =	ssyncadd.s32 @!p0 s1  }
0x1d1: {  	[bflag:$0x3] =	sbarrier.arrive $0xFFFF  }
0x1d2: {  	_ =	shalt  }

</sc_bundles>
